<compile_context>
chip_gen: v7x
topology: tpu7x:2x2x1
jax: 0.10.2.dev20260603
libtpu: 0.0.44.dev20260713+nightly
codegen_flags: <defaults>
</compile_context>

<pallas_src>
import functools

import jax
import jax.numpy as jnp
from jax import lax
from jax.experimental import pallas as pl
from jax.experimental.pallas import tpu as pltpu
from jax.experimental.pallas import tpu_sc as plsc

B = 16384
S = 6
ED = 64
ROWS = B * S
NC, NS = 2, 16
NW = NC * NS
RPW = ROWS // NW
C = 96
NCHUNK = RPW // C

_SP_N = 1600
_TY_N = 19 * 19
_IT_N = 500
_AB_N = 300

_I32 = jnp.int32
_F32 = jnp.float32


def _prep_body(sp_t, ty_t, it_t, ab_t, sw, sb, W, b,
               sp_f, typ, it_f, ab_f, stM):
    w = W[...]
    dot = functools.partial(jnp.dot, preferred_element_type=_F32,
                            precision=lax.Precision.HIGHEST)
    sp_f[...] = dot(sp_t[...], w[0:32, :])
    ty_a = dot(ty_t[...], w[32:48, :])
    ty_b = dot(ty_t[...], w[48:64, :])
    bias = b[...] + dot(sb[...], w[96:112, :])
    pair = ty_a[:, None, :] + ty_b[None, :, :] + bias[None, None, :]
    typ[...] = pair.reshape(_TY_N, ED)
    it_f[...] = dot(it_t[...], w[64:80, :])
    ab_f[...] = dot(ab_t[...], w[80:96, :])
    stM[...] = dot(sw[...], w[96:112, :])


def _prep(sp_t, ty_t, it_t, ab_t, sw, sb, W, b):
    return pl.pallas_call(
        _prep_body,
        out_shape=[
            jax.ShapeDtypeStruct((_SP_N, ED), _F32),
            jax.ShapeDtypeStruct((_TY_N, ED), _F32),
            jax.ShapeDtypeStruct((_IT_N, ED), _F32),
            jax.ShapeDtypeStruct((_AB_N, ED), _F32),
            jax.ShapeDtypeStruct((S, ED), _F32),
        ],
    )(sp_t, ty_t, it_t, ab_t, sw, sb, W, b)


def _rsqrt_vec(x):
    i = plsc.bitcast(x, _I32)
    y = plsc.bitcast(jnp.full((16,), 0x5F3759DF, _I32) - (i >> 1), _F32)
    half = x * (-0.5)
    for _ in range(2):
        y = y * (half * y * y + 1.5)
    return y


def _sc_body(sid_hbm, w_hbm, stats_hbm,
             sp_f_hbm, typ_hbm, it_hbm, ab_hbm, stM_hbm, gam_hbm, bet_hbm,
             out_hbm,
             typ_v, it_v, ab_v, stM_v, gam_v, bet_v,
             sid_v, w_v, st_v, sp0, sp1, out0, out1,
             semg0, semg1, semo0, semo1):
    wid = lax.axis_index("s") * NC + lax.axis_index("c")
    wbase = wid * RPW

    pltpu.sync_copy(typ_hbm, typ_v)
    pltpu.sync_copy(it_hbm, it_v)
    pltpu.sync_copy(ab_hbm, ab_v)
    pltpu.sync_copy(stM_hbm, stM_v)
    pltpu.sync_copy(gam_hbm, gam_v)
    pltpu.sync_copy(bet_hbm, bet_v)
    pltpu.sync_copy(sid_hbm.at[pl.ds(wbase, RPW)], sid_v)
    pltpu.sync_copy(w_hbm.at[pl.ds(wbase, RPW)], w_v)
    pltpu.sync_copy(stats_hbm.at[pl.ds(wid * (RPW * S // 128), RPW * S // 128)],
                    st_v)

    lanes = lax.iota(_I32, 16)
    cols = [lanes + 16 * j for j in range(4)]

    M = [[stM_v[pl.ds(k * ED + 16 * j, 16)] for j in range(4)]
         for k in range(S)]
    gam = [gam_v[pl.ds(16 * j, 16)] for j in range(4)]
    bet = [bet_v[pl.ds(16 * j, 16)] for j in range(4)]

    def gather_sp(c, sp_buf, sem):
        idx = sid_v.at[pl.ds(c * C, C)]
        return pltpu.async_copy(sp_f_hbm.at[idx], sp_buf, sem)

    def out_dma(c, out_buf, sem):
        return pltpu.make_async_copy(
            out_buf, out_hbm.at[pl.ds((wbase + c * C) * ED, C * ED)], sem)

    def compute(c, sp_buf, out_buf):
        g0 = c * C

        @plsc.parallel_loop(0, C, 1, unroll=2)
        def row_body(r):
            g = jnp.full((16,), g0 + r, _I32)
            w = plsc.load_gather(w_v, [g])
            pid = (w & 511) * ED
            iid = ((w >> 9) & 511) * ED
            aid = (w >> 18) * ED
            g6 = g * S
            sk = []
            for k in range(S):
                s = g6 + k
                sk.append(plsc.load_gather(st_v, [s >> 7, s & 127]))
            h = []
            for j in range(4):
                v = sp_buf[r, pl.ds(16 * j, 16)]
                v = v + plsc.load_gather(typ_v, [pid + cols[j]])
                v = v + plsc.load_gather(it_v, [iid + cols[j]])
                v = v + plsc.load_gather(ab_v, [aid + cols[j]])
                for k in range(S):
                    v = v + sk[k] * M[k][j]
                h.append(jnp.maximum(v, 0.0))
            tot = jnp.sum((h[0] + h[1]) + (h[2] + h[3]))
            mean = tot * (1.0 / 64.0)
            mv = jnp.full((16,), mean, _F32)
            d = [h[j] - mv for j in range(4)]
            sq = jnp.sum((d[0] * d[0] + d[1] * d[1])
                         + (d[2] * d[2] + d[3] * d[3]))
            inv = _rsqrt_vec(jnp.full((16,), sq * (1.0 / 64.0) + 1e-5, _F32))
            r64 = r * ED
            for j in range(4):
                o = d[j] * inv * gam[j] + bet[j]
                out_buf[pl.ds(r64 + 16 * j, 16)] = o

    gather_sp(0, sp0, semg0)

    def pair_body(cp, _):
        c0 = 2 * cp
        c1 = c0 + 1
        gather_sp(c1, sp1, semg1)
        pltpu.make_async_copy(sp_f_hbm.at[sid_v.at[pl.ds(c0 * C, C)]],
                              sp0, semg0).wait()

        @pl.when(cp > 0)
        def _():
            out_dma(c0, out0, semo0).wait()
        compute(c0, sp0, out0)
        out_dma(c0, out0, semo0).start()

        @pl.when(cp < NCHUNK // 2 - 1)
        def _():
            gather_sp(c0 + 2, sp0, semg0)
        pltpu.make_async_copy(sp_f_hbm.at[sid_v.at[pl.ds(c1 * C, C)]],
                              sp1, semg1).wait()

        @pl.when(cp > 0)
        def _():
            out_dma(c1, out1, semo1).wait()
        compute(c1, sp1, out1)
        out_dma(c1, out1, semo1).start()
        return ()

    lax.fori_loop(0, NCHUNK // 2, pair_body, ())
    out_dma(NCHUNK - 2, out0, semo0).wait()
    out_dma(NCHUNK - 1, out1, semo1).wait()


def _sc_run(sid, w, stats_f, sp_f, typ_f, it_f, ab_f, stM_f,
            ln_gamma, ln_beta):
    mesh = plsc.VectorSubcoreMesh(core_axis_name="c", subcore_axis_name="s",
                                  num_cores=NC, num_subcores=NS)
    f = pl.kernel(
        _sc_body,
        out_type=jax.ShapeDtypeStruct((ROWS * ED,), _F32),
        mesh=mesh,
        compiler_params=pltpu.CompilerParams(needs_layout_passes=False,
                                             use_tc_tiling_on_sc=False),
        scratch_types=[
            pltpu.VMEM((_TY_N * ED,), _F32),
            pltpu.VMEM((_IT_N * ED,), _F32),
            pltpu.VMEM((_AB_N * ED,), _F32),
            pltpu.VMEM((S * ED,), _F32),
            pltpu.VMEM((ED,), _F32),
            pltpu.VMEM((ED,), _F32),
            pltpu.VMEM((RPW,), _I32),
            pltpu.VMEM((RPW,), _I32),
            pltpu.VMEM((RPW * S // 128, 128), _F32),
            pltpu.VMEM((C, ED), _F32),
            pltpu.VMEM((C, ED), _F32),
            pltpu.VMEM((C * ED,), _F32),
            pltpu.VMEM((C * ED,), _F32),
            pltpu.SemaphoreType.DMA,
            pltpu.SemaphoreType.DMA,
            pltpu.SemaphoreType.DMA,
            pltpu.SemaphoreType.DMA,
        ],
    )
    return f(sid, w, stats_f, sp_f, typ_f, it_f, ab_f, stM_f,
             ln_gamma, ln_beta)


def kernel(species_ids, type_ids, item_ids, ability_ids, stats,
           species_table, type_table, item_table, ability_table,
           stats_W, stats_b, comb_W, comb_b, ln_gamma, ln_beta):
    sp_f, typ, it_f, ab_f, stM = _prep(
        species_table, type_table, item_table, ability_table,
        stats_W, stats_b, comb_W, comb_b)
    sid = species_ids.reshape(ROWS)
    pair = type_ids[:, :, 0] * 19 + type_ids[:, :, 1]
    w = (pair | (item_ids << 9) | (ability_ids << 18)).reshape(ROWS)
    stats_f = stats.reshape(ROWS * S // 128, 128)
    out = _sc_run(sid, w, stats_f,
                  sp_f, typ.reshape(_TY_N * ED), it_f.reshape(_IT_N * ED),
                  ab_f.reshape(_AB_N * ED), stM.reshape(S * ED),
                  ln_gamma, ln_beta)
    return out.reshape(B, S, ED)

# --- scband reference (transcript-rebuilt; emitter-appended) ---
"""Pipeline reference for scband-pokemon-embedding-35347580846736 (READ-ONLY COPY).

The authoritative reference and input builder live on the scoring server;
editing this copy changes nothing except your own understanding.
"""

import jax, jax.numpy as jnp
import numpy as np

B = 16384
ED = 64

def setup_inputs(seed: int = 0) -> dict:
    key = jax.random.key(seed)
    ks = jax.random.split(key, 16)
    inp = {}
    inp['species_ids'] = jax.random.randint(ks[0], (B, 6), 0, 1600, dtype=jnp.int32)
    inp['type_ids'] = jax.random.randint(ks[1], (B, 6, 2), 0, 19, dtype=jnp.int32)
    inp['item_ids'] = jax.random.randint(ks[2], (B, 6), 0, 500, dtype=jnp.int32)
    inp['ability_ids'] = jax.random.randint(ks[3], (B, 6), 0, 300, dtype=jnp.int32)
    inp['stats'] = jax.random.normal(ks[4], (B, 6, 6), dtype=jnp.float32)
    inp['species_table'] = jax.random.normal(ks[5], (1600, ED // 2), dtype=jnp.float32) * 0.02
    inp['type_table'] = jax.random.normal(ks[6], (19, ED // 4), dtype=jnp.float32) * 0.02
    inp['item_table'] = jax.random.normal(ks[7], (500, ED // 4), dtype=jnp.float32) * 0.02
    inp['ability_table'] = jax.random.normal(ks[8], (300, ED // 4), dtype=jnp.float32) * 0.02
    inp['stats_W'] = jax.random.normal(ks[9], (6, ED // 4), dtype=jnp.float32) * 0.1
    inp['stats_b'] = jnp.zeros((ED // 4,), dtype=jnp.float32)
    comb_in = ED * 7 // 4
    inp['comb_W'] = jax.random.normal(ks[10], (comb_in, ED), dtype=jnp.float32) * (1.0 / np.sqrt(comb_in))
    inp['comb_b'] = jnp.zeros((ED,), dtype=jnp.float32)
    inp['ln_gamma'] = jnp.ones((ED,), dtype=jnp.float32)
    inp['ln_beta'] = jnp.zeros((ED,), dtype=jnp.float32)
    return inp

def reference(species_ids, type_ids, item_ids, ability_ids, stats,
              species_table, type_table, item_table, ability_table,
              stats_W, stats_b, comb_W, comb_b, ln_gamma, ln_beta):
    bsz = species_ids.shape[0]
    species_emb = jnp.take(species_table, species_ids, axis=0)            # [B,6,32]
    type_emb = jnp.take(type_table, type_ids, axis=0)                     # [B,6,2,16]
    type_emb = type_emb.reshape(bsz, 6, -1)                               # [B,6,32]
    item_emb = jnp.take(item_table, item_ids, axis=0)                     # [B,6,16]
    ability_emb = jnp.take(ability_table, ability_ids, axis=0)            # [B,6,16]
    stats_emb = jnp.dot(stats, stats_W) + stats_b                         # [B,6,16]
    combined = jnp.concatenate([species_emb, type_emb, item_emb, ability_emb, stats_emb], axis=-1)
    h = jnp.dot(combined, comb_W) + comb_b
    h = jax.nn.relu(h)
    mean = jnp.mean(h, axis=-1, keepdims=True)
    var = jnp.var(h, axis=-1, keepdims=True)
    h = (h - mean) / jnp.sqrt(var + 1e-5)
    return h * ln_gamma + ln_beta

if __name__ == "__main__":
    import jax
    _d = setup_inputs()
    print(jax.jit(kernel)(*tuple(_d.values())))

</pallas_src>

<mosaic_0001>
#map = affine_map<(d0, d1) -> (0)>
#map1 = affine_map<(d0, d1) -> (0, 0)>
module attributes {stable_mosaic.version = 14 : i64} {
  func.func @_sc_body(%arg0: i32, %arg1: i32, %arg2: memref<98304xi32, #tpu.memory_space<hbm>>, %arg3: memref<98304xi32, #tpu.memory_space<hbm>>, %arg4: memref<4608x128xf32, #tpu.memory_space<hbm>>, %arg5: memref<1600x64xf32, #tpu.memory_space<hbm>>, %arg6: memref<23104xf32, #tpu.memory_space<hbm>>, %arg7: memref<32000xf32, #tpu.memory_space<hbm>>, %arg8: memref<19200xf32, #tpu.memory_space<hbm>>, %arg9: memref<384xf32, #tpu.memory_space<hbm>>, %arg10: memref<64xf32, #tpu.memory_space<hbm>>, %arg11: memref<64xf32, #tpu.memory_space<hbm>>, %arg12: memref<6291456xf32, #tpu.memory_space<hbm>>, %arg13: memref<23104xf32, #tpu.memory_space<vmem>>, %arg14: memref<32000xf32, #tpu.memory_space<vmem>>, %arg15: memref<19200xf32, #tpu.memory_space<vmem>>, %arg16: memref<384xf32, #tpu.memory_space<vmem>>, %arg17: memref<64xf32, #tpu.memory_space<vmem>>, %arg18: memref<64xf32, #tpu.memory_space<vmem>>, %arg19: memref<3072xi32, #tpu.memory_space<vmem>>, %arg20: memref<3072xi32, #tpu.memory_space<vmem>>, %arg21: memref<144x128xf32, #tpu.memory_space<vmem>>, %arg22: memref<96x64xf32, #tpu.memory_space<vmem>>, %arg23: memref<96x64xf32, #tpu.memory_space<vmem>>, %arg24: memref<6144xf32, #tpu.memory_space<vmem>>, %arg25: memref<6144xf32, #tpu.memory_space<vmem>>, %arg26: memref<!tpu.dma_semaphore, #tpu.memory_space<semaphore_mem>>, %arg27: memref<!tpu.dma_semaphore, #tpu.memory_space<semaphore_mem>>, %arg28: memref<!tpu.dma_semaphore, #tpu.memory_space<semaphore_mem>>, %arg29: memref<!tpu.dma_semaphore, #tpu.memory_space<semaphore_mem>>) attributes {dimension_semantics = [#tpu.dimension_semantics<core_parallel>, #tpu.dimension_semantics<subcore_parallel>], iteration_bounds = array<i64: 2, 16>, scalar_prefetch = 0 : i64, scratch_operands = 17 : i64, tpu.core_type = #tpu.core_type<sc_vector_subcore>, window_params = [{transform_indices = #map}, {transform_indices = #map}, {transform_indices = #map1}, {transform_indices = #map1}, {transform_indices = #map}, {transform_indices = #map}, {transform_indices = #map}, {transform_indices = #map}, {transform_indices = #map}, {transform_indices = #map}, {transform_indices = #map}]} {
    %mul3A = arith.constant 2 : i32
    %mul3A_0 = arith.muli %arg1, %mul3A : i32
    %add3A = arith.addi %mul3A_0, %arg0 : i32
    %mul3A_1 = arith.constant 3072 : i32
    %mul3A_2 = arith.muli %add3A, %mul3A_1 : i32
    "tpu.region"() ({
      %run_scoped3A = tpu.sem_alloc : memref<!tpu.dma_semaphore, #tpu.memory_space<semaphore_mem>>
      tpu.enqueue_dma source(%arg6 : memref<23104xf32, #tpu.memory_space<hbm>>) target(%arg13 : memref<23104xf32, #tpu.memory_space<vmem>>) target_semaphore(%run_scoped3A : memref<!tpu.dma_semaphore, #tpu.memory_space<semaphore_mem>>)
      tpu.wait_dma2 semaphore(%run_scoped3A : memref<!tpu.dma_semaphore, #tpu.memory_space<semaphore_mem>>) src(%arg6 : memref<23104xf32, #tpu.memory_space<hbm>>) dst(%arg13 : memref<23104xf32, #tpu.memory_space<vmem>>)
      tpu.yield
    }) : () -> ()
    "tpu.region"() ({
      %run_scoped3A = tpu.sem_alloc : memref<!tpu.dma_semaphore, #tpu.memory_space<semaphore_mem>>
      tpu.enqueue_dma source(%arg7 : memref<32000xf32, #tpu.memory_space<hbm>>) target(%arg14 : memref<32000xf32, #tpu.memory_space<vmem>>) target_semaphore(%run_scoped3A : memref<!tpu.dma_semaphore, #tpu.memory_space<semaphore_mem>>)
      tpu.wait_dma2 semaphore(%run_scoped3A : memref<!tpu.dma_semaphore, #tpu.memory_space<semaphore_mem>>) src(%arg7 : memref<32000xf32, #tpu.memory_space<hbm>>) dst(%arg14 : memref<32000xf32, #tpu.memory_space<vmem>>)
      tpu.yield
    }) : () -> ()
    "tpu.region"() ({
      %run_scoped3A = tpu.sem_alloc : memref<!tpu.dma_semaphore, #tpu.memory_space<semaphore_mem>>
      tpu.enqueue_dma source(%arg8 : memref<19200xf32, #tpu.memory_space<hbm>>) target(%arg15 : memref<19200xf32, #tpu.memory_space<vmem>>) target_semaphore(%run_scoped3A : memref<!tpu.dma_semaphore, #tpu.memory_space<semaphore_mem>>)
      tpu.wait_dma2 semaphore(%run_scoped3A : memref<!tpu.dma_semaphore, #tpu.memory_space<semaphore_mem>>) src(%arg8 : memref<19200xf32, #tpu.memory_space<hbm>>) dst(%arg15 : memref<19200xf32, #tpu.memory_space<vmem>>)
      tpu.yield
    }) : () -> ()
    "tpu.region"() ({
      %run_scoped3A = tpu.sem_alloc : memref<!tpu.dma_semaphore, #tpu.memory_space<semaphore_mem>>
      tpu.enqueue_dma source(%arg9 : memref<384xf32, #tpu.memory_space<hbm>>) target(%arg16 : memref<384xf32, #tpu.memory_space<vmem>>) target_semaphore(%run_scoped3A : memref<!tpu.dma_semaphore, #tpu.memory_space<semaphore_mem>>)
      tpu.wait_dma2 semaphore(%run_scoped3A : memref<!tpu.dma_semaphore, #tpu.memory_space<semaphore_mem>>) src(%arg9 : memref<384xf32, #tpu.memory_space<hbm>>) dst(%arg16 : memref<384xf32, #tpu.memory_space<vmem>>)
      tpu.yield
    }) : () -> ()
    "tpu.region"() ({
      %run_scoped3A = tpu.sem_alloc : memref<!tpu.dma_semaphore, #tpu.memory_space<semaphore_mem>>
      tpu.enqueue_dma source(%arg10 : memref<64xf32, #tpu.memory_space<hbm>>) target(%arg17 : memref<64xf32, #tpu.memory_space<vmem>>) target_semaphore(%run_scoped3A : memref<!tpu.dma_semaphore, #tpu.memory_space<semaphore_mem>>)
      tpu.wait_dma2 semaphore(%run_scoped3A : memref<!tpu.dma_semaphore, #tpu.memory_space<semaphore_mem>>) src(%arg10 : memref<64xf32, #tpu.memory_space<hbm>>) dst(%arg17 : memref<64xf32, #tpu.memory_space<vmem>>)
      tpu.yield
    }) : () -> ()
    "tpu.region"() ({
      %run_scoped3A = tpu.sem_alloc : memref<!tpu.dma_semaphore, #tpu.memory_space<semaphore_mem>>
      tpu.enqueue_dma source(%arg11 : memref<64xf32, #tpu.memory_space<hbm>>) target(%arg18 : memref<64xf32, #tpu.memory_space<vmem>>) target_semaphore(%run_scoped3A : memref<!tpu.dma_semaphore, #tpu.memory_space<semaphore_mem>>)
      tpu.wait_dma2 semaphore(%run_scoped3A : memref<!tpu.dma_semaphore, #tpu.memory_space<semaphore_mem>>) src(%arg11 : memref<64xf32, #tpu.memory_space<hbm>>) dst(%arg18 : memref<64xf32, #tpu.memory_space<vmem>>)
      tpu.yield
    }) : () -> ()
    "tpu.region"() ({
      %run_scoped3A = tpu.sem_alloc : memref<!tpu.dma_semaphore, #tpu.memory_space<semaphore_mem>>
      %dma_start3A_99 = tpu.memref_slice %arg2[%mul3A_2] : memref<98304xi32, #tpu.memory_space<hbm>> -> memref<3072xi32, #tpu.memory_space<hbm>>
      %dma_start3A_100 = tpu.memref_slice %arg2[%mul3A_2] : memref<98304xi32, #tpu.memory_space<hbm>> -> memref<3072xi32, #tpu.memory_space<hbm>>
      tpu.enqueue_dma source(%dma_start3A_100 : memref<3072xi32, #tpu.memory_space<hbm>>) target(%arg19 : memref<3072xi32, #tpu.memory_space<vmem>>) target_semaphore(%run_scoped3A : memref<!tpu.dma_semaphore, #tpu.memory_space<semaphore_mem>>)
      %dma_wait3A_101 = tpu.memref_slice %arg2[%mul3A_2] : memref<98304xi32, #tpu.memory_space<hbm>> -> memref<3072xi32, #tpu.memory_space<hbm>>
      %dma_wait3A_102 = tpu.memref_slice %arg2[%mul3A_2] : memref<98304xi32, #tpu.memory_space<hbm>> -> memref<3072xi32, #tpu.memory_space<hbm>>
      tpu.wait_dma2 semaphore(%run_scoped3A : memref<!tpu.dma_semaphore, #tpu.memory_space<semaphore_mem>>) src(%dma_wait3A_102 : memref<3072xi32, #tpu.memory_space<hbm>>) dst(%arg19 : memref<3072xi32, #tpu.memory_space<vmem>>)
      tpu.yield
    }) : () -> ()
    "tpu.region"() ({
      %run_scoped3A = tpu.sem_alloc : memref<!tpu.dma_semaphore, #tpu.memory_space<semaphore_mem>>
      %dma_start3A_99 = tpu.memref_slice %arg3[%mul3A_2] : memref<98304xi32, #tpu.memory_space<hbm>> -> memref<3072xi32, #tpu.memory_space<hbm>>
      %dma_start3A_100 = tpu.memref_slice %arg3[%mul3A_2] : memref<98304xi32, #tpu.memory_space<hbm>> -> memref<3072xi32, #tpu.memory_space<hbm>>
      tpu.enqueue_dma source(%dma_start3A_100 : memref<3072xi32, #tpu.memory_space<hbm>>) target(%arg20 : memref<3072xi32, #tpu.memory_space<vmem>>) target_semaphore(%run_scoped3A : memref<!tpu.dma_semaphore, #tpu.memory_space<semaphore_mem>>)
      %dma_wait3A_101 = tpu.memref_slice %arg3[%mul3A_2] : memref<98304xi32, #tpu.memory_space<hbm>> -> memref<3072xi32, #tpu.memory_space<hbm>>
      %dma_wait3A_102 = tpu.memref_slice %arg3[%mul3A_2] : memref<98304xi32, #tpu.memory_space<hbm>> -> memref<3072xi32, #tpu.memory_space<hbm>>
      tpu.wait_dma2 semaphore(%run_scoped3A : memref<!tpu.dma_semaphore, #tpu.memory_space<semaphore_mem>>) src(%dma_wait3A_102 : memref<3072xi32, #tpu.memory_space<hbm>>) dst(%arg20 : memref<3072xi32, #tpu.memory_space<vmem>>)
      tpu.yield
    }) : () -> ()
    %mul3A_3 = arith.constant 144 : i32
    %mul3A_4 = arith.muli %add3A, %mul3A_3 : i32
    "tpu.region"() ({
      %run_scoped3A = tpu.sem_alloc : memref<!tpu.dma_semaphore, #tpu.memory_space<semaphore_mem>>
      %dma_start3A_99 = arith.constant 0 : i32
      %dma_start3A_100 = tpu.memref_slice %arg4[%mul3A_4, %dma_start3A_99] : memref<4608x128xf32, #tpu.memory_space<hbm>> -> memref<144x128xf32, #tpu.memory_space<hbm>>
      %dma_start3A_101 = arith.constant 0 : i32
      %dma_start3A_102 = tpu.memref_slice %arg4[%mul3A_4, %dma_start3A_101] : memref<4608x128xf32, #tpu.memory_space<hbm>> -> memref<144x128xf32, #tpu.memory_space<hbm>>
      tpu.enqueue_dma source(%dma_start3A_102 : memref<144x128xf32, #tpu.memory_space<hbm>>) target(%arg21 : memref<144x128xf32, #tpu.memory_space<vmem>>) target_semaphore(%run_scoped3A : memref<!tpu.dma_semaphore, #tpu.memory_space<semaphore_mem>>)
      %dma_wait3A_103 = arith.constant 0 : i32
      %dma_wait3A_104 = tpu.memref_slice %arg4[%mul3A_4, %dma_wait3A_103] : memref<4608x128xf32, #tpu.memory_space<hbm>> -> memref<144x128xf32, #tpu.memory_space<hbm>>
      %dma_wait3A_105 = arith.constant 0 : i32
      %dma_wait3A_106 = tpu.memref_slice %arg4[%mul3A_4, %dma_wait3A_105] : memref<4608x128xf32, #tpu.memory_space<hbm>> -> memref<144x128xf32, #tpu.memory_space<hbm>>
      tpu.wait_dma2 semaphore(%run_scoped3A : memref<!tpu.dma_semaphore, #tpu.memory_space<semaphore_mem>>) src(%dma_wait3A_106 : memref<144x128xf32, #tpu.memory_space<hbm>>) dst(%arg21 : memref<144x128xf32, #tpu.memory_space<vmem>>)
      tpu.yield
    }) : () -> ()
    %iota3A = tpu.iota {dimensions = array<i32: 0>} : vector<16xi32>
    %add3A_5 = arith.constant 0 : i32
    %add3A_6 = vector.broadcast %add3A_5 : i32 to vector<16xi32>
    %add3A_7 = arith.addi %iota3A, %add3A_6 : vector<16xi32>
    %add3A_8 = arith.constant 16 : i32
    %add3A_9 = vector.broadcast %add3A_8 : i32 to vector<16xi32>
    %add3A_10 = arith.addi %iota3A, %add3A_9 : vector<16xi32>
    %add3A_11 = arith.constant 32 : i32
    %add3A_12 = vector.broadcast %add3A_11 : i32 to vector<16xi32>
    %add3A_13 = arith.addi %iota3A, %add3A_12 : vector<16xi32>
    %add3A_14 = arith.constant 48 : i32
    %add3A_15 = vector.broadcast %add3A_14 : i32 to vector<16xi32>
    %add3A_16 = arith.addi %iota3A, %add3A_15 : vector<16xi32>
    %get3A = arith.constant 0 : index
    %get3A_17 = tpu.vector_load %arg16[%get3A] {strides = array<i32>} : memref<384xf32, #tpu.memory_space<vmem>>, vector<16xf32>,
    %get3A_18 = arith.constant 16 : index
    %get3A_19 = tpu.vector_load %arg16[%get3A_18] {strides = array<i32>} : memref<384xf32, #tpu.memory_space<vmem>>, vector<16xf32>,
    %get3A_20 = arith.constant 32 : index
    %get3A_21 = tpu.vector_load %arg16[%get3A_20] {strides = array<i32>} : memref<384xf32, #tpu.memory_space<vmem>>, vector<16xf32>,
    %get3A_22 = arith.constant 48 : index
    %get3A_23 = tpu.vector_load %arg16[%get3A_22] {strides = array<i32>} : memref<384xf32, #tpu.memory_space<vmem>>, vector<16xf32>,
    %get3A_24 = arith.constant 64 : index
    %get3A_25 = tpu.vector_load %arg16[%get3A_24] {strides = array<i32>} : memref<384xf32, #tpu.memory_space<vmem>>, vector<16xf32>,
    %get3A_26 = arith.constant 80 : index
    %get3A_27 = tpu.vector_load %arg16[%get3A_26] {strides = array<i32>} : memref<384xf32, #tpu.memory_space<vmem>>, vector<16xf32>,
    %get3A_28 = arith.constant 96 : index
    %get3A_29 = tpu.vector_load %arg16[%get3A_28] {strides = array<i32>} : memref<384xf32, #tpu.memory_space<vmem>>, vector<16xf32>,
    %get3A_30 = arith.constant 112 : index
    %get3A_31 = tpu.vector_load %arg16[%get3A_30] {strides = array<i32>} : memref<384xf32, #tpu.memory_space<vmem>>, vector<16xf32>,
    %get3A_32 = arith.constant 128 : index
    %get3A_33 = tpu.vector_load %arg16[%get3A_32] {strides = array<i32>} : memref<384xf32, #tpu.memory_space<vmem>>, vector<16xf32>,
    %get3A_34 = arith.constant 144 : index
    %get3A_35 = tpu.vector_load %arg16[%get3A_34] {strides = array<i32>} : memref<384xf32, #tpu.memory_space<vmem>>, vector<16xf32>,
    %get3A_36 = arith.constant 160 : index
    %get3A_37 = tpu.vector_load %arg16[%get3A_36] {strides = array<i32>} : memref<384xf32, #tpu.memory_space<vmem>>, vector<16xf32>,
    %get3A_38 = arith.constant 176 : index
    %get3A_39 = tpu.vector_load %arg16[%get3A_38] {strides = array<i32>} : memref<384xf32, #tpu.memory_space<vmem>>, vector<16xf32>,
    %get3A_40 = arith.constant 192 : index
    %get3A_41 = tpu.vector_load %arg16[%get3A_40] {strides = array<i32>} : memref<384xf32, #tpu.memory_space<vmem>>, vector<16xf32>,
    %get3A_42 = arith.constant 208 : index
    %get3A_43 = tpu.vector_load %arg16[%get3A_42] {strides = array<i32>} : memref<384xf32, #tpu.memory_space<vmem>>, vector<16xf32>,
    %get3A_44 = arith.constant 224 : index
    %get3A_45 = tpu.vector_load %arg16[%get3A_44] {strides = array<i32>} : memref<384xf32, #tpu.memory_space<vmem>>, vector<16xf32>,
    %get3A_46 = arith.constant 240 : index
    %get3A_47 = tpu.vector_load %arg16[%get3A_46] {strides = array<i32>} : memref<384xf32, #tpu.memory_space<vmem>>, vector<16xf32>,
    %get3A_48 = arith.constant 256 : index
    %get3A_49 = tpu.vector_load %arg16[%get3A_48] {strides = array<i32>} : memref<384xf32, #tpu.memory_space<vmem>>, vector<16xf32>,
    %get3A_50 = arith.constant 272 : index
    %get3A_51 = tpu.vector_load %arg16[%get3A_50] {strides = array<i32>} : memref<384xf32, #tpu.memory_space<vmem>>, vector<16xf32>,
    %get3A_52 = arith.constant 288 : index
    %get3A_53 = tpu.vector_load %arg16[%get3A_52] {strides = array<i32>} : memref<384xf32, #tpu.memory_space<vmem>>, vector<16xf32>,
    %get3A_54 = arith.constant 304 : index
    %get3A_55 = tpu.vector_load %arg16[%get3A_54] {strides = array<i32>} : memref<384xf32, #tpu.memory_space<vmem>>, vector<16xf32>,
    %get3A_56 = arith.constant 320 : index
    %get3A_57 = tpu.vector_load %arg16[%get3A_56] {strides = array<i32>} : memref<384xf32, #tpu.memory_space<vmem>>, vector<16xf32>,
    %get3A_58 = arith.constant 336 : index
    %get3A_59 = tpu.vector_load %arg16[%get3A_58] {strides = array<i32>} : memref<384xf32, #tpu.memory_space<vmem>>, vector<16xf32>,
    %get3A_60 = arith.constant 352 : index
    %get3A_61 = tpu.vector_load %arg16[%get3A_60] {strides = array<i32>} : memref<384xf32, #tpu.memory_space<vmem>>, vector<16xf32>,
    %get3A_62 = arith.constant 368 : index
    %get3A_63 = tpu.vector_load %arg16[%get3A_62] {strides = array<i32>} : memref<384xf32, #tpu.memory_space<vmem>>, vector<16xf32>,
    %get3A_64 = arith.constant 0 : index
    %get3A_65 = tpu.vector_load %arg17[%get3A_64] {strides = array<i32>} : memref<64xf32, #tpu.memory_space<vmem>>, vector<16xf32>,
    %get3A_66 = arith.constant 16 : index
    %get3A_67 = tpu.vector_load %arg17[%get3A_66] {strides = array<i32>} : memref<64xf32, #tpu.memory_space<vmem>>, vector<16xf32>,
    %get3A_68 = arith.constant 32 : index
    %get3A_69 = tpu.vector_load %arg17[%get3A_68] {strides = array<i32>} : memref<64xf32, #tpu.memory_space<vmem>>, vector<16xf32>,
    %get3A_70 = arith.constant 48 : index
    %get3A_71 = tpu.vector_load %arg17[%get3A_70] {strides = array<i32>} : memref<64xf32, #tpu.memory_space<vmem>>, vector<16xf32>,
    %get3A_72 = arith.constant 0 : index
    %get3A_73 = tpu.vector_load %arg18[%get3A_72] {strides = array<i32>} : memref<64xf32, #tpu.memory_space<vmem>>, vector<16xf32>,
    %get3A_74 = arith.constant 16 : index
    %get3A_75 = tpu.vector_load %arg18[%get3A_74] {strides = array<i32>} : memref<64xf32, #tpu.memory_space<vmem>>, vector<16xf32>,
    %get3A_76 = arith.constant 32 : index
    %get3A_77 = tpu.vector_load %arg18[%get3A_76] {strides = array<i32>} : memref<64xf32, #tpu.memory_space<vmem>>, vector<16xf32>,
    %get3A_78 = arith.constant 48 : index
    %get3A_79 = tpu.vector_load %arg18[%get3A_78] {strides = array<i32>} : memref<64xf32, #tpu.memory_space<vmem>>, vector<16xf32>,
    %dma_start3A = arith.constant 0 : i32
    %dma_start3A_80 = tpu.memref_slice %arg19[%dma_start3A] : memref<3072xi32, #tpu.memory_space<vmem>> -> memref<96xi32, #tpu.memory_space<vmem>>
    %dma_start3A_81 = arith.constant 0 : i32
    %dma_start3A_82 = arith.constant 0 : i32
    %dma_start3A_83 = tpu.memref_slice %arg5[%dma_start3A_81, %dma_start3A_82] : memref<1600x64xf32, #tpu.memory_space<hbm>> -> memref<1600x64xf32, #tpu.memory_space<hbm>>
    tpu.enqueue_indirect_dma source(%dma_start3A_83 : memref<1600x64xf32, #tpu.memory_space<hbm>>) target(%arg22 : memref<96x64xf32, #tpu.memory_space<vmem>>) offsets(%dma_start3A_80 : memref<96xi32, #tpu.memory_space<vmem>>) semaphore(%arg26 : memref<!tpu.dma_semaphore, #tpu.memory_space<semaphore_mem>>)
    %scan3A = arith.constant 0 : i32
    %scan3A_84 = arith.constant 16 : i32
    %scan3A_85 = arith.addi %scan3A, %scan3A_84 : i32
    %scan3A_86 = arith.constant 1 : i32
    scf.for %scan3A_99 = %scan3A to %scan3A_85 step %scan3A_86  : i32 {
      %mul3A_100 = arith.constant 2 : i32
      %mul3A_101 = arith.muli %mul3A_100, %scan3A_99 : i32
      %add3A_102 = arith.constant 1 : i32
      %add3A_103 = arith.addi %mul3A_101, %add3A_102 : i32
      %mul3A_104 = arith.constant 96 : i32
      %mul3A_105 = arith.muli %add3A_103, %mul3A_104 : i32
      %dma_start3A_106 = tpu.memref_slice %arg19[%mul3A_105] : memref<3072xi32, #tpu.memory_space<vmem>> -> memref<96xi32, #tpu.memory_space<vmem>>
      %dma_start3A_107 = arith.constant 0 : i32
      %dma_start3A_108 = arith.constant 0 : i32
      %dma_start3A_109 = tpu.memref_slice %arg5[%dma_start3A_107, %dma_start3A_108] : memref<1600x64xf32, #tpu.memory_space<hbm>> -> memref<1600x64xf32, #tpu.memory_space<hbm>>
      tpu.enqueue_indirect_dma source(%dma_start3A_109 : memref<1600x64xf32, #tpu.memory_space<hbm>>) target(%arg23 : memref<96x64xf32, #tpu.memory_space<vmem>>) offsets(%dma_start3A_106 : memref<96xi32, #tpu.memory_space<vmem>>) semaphore(%arg27 : memref<!tpu.dma_semaphore, #tpu.memory_space<semaphore_mem>>)
      %mul3A_110 = arith.constant 96 : i32
      %mul3A_111 = arith.muli %mul3A_101, %mul3A_110 : i32
      %dma_wait3A_112 = tpu.memref_slice %arg19[%mul3A_111] : memref<3072xi32, #tpu.memory_space<vmem>> -> memref<96xi32, #tpu.memory_space<vmem>>
      %dma_wait3A_113 = arith.constant 0 : i32
      %dma_wait3A_114 = arith.constant 0 : i32
      %dma_wait3A_115 = tpu.memref_slice %arg5[%dma_wait3A_113, %dma_wait3A_114] : memref<1600x64xf32, #tpu.memory_space<hbm>> -> memref<1600x64xf32, #tpu.memory_space<hbm>>
      tpu.wait_indirect_dma semaphore(%arg26 : memref<!tpu.dma_semaphore, #tpu.memory_space<semaphore_mem>>) src(%dma_wait3A_115 : memref<1600x64xf32, #tpu.memory_space<hbm>>) dst(%arg22 : memref<96x64xf32, #tpu.memory_space<vmem>>)
      %gt3A = arith.constant 0 : i32
      %gt3A_116 = arith.cmpi sgt, %scan3A_99, %gt3A : i32
      %convert_element_type3A = arith.extui %gt3A_116 : i1 to i32
      %cond3A = arith.constant 0 : i32
      %cond3A_117 = arith.cmpi ne, %convert_element_type3A, %cond3A : i32
      scf.if %cond3A_117 {
        %mul3A_156 = arith.constant 96 : i32
        %mul3A_157 = arith.muli %mul3A_101, %mul3A_156 : i32
        %add3A_158 = arith.addi %mul3A_2, %mul3A_157 : i32
        %mul3A_159 = arith.constant 64 : i32
        %mul3A_160 = arith.muli %add3A_158, %mul3A_159 : i32
        %dma_wait3A_161 = tpu.memref_slice %arg12[%mul3A_160] : memref<6291456xf32, #tpu.memory_space<hbm>> -> memref<6144xf32, #tpu.memory_space<hbm>>
        %dma_wait3A_162 = tpu.memref_slice %arg12[%mul3A_160] : memref<6291456xf32, #tpu.memory_space<hbm>> -> memref<6144xf32, #tpu.memory_space<hbm>>
        tpu.wait_dma2 semaphore(%arg28 : memref<!tpu.dma_semaphore, #tpu.memory_space<semaphore_mem>>) src(%arg24 : memref<6144xf32, #tpu.memory_space<vmem>>) dst(%dma_wait3A_162 : memref<6144xf32, #tpu.memory_space<hbm>>)
      } else {
      }
      %mul3A_118 = arith.constant 96 : i32
      %mul3A_119 = arith.muli %mul3A_101, %mul3A_118 : i32
      %parallel_loop3A = arith.constant 0 : i32
      %parallel_loop3A_120 = arith.constant 96 : i32
      %parallel_loop3A_121 = arith.constant 1 : i32
      scf.for %parallel_loop3A_156 = %parallel_loop3A to %parallel_loop3A_120 step %parallel_loop3A_121  : i32 {
        %parallel_loop3A_157 = arith.addi %mul3A_119, %parallel_loop3A_156 : i32
        %parallel_loop3A_158 = vector.broadcast %parallel_loop3A_157 : i32 to vector<16xi32>
        %parallel_loop3A_159 = tpu.vector_load_idx %arg20[%parallel_loop3A_158] : memref<3072xi32, #tpu.memory_space<vmem>>[vector<16xi32>], vector<16xi32>,
        %parallel_loop3A_160 = arith.constant 511 : i32
        %parallel_loop3A_161 = vector.broadcast %parallel_loop3A_160 : i32 to vector<16xi32>
        %parallel_loop3A_162 = arith.andi %parallel_loop3A_159, %parallel_loop3A_161 : vector<16xi32>
        %parallel_loop3A_163 = arith.constant 64 : i32
        %parallel_loop3A_164 = vector.broadcast %parallel_loop3A_163 : i32 to vector<16xi32>
        %parallel_loop3A_165 = arith.muli %parallel_loop3A_162, %parallel_loop3A_164 : vector<16xi32>
        %parallel_loop3A_166 = arith.constant 9 : i32
        %parallel_loop3A_167 = vector.broadcast %parallel_loop3A_166 : i32 to vector<16xi32>
        %parallel_loop3A_168 = arith.shrsi %parallel_loop3A_159, %parallel_loop3A_167 : vector<16xi32>
        %parallel_loop3A_169 = arith.constant 511 : i32
        %parallel_loop3A_170 = vector.broadcast %parallel_loop3A_169 : i32 to vector<16xi32>
        %parallel_loop3A_171 = arith.andi %parallel_loop3A_168, %parallel_loop3A_170 : vector<16xi32>
        %parallel_loop3A_172 = arith.constant 64 : i32
        %parallel_loop3A_173 = vector.broadcast %parallel_loop3A_172 : i32 to vector<16xi32>
        %parallel_loop3A_174 = arith.muli %parallel_loop3A_171, %parallel_loop3A_173 : vector<16xi32>
        %parallel_loop3A_175 = arith.constant 18 : i32
        %parallel_loop3A_176 = vector.broadcast %parallel_loop3A_175 : i32 to vector<16xi32>
        %parallel_loop3A_177 = arith.shrsi %parallel_loop3A_159, %parallel_loop3A_176 : vector<16xi32>
        %parallel_loop3A_178 = arith.constant 64 : i32
        %parallel_loop3A_179 = vector.broadcast %parallel_loop3A_178 : i32 to vector<16xi32>
        %parallel_loop3A_180 = arith.muli %parallel_loop3A_177, %parallel_loop3A_179 : vector<16xi32>
        %parallel_loop3A_181 = arith.constant 6 : i32
        %parallel_loop3A_182 = vector.broadcast %parallel_loop3A_181 : i32 to vector<16xi32>
        %parallel_loop3A_183 = arith.muli %parallel_loop3A_158, %parallel_loop3A_182 : vector<16xi32>
        %parallel_loop3A_184 = arith.constant 0 : i32
        %parallel_loop3A_185 = vector.broadcast %parallel_loop3A_184 : i32 to vector<16xi32>
        %parallel_loop3A_186 = arith.addi %parallel_loop3A_183, %parallel_loop3A_185 : vector<16xi32>
        %parallel_loop3A_187 = arith.constant 7 : i32
        %parallel_loop3A_188 = vector.broadcast %parallel_loop3A_187 : i32 to vector<16xi32>
        %parallel_loop3A_189 = arith.shrsi %parallel_loop3A_186, %parallel_loop3A_188 : vector<16xi32>
        %parallel_loop3A_190 = arith.constant 127 : i32
        %parallel_loop3A_191 = vector.broadcast %parallel_loop3A_190 : i32 to vector<16xi32>
        %parallel_loop3A_192 = arith.andi %parallel_loop3A_186, %parallel_loop3A_191 : vector<16xi32>
        %parallel_loop3A_193 = tpu.vector_load_idx %arg21[%parallel_loop3A_189, %parallel_loop3A_192] : memref<144x128xf32, #tpu.memory_space<vmem>>[vector<16xi32>, vector<16xi32>], vector<16xf32>,
        %parallel_loop3A_194 = arith.constant 1 : i32
        %parallel_loop3A_195 = vector.broadcast %parallel_loop3A_194 : i32 to vector<16xi32>
        %parallel_loop3A_196 = arith.addi %parallel_loop3A_183, %parallel_loop3A_195 : vector<16xi32>
        %parallel_loop3A_197 = arith.constant 7 : i32
        %parallel_loop3A_198 = vector.broadcast %parallel_loop3A_197 : i32 to vector<16xi32>
        %parallel_loop3A_199 = arith.shrsi %parallel_loop3A_196, %parallel_loop3A_198 : vector<16xi32>
        %parallel_loop3A_200 = arith.constant 127 : i32
        %parallel_loop3A_201 = vector.broadcast %parallel_loop3A_200 : i32 to vector<16xi32>
        %parallel_loop3A_202 = arith.andi %parallel_loop3A_196, %parallel_loop3A_201 : vector<16xi32>
        %parallel_loop3A_203 = tpu.vector_load_idx %arg21[%parallel_loop3A_199, %parallel_loop3A_202] : memref<144x128xf32, #tpu.memory_space<vmem>>[vector<16xi32>, vector<16xi32>], vector<16xf32>,
        %parallel_loop3A_204 = arith.constant 2 : i32
        %parallel_loop3A_205 = vector.broadcast %parallel_loop3A_204 : i32 to vector<16xi32>
        %parallel_loop3A_206 = arith.addi %parallel_loop3A_183, %parallel_loop3A_205 : vector<16xi32>
        %parallel_loop3A_207 = arith.constant 7 : i32
        %parallel_loop3A_208 = vector.broadcast %parallel_loop3A_207 : i32 to vector<16xi32>
        %parallel_loop3A_209 = arith.shrsi %parallel_loop3A_206, %parallel_loop3A_208 : vector<16xi32>
        %parallel_loop3A_210 = arith.constant 127 : i32
        %parallel_loop3A_211 = vector.broadcast %parallel_loop3A_210 : i32 to vector<16xi32>
        %parallel_loop3A_212 = arith.andi %parallel_loop3A_206, %parallel_loop3A_211 : vector<16xi32>
        %parallel_loop3A_213 = tpu.vector_load_idx %arg21[%parallel_loop3A_209, %parallel_loop3A_212] : memref<144x128xf32, #tpu.memory_space<vmem>>[vector<16xi32>, vector<16xi32>], vector<16xf32>,
        %parallel_loop3A_214 = arith.constant 3 : i32
        %parallel_loop3A_215 = vector.broadcast %parallel_loop3A_214 : i32 to vector<16xi32>
        %parallel_loop3A_216 = arith.addi %parallel_loop3A_183, %parallel_loop3A_215 : vector<16xi32>
        %parallel_loop3A_217 = arith.constant 7 : i32
        %parallel_loop3A_218 = vector.broadcast %parallel_loop3A_217 : i32 to vector<16xi32>
        %parallel_loop3A_219 = arith.shrsi %parallel_loop3A_216, %parallel_loop3A_218 : vector<16xi32>
        %parallel_loop3A_220 = arith.constant 127 : i32
        %parallel_loop3A_221 = vector.broadcast %parallel_loop3A_220 : i32 to vector<16xi32>
        %parallel_loop3A_222 = arith.andi %parallel_loop3A_216, %parallel_loop3A_221 : vector<16xi32>
        %parallel_loop3A_223 = tpu.vector_load_idx %arg21[%parallel_loop3A_219, %parallel_loop3A_222] : memref<144x128xf32, #tpu.memory_space<vmem>>[vector<16xi32>, vector<16xi32>], vector<16xf32>,
        %parallel_loop3A_224 = arith.constant 4 : i32
        %parallel_loop3A_225 = vector.broadcast %parallel_loop3A_224 : i32 to vector<16xi32>
        %parallel_loop3A_226 = arith.addi %parallel_loop3A_183, %parallel_loop3A_225 : vector<16xi32>
        %parallel_loop3A_227 = arith.constant 7 : i32
        %parallel_loop3A_228 = vector.broadcast %parallel_loop3A_227 : i32 to vector<16xi32>
        %parallel_loop3A_229 = arith.shrsi %parallel_loop3A_226, %parallel_loop3A_228 : vector<16xi32>
        %parallel_loop3A_230 = arith.constant 127 : i32
        %parallel_loop3A_231 = vector.broadcast %parallel_loop3A_230 : i32 to vector<16xi32>
        %parallel_loop3A_232 = arith.andi %parallel_loop3A_226, %parallel_loop3A_231 : vector<16xi32>
        %parallel_loop3A_233 = tpu.vector_load_idx %arg21[%parallel_loop3A_229, %parallel_loop3A_232] : memref<144x128xf32, #tpu.memory_space<vmem>>[vector<16xi32>, vector<16xi32>], vector<16xf32>,
        %parallel_loop3A_234 = arith.constant 5 : i32
        %parallel_loop3A_235 = vector.broadcast %parallel_loop3A_234 : i32 to vector<16xi32>
        %parallel_loop3A_236 = arith.addi %parallel_loop3A_183, %parallel_loop3A_235 : vector<16xi32>
        %parallel_loop3A_237 = arith.constant 7 : i32
        %parallel_loop3A_238 = vector.broadcast %parallel_loop3A_237 : i32 to vector<16xi32>
        %parallel_loop3A_239 = arith.shrsi %parallel_loop3A_236, %parallel_loop3A_238 : vector<16xi32>
        %parallel_loop3A_240 = arith.constant 127 : i32
        %parallel_loop3A_241 = vector.broadcast %parallel_loop3A_240 : i32 to vector<16xi32>
        %parallel_loop3A_242 = arith.andi %parallel_loop3A_236, %parallel_loop3A_241 : vector<16xi32>
        %parallel_loop3A_243 = tpu.vector_load_idx %arg21[%parallel_loop3A_239, %parallel_loop3A_242] : memref<144x128xf32, #tpu.memory_space<vmem>>[vector<16xi32>, vector<16xi32>], vector<16xf32>,
        %parallel_loop3A_244 = arith.index_cast %parallel_loop3A_156 : i32 to index
        %parallel_loop3A_245 = arith.constant 0 : index
        %parallel_loop3A_246 = tpu.vector_load %arg22[%parallel_loop3A_244, %parallel_loop3A_245] {strides = array<i32>} : memref<96x64xf32, #tpu.memory_space<vmem>>, vector<16xf32>,
        %parallel_loop3A_247 = arith.addi %parallel_loop3A_165, %add3A_7 : vector<16xi32>
        %parallel_loop3A_248 = tpu.vector_load_idx %arg13[%parallel_loop3A_247] : memref<23104xf32, #tpu.memory_space<vmem>>[vector<16xi32>], vector<16xf32>,
        %parallel_loop3A_249 = arith.addf %parallel_loop3A_246, %parallel_loop3A_248 : vector<16xf32>
        %parallel_loop3A_250 = arith.addi %parallel_loop3A_174, %add3A_7 : vector<16xi32>
        %parallel_loop3A_251 = tpu.vector_load_idx %arg14[%parallel_loop3A_250] : memref<32000xf32, #tpu.memory_space<vmem>>[vector<16xi32>], vector<16xf32>,
        %parallel_loop3A_252 = arith.addf %parallel_loop3A_249, %parallel_loop3A_251 : vector<16xf32>
        %parallel_loop3A_253 = arith.addi %parallel_loop3A_180, %add3A_7 : vector<16xi32>
        %parallel_loop3A_254 = tpu.vector_load_idx %arg15[%parallel_loop3A_253] : memref<19200xf32, #tpu.memory_space<vmem>>[vector<16xi32>], vector<16xf32>,
        %parallel_loop3A_255 = arith.addf %parallel_loop3A_252, %parallel_loop3A_254 : vector<16xf32>
        %parallel_loop3A_256 = arith.mulf %parallel_loop3A_193, %get3A_17 : vector<16xf32>
        %parallel_loop3A_257 = arith.addf %parallel_loop3A_255, %parallel_loop3A_256 : vector<16xf32>
        %parallel_loop3A_258 = arith.mulf %parallel_loop3A_203, %get3A_25 : vector<16xf32>
        %parallel_loop3A_259 = arith.addf %parallel_loop3A_257, %parallel_loop3A_258 : vector<16xf32>
        %parallel_loop3A_260 = arith.mulf %parallel_loop3A_213, %get3A_33 : vector<16xf32>
        %parallel_loop3A_261 = arith.addf %parallel_loop3A_259, %parallel_loop3A_260 : vector<16xf32>
        %parallel_loop3A_262 = arith.mulf %parallel_loop3A_223, %get3A_41 : vector<16xf32>
        %parallel_loop3A_263 = arith.addf %parallel_loop3A_261, %parallel_loop3A_262 : vector<16xf32>
        %parallel_loop3A_264 = arith.mulf %parallel_loop3A_233, %get3A_49 : vector<16xf32>
        %parallel_loop3A_265 = arith.addf %parallel_loop3A_263, %parallel_loop3A_264 : vector<16xf32>
        %parallel_loop3A_266 = arith.mulf %parallel_loop3A_243, %get3A_57 : vector<16xf32>
        %parallel_loop3A_267 = arith.addf %parallel_loop3A_265, %parallel_loop3A_266 : vector<16xf32>
        %parallel_loop3A_268 = arith.constant 0.000000e+00 : f32
        %parallel_loop3A_269 = vector.broadcast %parallel_loop3A_268 : f32 to vector<16xf32>
        %parallel_loop3A_270 = arith.maximumf %parallel_loop3A_267, %parallel_loop3A_269 : vector<16xf32>
        %parallel_loop3A_271 = arith.index_cast %parallel_loop3A_156 : i32 to index
        %parallel_loop3A_272 = arith.constant 16 : index
        %parallel_loop3A_273 = tpu.vector_load %arg22[%parallel_loop3A_271, %parallel_loop3A_272] {strides = array<i32>} : memref<96x64xf32, #tpu.memory_space<vmem>>, vector<16xf32>,
        %parallel_loop3A_274 = arith.addi %parallel_loop3A_165, %add3A_10 : vector<16xi32>
        %parallel_loop3A_275 = tpu.vector_load_idx %arg13[%parallel_loop3A_274] : memref<23104xf32, #tpu.memory_space<vmem>>[vector<16xi32>], vector<16xf32>,
        %parallel_loop3A_276 = arith.addf %parallel_loop3A_273, %parallel_loop3A_275 : vector<16xf32>
        %parallel_loop3A_277 = arith.addi %parallel_loop3A_174, %add3A_10 : vector<16xi32>
        %parallel_loop3A_278 = tpu.vector_load_idx %arg14[%parallel_loop3A_277] : memref<32000xf32, #tpu.memory_space<vmem>>[vector<16xi32>], vector<16xf32>,
        %parallel_loop3A_279 = arith.addf %parallel_loop3A_276, %parallel_loop3A_278 : vector<16xf32>
        %parallel_loop3A_280 = arith.addi %parallel_loop3A_180, %add3A_10 : vector<16xi32>
        %parallel_loop3A_281 = tpu.vector_load_idx %arg15[%parallel_loop3A_280] : memref<19200xf32, #tpu.memory_space<vmem>>[vector<16xi32>], vector<16xf32>,
        %parallel_loop3A_282 = arith.addf %parallel_loop3A_279, %parallel_loop3A_281 : vector<16xf32>
        %parallel_loop3A_283 = arith.mulf %parallel_loop3A_193, %get3A_19 : vector<16xf32>
        %parallel_loop3A_284 = arith.addf %parallel_loop3A_282, %parallel_loop3A_283 : vector<16xf32>
        %parallel_loop3A_285 = arith.mulf %parallel_loop3A_203, %get3A_27 : vector<16xf32>
        %parallel_loop3A_286 = arith.addf %parallel_loop3A_284, %parallel_loop3A_285 : vector<16xf32>
        %parallel_loop3A_287 = arith.mulf %parallel_loop3A_213, %get3A_35 : vector<16xf32>
        %parallel_loop3A_288 = arith.addf %parallel_loop3A_286, %parallel_loop3A_287 : vector<16xf32>
        %parallel_loop3A_289 = arith.mulf %parallel_loop3A_223, %get3A_43 : vector<16xf32>
        %parallel_loop3A_290 = arith.addf %parallel_loop3A_288, %parallel_loop3A_289 : vector<16xf32>
        %parallel_loop3A_291 = arith.mulf %parallel_loop3A_233, %get3A_51 : vector<16xf32>
        %parallel_loop3A_292 = arith.addf %parallel_loop3A_290, %parallel_loop3A_291 : vector<16xf32>
        %parallel_loop3A_293 = arith.mulf %parallel_loop3A_243, %get3A_59 : vector<16xf32>
        %parallel_loop3A_294 = arith.addf %parallel_loop3A_292, %parallel_loop3A_293 : vector<16xf32>
        %parallel_loop3A_295 = arith.constant 0.000000e+00 : f32
        %parallel_loop3A_296 = vector.broadcast %parallel_loop3A_295 : f32 to vector<16xf32>
        %parallel_loop3A_297 = arith.maximumf %parallel_loop3A_294, %parallel_loop3A_296 : vector<16xf32>
        %parallel_loop3A_298 = arith.index_cast %parallel_loop3A_156 : i32 to index
        %parallel_loop3A_299 = arith.constant 32 : index
        %parallel_loop3A_300 = tpu.vector_load %arg22[%parallel_loop3A_298, %parallel_loop3A_299] {strides = array<i32>} : memref<96x64xf32, #tpu.memory_space<vmem>>, vector<16xf32>,
        %parallel_loop3A_301 = arith.addi %parallel_loop3A_165, %add3A_13 : vector<16xi32>
        %parallel_loop3A_302 = tpu.vector_load_idx %arg13[%parallel_loop3A_301] : memref<23104xf32, #tpu.memory_space<vmem>>[vector<16xi32>], vector<16xf32>,
        %parallel_loop3A_303 = arith.addf %parallel_loop3A_300, %parallel_loop3A_302 : vector<16xf32>
        %parallel_loop3A_304 = arith.addi %parallel_loop3A_174, %add3A_13 : vector<16xi32>
        %parallel_loop3A_305 = tpu.vector_load_idx %arg14[%parallel_loop3A_304] : memref<32000xf32, #tpu.memory_space<vmem>>[vector<16xi32>], vector<16xf32>,
        %parallel_loop3A_306 = arith.addf %parallel_loop3A_303, %parallel_loop3A_305 : vector<16xf32>
        %parallel_loop3A_307 = arith.addi %parallel_loop3A_180, %add3A_13 : vector<16xi32>
        %parallel_loop3A_308 = tpu.vector_load_idx %arg15[%parallel_loop3A_307] : memref<19200xf32, #tpu.memory_space<vmem>>[vector<16xi32>], vector<16xf32>,
        %parallel_loop3A_309 = arith.addf %parallel_loop3A_306, %parallel_loop3A_308 : vector<16xf32>
        %parallel_loop3A_310 = arith.mulf %parallel_loop3A_193, %get3A_21 : vector<16xf32>
        %parallel_loop3A_311 = arith.addf %parallel_loop3A_309, %parallel_loop3A_310 : vector<16xf32>
        %parallel_loop3A_312 = arith.mulf %parallel_loop3A_203, %get3A_29 : vector<16xf32>
        %parallel_loop3A_313 = arith.addf %parallel_loop3A_311, %parallel_loop3A_312 : vector<16xf32>
        %parallel_loop3A_314 = arith.mulf %parallel_loop3A_213, %get3A_37 : vector<16xf32>
        %parallel_loop3A_315 = arith.addf %parallel_loop3A_313, %parallel_loop3A_314 : vector<16xf32>
        %parallel_loop3A_316 = arith.mulf %parallel_loop3A_223, %get3A_45 : vector<16xf32>
        %parallel_loop3A_317 = arith.addf %parallel_loop3A_315, %parallel_loop3A_316 : vector<16xf32>
        %parallel_loop3A_318 = arith.mulf %parallel_loop3A_233, %get3A_53 : vector<16xf32>
        %parallel_loop3A_319 = arith.addf %parallel_loop3A_317, %parallel_loop3A_318 : vector<16xf32>
        %parallel_loop3A_320 = arith.mulf %parallel_loop3A_243, %get3A_61 : vector<16xf32>
        %parallel_loop3A_321 = arith.addf %parallel_loop3A_319, %parallel_loop3A_320 : vector<16xf32>
        %parallel_loop3A_322 = arith.constant 0.000000e+00 : f32
        %parallel_loop3A_323 = vector.broadcast %parallel_loop3A_322 : f32 to vector<16xf32>
        %parallel_loop3A_324 = arith.maximumf %parallel_loop3A_321, %parallel_loop3A_323 : vector<16xf32>
        %parallel_loop3A_325 = arith.index_cast %parallel_loop3A_156 : i32 to index
        %parallel_loop3A_326 = arith.constant 48 : index
        %parallel_loop3A_327 = tpu.vector_load %arg22[%parallel_loop3A_325, %parallel_loop3A_326] {strides = array<i32>} : memref<96x64xf32, #tpu.memory_space<vmem>>, vector<16xf32>,
        %parallel_loop3A_328 = arith.addi %parallel_loop3A_165, %add3A_16 : vector<16xi32>
        %parallel_loop3A_329 = tpu.vector_load_idx %arg13[%parallel_loop3A_328] : memref<23104xf32, #tpu.memory_space<vmem>>[vector<16xi32>], vector<16xf32>,
        %parallel_loop3A_330 = arith.addf %parallel_loop3A_327, %parallel_loop3A_329 : vector<16xf32>
        %parallel_loop3A_331 = arith.addi %parallel_loop3A_174, %add3A_16 : vector<16xi32>
        %parallel_loop3A_332 = tpu.vector_load_idx %arg14[%parallel_loop3A_331] : memref<32000xf32, #tpu.memory_space<vmem>>[vector<16xi32>], vector<16xf32>,
        %parallel_loop3A_333 = arith.addf %parallel_loop3A_330, %parallel_loop3A_332 : vector<16xf32>
        %parallel_loop3A_334 = arith.addi %parallel_loop3A_180, %add3A_16 : vector<16xi32>
        %parallel_loop3A_335 = tpu.vector_load_idx %arg15[%parallel_loop3A_334] : memref<19200xf32, #tpu.memory_space<vmem>>[vector<16xi32>], vector<16xf32>,
        %parallel_loop3A_336 = arith.addf %parallel_loop3A_333, %parallel_loop3A_335 : vector<16xf32>
        %parallel_loop3A_337 = arith.mulf %parallel_loop3A_193, %get3A_23 : vector<16xf32>
        %parallel_loop3A_338 = arith.addf %parallel_loop3A_336, %parallel_loop3A_337 : vector<16xf32>
        %parallel_loop3A_339 = arith.mulf %parallel_loop3A_203, %get3A_31 : vector<16xf32>
        %parallel_loop3A_340 = arith.addf %parallel_loop3A_338, %parallel_loop3A_339 : vector<16xf32>
        %parallel_loop3A_341 = arith.mulf %parallel_loop3A_213, %get3A_39 : vector<16xf32>
        %parallel_loop3A_342 = arith.addf %parallel_loop3A_340, %parallel_loop3A_341 : vector<16xf32>
        %parallel_loop3A_343 = arith.mulf %parallel_loop3A_223, %get3A_47 : vector<16xf32>
        %parallel_loop3A_344 = arith.addf %parallel_loop3A_342, %parallel_loop3A_343 : vector<16xf32>
        %parallel_loop3A_345 = arith.mulf %parallel_loop3A_233, %get3A_55 : vector<16xf32>
        %parallel_loop3A_346 = arith.addf %parallel_loop3A_344, %parallel_loop3A_345 : vector<16xf32>
        %parallel_loop3A_347 = arith.mulf %parallel_loop3A_243, %get3A_63 : vector<16xf32>
        %parallel_loop3A_348 = arith.addf %parallel_loop3A_346, %parallel_loop3A_347 : vector<16xf32>
        %parallel_loop3A_349 = arith.constant 0.000000e+00 : f32
        %parallel_loop3A_350 = vector.broadcast %parallel_loop3A_349 : f32 to vector<16xf32>
        %parallel_loop3A_351 = arith.maximumf %parallel_loop3A_348, %parallel_loop3A_350 : vector<16xf32>
        %parallel_loop3A_352 = arith.addf %parallel_loop3A_270, %parallel_loop3A_297 : vector<16xf32>
        %parallel_loop3A_353 = arith.addf %parallel_loop3A_324, %parallel_loop3A_351 : vector<16xf32>
        %parallel_loop3A_354 = arith.addf %parallel_loop3A_352, %parallel_loop3A_353 : vector<16xf32>
        %parallel_loop3A_355 = arith.constant true
        %parallel_loop3A_356 = vector.broadcast %parallel_loop3A_355 : i1 to vector<16xi1>
        %parallel_loop3A_357 = tpu.scan <sum>, %parallel_loop3A_354 masked %parallel_loop3A_356 : vector<16xf32>, vector<16xi1> -> vector<16xf32>
        %parallel_loop3A_358 = vector.extract %parallel_loop3A_357[15] : f32 from vector<16xf32>
        %parallel_loop3A_359 = arith.constant 1.562500e-02 : f32
        %parallel_loop3A_360 = arith.mulf %parallel_loop3A_358, %parallel_loop3A_359 : f32
        %parallel_loop3A_361 = vector.broadcast %parallel_loop3A_360 : f32 to vector<16xf32>
        %parallel_loop3A_362 = arith.subf %parallel_loop3A_270, %parallel_loop3A_361 : vector<16xf32>
        %parallel_loop3A_363 = arith.subf %parallel_loop3A_297, %parallel_loop3A_361 : vector<16xf32>
        %parallel_loop3A_364 = arith.subf %parallel_loop3A_324, %parallel_loop3A_361 : vector<16xf32>
        %parallel_loop3A_365 = arith.subf %parallel_loop3A_351, %parallel_loop3A_361 : vector<16xf32>
        %parallel_loop3A_366 = arith.mulf %parallel_loop3A_362, %parallel_loop3A_362 : vector<16xf32>
        %parallel_loop3A_367 = arith.mulf %parallel_loop3A_363, %parallel_loop3A_363 : vector<16xf32>
        %parallel_loop3A_368 = arith.addf %parallel_loop3A_366, %parallel_loop3A_367 : vector<16xf32>
        %parallel_loop3A_369 = arith.mulf %parallel_loop3A_364, %parallel_loop3A_364 : vector<16xf32>
        %parallel_loop3A_370 = arith.mulf %parallel_loop3A_365, %parallel_loop3A_365 : vector<16xf32>
        %parallel_loop3A_371 = arith.addf %parallel_loop3A_369, %parallel_loop3A_370 : vector<16xf32>
        %parallel_loop3A_372 = arith.addf %parallel_loop3A_368, %parallel_loop3A_371 : vector<16xf32>
        %parallel_loop3A_373 = arith.constant true
        %parallel_loop3A_374 = vector.broadcast %parallel_loop3A_373 : i1 to vector<16xi1>
        %parallel_loop3A_375 = tpu.scan <sum>, %parallel_loop3A_372 masked %parallel_loop3A_374 : vector<16xf32>, vector<16xi1> -> vector<16xf32>
        %parallel_loop3A_376 = vector.extract %parallel_loop3A_375[15] : f32 from vector<16xf32>
        %parallel_loop3A_377 = arith.constant 1.562500e-02 : f32
        %parallel_loop3A_378 = arith.mulf %parallel_loop3A_376, %parallel_loop3A_377 : f32
        %parallel_loop3A_379 = arith.constant 9.99999974E-6 : f32
        %parallel_loop3A_380 = arith.addf %parallel_loop3A_378, %parallel_loop3A_379 : f32
        %parallel_loop3A_381 = vector.broadcast %parallel_loop3A_380 : f32 to vector<16xf32>
        %parallel_loop3A_382 = vector.bitcast %parallel_loop3A_381 : vector<16xf32> to vector<16xi32>
        %parallel_loop3A_383 = arith.constant 1597463007 : i32
        %parallel_loop3A_384 = vector.broadcast %parallel_loop3A_383 : i32 to vector<16xi32>
        %parallel_loop3A_385 = arith.constant 1 : i32
        %parallel_loop3A_386 = vector.broadcast %parallel_loop3A_385 : i32 to vector<16xi32>
        %parallel_loop3A_387 = arith.shrsi %parallel_loop3A_382, %parallel_loop3A_386 : vector<16xi32>
        %parallel_loop3A_388 = arith.subi %parallel_loop3A_384, %parallel_loop3A_387 : vector<16xi32>
        %parallel_loop3A_389 = vector.bitcast %parallel_loop3A_388 : vector<16xi32> to vector<16xf32>
        %parallel_loop3A_390 = arith.constant -5.000000e-01 : f32
        %parallel_loop3A_391 = vector.broadcast %parallel_loop3A_390 : f32 to vector<16xf32>
        %parallel_loop3A_392 = arith.mulf %parallel_loop3A_381, %parallel_loop3A_391 : vector<16xf32>
        %parallel_loop3A_393 = arith.mulf %parallel_loop3A_392, %parallel_loop3A_389 : vector<16xf32>
        %parallel_loop3A_394 = arith.mulf %parallel_loop3A_393, %parallel_loop3A_389 : vector<16xf32>
        %parallel_loop3A_395 = arith.constant 1.500000e+00 : f32
        %parallel_loop3A_396 = vector.broadcast %parallel_loop3A_395 : f32 to vector<16xf32>
        %parallel_loop3A_397 = arith.addf %parallel_loop3A_394, %parallel_loop3A_396 : vector<16xf32>
        %parallel_loop3A_398 = arith.mulf %parallel_loop3A_389, %parallel_loop3A_397 : vector<16xf32>
        %parallel_loop3A_399 = arith.mulf %parallel_loop3A_392, %parallel_loop3A_398 : vector<16xf32>
        %parallel_loop3A_400 = arith.mulf %parallel_loop3A_399, %parallel_loop3A_398 : vector<16xf32>
        %parallel_loop3A_401 = arith.constant 1.500000e+00 : f32
        %parallel_loop3A_402 = vector.broadcast %parallel_loop3A_401 : f32 to vector<16xf32>
        %parallel_loop3A_403 = arith.addf %parallel_loop3A_400, %parallel_loop3A_402 : vector<16xf32>
        %parallel_loop3A_404 = arith.mulf %parallel_loop3A_398, %parallel_loop3A_403 : vector<16xf32>
        %parallel_loop3A_405 = arith.constant 64 : i32
        %parallel_loop3A_406 = arith.muli %parallel_loop3A_156, %parallel_loop3A_405 : i32
        %parallel_loop3A_407 = arith.mulf %parallel_loop3A_362, %parallel_loop3A_404 : vector<16xf32>
        %parallel_loop3A_408 = arith.mulf %parallel_loop3A_407, %get3A_65 : vector<16xf32>
        %parallel_loop3A_409 = arith.addf %parallel_loop3A_408, %get3A_73 : vector<16xf32>
        %parallel_loop3A_410 = arith.constant 0 : i32
        %parallel_loop3A_411 = arith.addi %parallel_loop3A_406, %parallel_loop3A_410 : i32
        %parallel_loop3A_412 = arith.index_cast %parallel_loop3A_411 : i32 to index
        %parallel_loop3A_413 = tpu.vector_load %arg24[%parallel_loop3A_412] {strides = array<i32>} : memref<6144xf32, #tpu.memory_space<vmem>>, vector<16xf32>,
        tpu.vector_store %arg24[%parallel_loop3A_412], %parallel_loop3A_409 {strides = array<i32>} : memref<6144xf32, #tpu.memory_space<vmem>>, vector<16xf32>,
        %parallel_loop3A_414 = arith.mulf %parallel_loop3A_363, %parallel_loop3A_404 : vector<16xf32>
        %parallel_loop3A_415 = arith.mulf %parallel_loop3A_414, %get3A_67 : vector<16xf32>
        %parallel_loop3A_416 = arith.addf %parallel_loop3A_415, %get3A_75 : vector<16xf32>
        %parallel_loop3A_417 = arith.constant 16 : i32
        %parallel_loop3A_418 = arith.addi %parallel_loop3A_406, %parallel_loop3A_417 : i32
        %parallel_loop3A_419 = arith.index_cast %parallel_loop3A_418 : i32 to index
        %parallel_loop3A_420 = tpu.vector_load %arg24[%parallel_loop3A_419] {strides = array<i32>} : memref<6144xf32, #tpu.memory_space<vmem>>, vector<16xf32>,
        tpu.vector_store %arg24[%parallel_loop3A_419], %parallel_loop3A_416 {strides = array<i32>} : memref<6144xf32, #tpu.memory_space<vmem>>, vector<16xf32>,
        %parallel_loop3A_421 = arith.mulf %parallel_loop3A_364, %parallel_loop3A_404 : vector<16xf32>
        %parallel_loop3A_422 = arith.mulf %parallel_loop3A_421, %get3A_69 : vector<16xf32>
        %parallel_loop3A_423 = arith.addf %parallel_loop3A_422, %get3A_77 : vector<16xf32>
        %parallel_loop3A_424 = arith.constant 32 : i32
        %parallel_loop3A_425 = arith.addi %parallel_loop3A_406, %parallel_loop3A_424 : i32
        %parallel_loop3A_426 = arith.index_cast %parallel_loop3A_425 : i32 to index
        %parallel_loop3A_427 = tpu.vector_load %arg24[%parallel_loop3A_426] {strides = array<i32>} : memref<6144xf32, #tpu.memory_space<vmem>>, vector<16xf32>,
        tpu.vector_store %arg24[%parallel_loop3A_426], %parallel_loop3A_423 {strides = array<i32>} : memref<6144xf32, #tpu.memory_space<vmem>>, vector<16xf32>,
        %parallel_loop3A_428 = arith.mulf %parallel_loop3A_365, %parallel_loop3A_404 : vector<16xf32>
        %parallel_loop3A_429 = arith.mulf %parallel_loop3A_428, %get3A_71 : vector<16xf32>
        %parallel_loop3A_430 = arith.addf %parallel_loop3A_429, %get3A_79 : vector<16xf32>
        %parallel_loop3A_431 = arith.constant 48 : i32
        %parallel_loop3A_432 = arith.addi %parallel_loop3A_406, %parallel_loop3A_431 : i32
        %parallel_loop3A_433 = arith.index_cast %parallel_loop3A_432 : i32 to index
        %parallel_loop3A_434 = tpu.vector_load %arg24[%parallel_loop3A_433] {strides = array<i32>} : memref<6144xf32, #tpu.memory_space<vmem>>, vector<16xf32>,
        tpu.vector_store %arg24[%parallel_loop3A_433], %parallel_loop3A_430 {strides = array<i32>} : memref<6144xf32, #tpu.memory_space<vmem>>, vector<16xf32>,
      } {sc.loop_unroll_factor = 2 : i64, sc.parallel_access}
      %mul3A_122 = arith.constant 96 : i32
      %mul3A_123 = arith.muli %mul3A_101, %mul3A_122 : i32
      %add3A_124 = arith.addi %mul3A_2, %mul3A_123 : i32
      %mul3A_125 = arith.constant 64 : i32
      %mul3A_126 = arith.muli %add3A_124, %mul3A_125 : i32
      %dma_start3A_127 = tpu.memref_slice %arg12[%mul3A_126] : memref<6291456xf32, #tpu.memory_space<hbm>> -> memref<6144xf32, #tpu.memory_space<hbm>>
      %dma_start3A_128 = tpu.memref_slice %arg12[%mul3A_126] : memref<6291456xf32, #tpu.memory_space<hbm>> -> memref<6144xf32, #tpu.memory_space<hbm>>
      tpu.enqueue_dma source(%arg24 : memref<6144xf32, #tpu.memory_space<vmem>>) target(%dma_start3A_128 : memref<6144xf32, #tpu.memory_space<hbm>>) target_semaphore(%arg28 : memref<!tpu.dma_semaphore, #tpu.memory_space<semaphore_mem>>)
      %lt3A = arith.constant 15 : i32
      %lt3A_129 = arith.cmpi slt, %scan3A_99, %lt3A : i32
      %convert_element_type3A_130 = arith.extui %lt3A_129 : i1 to i32
      %cond3A_131 = arith.constant 0 : i32
      %cond3A_132 = arith.cmpi ne, %convert_element_type3A_130, %cond3A_131 : i32
      scf.if %cond3A_132 {
        %add3A_156 = arith.constant 2 : i32
        %add3A_157 = arith.addi %mul3A_101, %add3A_156 : i32
        %mul3A_158 = arith.constant 96 : i32
        %mul3A_159 = arith.muli %add3A_157, %mul3A_158 : i32
        %dma_start3A_160 = tpu.memref_slice %arg19[%mul3A_159] : memref<3072xi32, #tpu.memory_space<vmem>> -> memref<96xi32, #tpu.memory_space<vmem>>
        %dma_start3A_161 = arith.constant 0 : i32
        %dma_start3A_162 = arith.constant 0 : i32
        %dma_start3A_163 = tpu.memref_slice %arg5[%dma_start3A_161, %dma_start3A_162] : memref<1600x64xf32, #tpu.memory_space<hbm>> -> memref<1600x64xf32, #tpu.memory_space<hbm>>
        tpu.enqueue_indirect_dma source(%dma_start3A_163 : memref<1600x64xf32, #tpu.memory_space<hbm>>) target(%arg22 : memref<96x64xf32, #tpu.memory_space<vmem>>) offsets(%dma_start3A_160 : memref<96xi32, #tpu.memory_space<vmem>>) semaphore(%arg26 : memref<!tpu.dma_semaphore, #tpu.memory_space<semaphore_mem>>)
      } else {
      }
      %mul3A_133 = arith.constant 96 : i32
      %mul3A_134 = arith.muli %add3A_103, %mul3A_133 : i32
      %dma_wait3A_135 = tpu.memref_slice %arg19[%mul3A_134] : memref<3072xi32, #tpu.memory_space<vmem>> -> memref<96xi32, #tpu.memory_space<vmem>>
      %dma_wait3A_136 = arith.constant 0 : i32
      %dma_wait3A_137 = arith.constant 0 : i32
      %dma_wait3A_138 = tpu.memref_slice %arg5[%dma_wait3A_136, %dma_wait3A_137] : memref<1600x64xf32, #tpu.memory_space<hbm>> -> memref<1600x64xf32, #tpu.memory_space<hbm>>
      tpu.wait_indirect_dma semaphore(%arg27 : memref<!tpu.dma_semaphore, #tpu.memory_space<semaphore_mem>>) src(%dma_wait3A_138 : memref<1600x64xf32, #tpu.memory_space<hbm>>) dst(%arg23 : memref<96x64xf32, #tpu.memory_space<vmem>>)
      %gt3A_139 = arith.constant 0 : i32
      %gt3A_140 = arith.cmpi sgt, %scan3A_99, %gt3A_139 : i32
      %convert_element_type3A_141 = arith.extui %gt3A_140 : i1 to i32
      %cond3A_142 = arith.constant 0 : i32
      %cond3A_143 = arith.cmpi ne, %convert_element_type3A_141, %cond3A_142 : i32
      scf.if %cond3A_143 {
        %mul3A_156 = arith.constant 96 : i32
        %mul3A_157 = arith.muli %add3A_103, %mul3A_156 : i32
        %add3A_158 = arith.addi %mul3A_2, %mul3A_157 : i32
        %mul3A_159 = arith.constant 64 : i32
        %mul3A_160 = arith.muli %add3A_158, %mul3A_159 : i32
        %dma_wait3A_161 = tpu.memref_slice %arg12[%mul3A_160] : memref<6291456xf32, #tpu.memory_space<hbm>> -> memref<6144xf32, #tpu.memory_space<hbm>>
        %dma_wait3A_162 = tpu.memref_slice %arg12[%mul3A_160] : memref<6291456xf32, #tpu.memory_space<hbm>> -> memref<6144xf32, #tpu.memory_space<hbm>>
        tpu.wait_dma2 semaphore(%arg29 : memref<!tpu.dma_semaphore, #tpu.memory_space<semaphore_mem>>) src(%arg25 : memref<6144xf32, #tpu.memory_space<vmem>>) dst(%dma_wait3A_162 : memref<6144xf32, #tpu.memory_space<hbm>>)
      } else {
      }
      %mul3A_144 = arith.constant 96 : i32
      %mul3A_145 = arith.muli %add3A_103, %mul3A_144 : i32
      %parallel_loop3A_146 = arith.constant 0 : i32
      %parallel_loop3A_147 = arith.constant 96 : i32
      %parallel_loop3A_148 = arith.constant 1 : i32
      scf.for %parallel_loop3A_156 = %parallel_loop3A_146 to %parallel_loop3A_147 step %parallel_loop3A_148  : i32 {
        %parallel_loop3A_157 = arith.addi %mul3A_145, %parallel_loop3A_156 : i32
        %parallel_loop3A_158 = vector.broadcast %parallel_loop3A_157 : i32 to vector<16xi32>
        %parallel_loop3A_159 = tpu.vector_load_idx %arg20[%parallel_loop3A_158] : memref<3072xi32, #tpu.memory_space<vmem>>[vector<16xi32>], vector<16xi32>,
        %parallel_loop3A_160 = arith.constant 511 : i32
        %parallel_loop3A_161 = vector.broadcast %parallel_loop3A_160 : i32 to vector<16xi32>
        %parallel_loop3A_162 = arith.andi %parallel_loop3A_159, %parallel_loop3A_161 : vector<16xi32>
        %parallel_loop3A_163 = arith.constant 64 : i32
        %parallel_loop3A_164 = vector.broadcast %parallel_loop3A_163 : i32 to vector<16xi32>
        %parallel_loop3A_165 = arith.muli %parallel_loop3A_162, %parallel_loop3A_164 : vector<16xi32>
        %parallel_loop3A_166 = arith.constant 9 : i32
        %parallel_loop3A_167 = vector.broadcast %parallel_loop3A_166 : i32 to vector<16xi32>
        %parallel_loop3A_168 = arith.shrsi %parallel_loop3A_159, %parallel_loop3A_167 : vector<16xi32>
        %parallel_loop3A_169 = arith.constant 511 : i32
        %parallel_loop3A_170 = vector.broadcast %parallel_loop3A_169 : i32 to vector<16xi32>
        %parallel_loop3A_171 = arith.andi %parallel_loop3A_168, %parallel_loop3A_170 : vector<16xi32>
        %parallel_loop3A_172 = arith.constant 64 : i32
        %parallel_loop3A_173 = vector.broadcast %parallel_loop3A_172 : i32 to vector<16xi32>
        %parallel_loop3A_174 = arith.muli %parallel_loop3A_171, %parallel_loop3A_173 : vector<16xi32>
        %parallel_loop3A_175 = arith.constant 18 : i32
        %parallel_loop3A_176 = vector.broadcast %parallel_loop3A_175 : i32 to vector<16xi32>
        %parallel_loop3A_177 = arith.shrsi %parallel_loop3A_159, %parallel_loop3A_176 : vector<16xi32>
        %parallel_loop3A_178 = arith.constant 64 : i32
        %parallel_loop3A_179 = vector.broadcast %parallel_loop3A_178 : i32 to vector<16xi32>
        %parallel_loop3A_180 = arith.muli %parallel_loop3A_177, %parallel_loop3A_179 : vector<16xi32>
        %parallel_loop3A_181 = arith.constant 6 : i32
        %parallel_loop3A_182 = vector.broadcast %parallel_loop3A_181 : i32 to vector<16xi32>
        %parallel_loop3A_183 = arith.muli %parallel_loop3A_158, %parallel_loop3A_182 : vector<16xi32>
        %parallel_loop3A_184 = arith.constant 0 : i32
        %parallel_loop3A_185 = vector.broadcast %parallel_loop3A_184 : i32 to vector<16xi32>
        %parallel_loop3A_186 = arith.addi %parallel_loop3A_183, %parallel_loop3A_185 : vector<16xi32>
        %parallel_loop3A_187 = arith.constant 7 : i32
        %parallel_loop3A_188 = vector.broadcast %parallel_loop3A_187 : i32 to vector<16xi32>
        %parallel_loop3A_189 = arith.shrsi %parallel_loop3A_186, %parallel_loop3A_188 : vector<16xi32>
        %parallel_loop3A_190 = arith.constant 127 : i32
        %parallel_loop3A_191 = vector.broadcast %parallel_loop3A_190 : i32 to vector<16xi32>
        %parallel_loop3A_192 = arith.andi %parallel_loop3A_186, %parallel_loop3A_191 : vector<16xi32>
        %parallel_loop3A_193 = tpu.vector_load_idx %arg21[%parallel_loop3A_189, %parallel_loop3A_192] : memref<144x128xf32, #tpu.memory_space<vmem>>[vector<16xi32>, vector<16xi32>], vector<16xf32>,
        %parallel_loop3A_194 = arith.constant 1 : i32
        %parallel_loop3A_195 = vector.broadcast %parallel_loop3A_194 : i32 to vector<16xi32>
        %parallel_loop3A_196 = arith.addi %parallel_loop3A_183, %parallel_loop3A_195 : vector<16xi32>
        %parallel_loop3A_197 = arith.constant 7 : i32
        %parallel_loop3A_198 = vector.broadcast %parallel_loop3A_197 : i32 to vector<16xi32>
        %parallel_loop3A_199 = arith.shrsi %parallel_loop3A_196, %parallel_loop3A_198 : vector<16xi32>
        %parallel_loop3A_200 = arith.constant 127 : i32
        %parallel_loop3A_201 = vector.broadcast %parallel_loop3A_200 : i32 to vector<16xi32>
        %parallel_loop3A_202 = arith.andi %parallel_loop3A_196, %parallel_loop3A_201 : vector<16xi32>
        %parallel_loop3A_203 = tpu.vector_load_idx %arg21[%parallel_loop3A_199, %parallel_loop3A_202] : memref<144x128xf32, #tpu.memory_space<vmem>>[vector<16xi32>, vector<16xi32>], vector<16xf32>,
        %parallel_loop3A_204 = arith.constant 2 : i32
        %parallel_loop3A_205 = vector.broadcast %parallel_loop3A_204 : i32 to vector<16xi32>
        %parallel_loop3A_206 = arith.addi %parallel_loop3A_183, %parallel_loop3A_205 : vector<16xi32>
        %parallel_loop3A_207 = arith.constant 7 : i32
        %parallel_loop3A_208 = vector.broadcast %parallel_loop3A_207 : i32 to vector<16xi32>
        %parallel_loop3A_209 = arith.shrsi %parallel_loop3A_206, %parallel_loop3A_208 : vector<16xi32>
        %parallel_loop3A_210 = arith.constant 127 : i32
        %parallel_loop3A_211 = vector.broadcast %parallel_loop3A_210 : i32 to vector<16xi32>
        %parallel_loop3A_212 = arith.andi %parallel_loop3A_206, %parallel_loop3A_211 : vector<16xi32>
        %parallel_loop3A_213 = tpu.vector_load_idx %arg21[%parallel_loop3A_209, %parallel_loop3A_212] : memref<144x128xf32, #tpu.memory_space<vmem>>[vector<16xi32>, vector<16xi32>], vector<16xf32>,
        %parallel_loop3A_214 = arith.constant 3 : i32
        %parallel_loop3A_215 = vector.broadcast %parallel_loop3A_214 : i32 to vector<16xi32>
        %parallel_loop3A_216 = arith.addi %parallel_loop3A_183, %parallel_loop3A_215 : vector<16xi32>
        %parallel_loop3A_217 = arith.constant 7 : i32
        %parallel_loop3A_218 = vector.broadcast %parallel_loop3A_217 : i32 to vector<16xi32>
        %parallel_loop3A_219 = arith.shrsi %parallel_loop3A_216, %parallel_loop3A_218 : vector<16xi32>
        %parallel_loop3A_220 = arith.constant 127 : i32
        %parallel_loop3A_221 = vector.broadcast %parallel_loop3A_220 : i32 to vector<16xi32>
        %parallel_loop3A_222 = arith.andi %parallel_loop3A_216, %parallel_loop3A_221 : vector<16xi32>
        %parallel_loop3A_223 = tpu.vector_load_idx %arg21[%parallel_loop3A_219, %parallel_loop3A_222] : memref<144x128xf32, #tpu.memory_space<vmem>>[vector<16xi32>, vector<16xi32>], vector<16xf32>,
        %parallel_loop3A_224 = arith.constant 4 : i32
        %parallel_loop3A_225 = vector.broadcast %parallel_loop3A_224 : i32 to vector<16xi32>
        %parallel_loop3A_226 = arith.addi %parallel_loop3A_183, %parallel_loop3A_225 : vector<16xi32>
        %parallel_loop3A_227 = arith.constant 7 : i32
        %parallel_loop3A_228 = vector.broadcast %parallel_loop3A_227 : i32 to vector<16xi32>
        %parallel_loop3A_229 = arith.shrsi %parallel_loop3A_226, %parallel_loop3A_228 : vector<16xi32>
        %parallel_loop3A_230 = arith.constant 127 : i32
        %parallel_loop3A_231 = vector.broadcast %parallel_loop3A_230 : i32 to vector<16xi32>
        %parallel_loop3A_232 = arith.andi %parallel_loop3A_226, %parallel_loop3A_231 : vector<16xi32>
        %parallel_loop3A_233 = tpu.vector_load_idx %arg21[%parallel_loop3A_229, %parallel_loop3A_232] : memref<144x128xf32, #tpu.memory_space<vmem>>[vector<16xi32>, vector<16xi32>], vector<16xf32>,
        %parallel_loop3A_234 = arith.constant 5 : i32
        %parallel_loop3A_235 = vector.broadcast %parallel_loop3A_234 : i32 to vector<16xi32>
        %parallel_loop3A_236 = arith.addi %parallel_loop3A_183, %parallel_loop3A_235 : vector<16xi32>
        %parallel_loop3A_237 = arith.constant 7 : i32
        %parallel_loop3A_238 = vector.broadcast %parallel_loop3A_237 : i32 to vector<16xi32>
        %parallel_loop3A_239 = arith.shrsi %parallel_loop3A_236, %parallel_loop3A_238 : vector<16xi32>
        %parallel_loop3A_240 = arith.constant 127 : i32
        %parallel_loop3A_241 = vector.broadcast %parallel_loop3A_240 : i32 to vector<16xi32>
        %parallel_loop3A_242 = arith.andi %parallel_loop3A_236, %parallel_loop3A_241 : vector<16xi32>
        %parallel_loop3A_243 = tpu.vector_load_idx %arg21[%parallel_loop3A_239, %parallel_loop3A_242] : memref<144x128xf32, #tpu.memory_space<vmem>>[vector<16xi32>, vector<16xi32>], vector<16xf32>,
        %parallel_loop3A_244 = arith.index_cast %parallel_loop3A_156 : i32 to index
        %parallel_loop3A_245 = arith.constant 0 : index
        %parallel_loop3A_246 = tpu.vector_load %arg23[%parallel_loop3A_244, %parallel_loop3A_245] {strides = array<i32>} : memref<96x64xf32, #tpu.memory_space<vmem>>, vector<16xf32>,
        %parallel_loop3A_247 = arith.addi %parallel_loop3A_165, %add3A_7 : vector<16xi32>
        %parallel_loop3A_248 = tpu.vector_load_idx %arg13[%parallel_loop3A_247] : memref<23104xf32, #tpu.memory_space<vmem>>[vector<16xi32>], vector<16xf32>,
        %parallel_loop3A_249 = arith.addf %parallel_loop3A_246, %parallel_loop3A_248 : vector<16xf32>
        %parallel_loop3A_250 = arith.addi %parallel_loop3A_174, %add3A_7 : vector<16xi32>
        %parallel_loop3A_251 = tpu.vector_load_idx %arg14[%parallel_loop3A_250] : memref<32000xf32, #tpu.memory_space<vmem>>[vector<16xi32>], vector<16xf32>,
        %parallel_loop3A_252 = arith.addf %parallel_loop3A_249, %parallel_loop3A_251 : vector<16xf32>
        %parallel_loop3A_253 = arith.addi %parallel_loop3A_180, %add3A_7 : vector<16xi32>
        %parallel_loop3A_254 = tpu.vector_load_idx %arg15[%parallel_loop3A_253] : memref<19200xf32, #tpu.memory_space<vmem>>[vector<16xi32>], vector<16xf32>,
        %parallel_loop3A_255 = arith.addf %parallel_loop3A_252, %parallel_loop3A_254 : vector<16xf32>
        %parallel_loop3A_256 = arith.mulf %parallel_loop3A_193, %get3A_17 : vector<16xf32>
        %parallel_loop3A_257 = arith.addf %parallel_loop3A_255, %parallel_loop3A_256 : vector<16xf32>
        %parallel_loop3A_258 = arith.mulf %parallel_loop3A_203, %get3A_25 : vector<16xf32>
        %parallel_loop3A_259 = arith.addf %parallel_loop3A_257, %parallel_loop3A_258 : vector<16xf32>
        %parallel_loop3A_260 = arith.mulf %parallel_loop3A_213, %get3A_33 : vector<16xf32>
        %parallel_loop3A_261 = arith.addf %parallel_loop3A_259, %parallel_loop3A_260 : vector<16xf32>
        %parallel_loop3A_262 = arith.mulf %parallel_loop3A_223, %get3A_41 : vector<16xf32>
        %parallel_loop3A_263 = arith.addf %parallel_loop3A_261, %parallel_loop3A_262 : vector<16xf32>
        %parallel_loop3A_264 = arith.mulf %parallel_loop3A_233, %get3A_49 : vector<16xf32>
        %parallel_loop3A_265 = arith.addf %parallel_loop3A_263, %parallel_loop3A_264 : vector<16xf32>
        %parallel_loop3A_266 = arith.mulf %parallel_loop3A_243, %get3A_57 : vector<16xf32>
        %parallel_loop3A_267 = arith.addf %parallel_loop3A_265, %parallel_loop3A_266 : vector<16xf32>
        %parallel_loop3A_268 = arith.constant 0.000000e+00 : f32
        %parallel_loop3A_269 = vector.broadcast %parallel_loop3A_268 : f32 to vector<16xf32>
        %parallel_loop3A_270 = arith.maximumf %parallel_loop3A_267, %parallel_loop3A_269 : vector<16xf32>
        %parallel_loop3A_271 = arith.index_cast %parallel_loop3A_156 : i32 to index
        %parallel_loop3A_272 = arith.constant 16 : index
        %parallel_loop3A_273 = tpu.vector_load %arg23[%parallel_loop3A_271, %parallel_loop3A_272] {strides = array<i32>} : memref<96x64xf32, #tpu.memory_space<vmem>>, vector<16xf32>,
        %parallel_loop3A_274 = arith.addi %parallel_loop3A_165, %add3A_10 : vector<16xi32>
        %parallel_loop3A_275 = tpu.vector_load_idx %arg13[%parallel_loop3A_274] : memref<23104xf32, #tpu.memory_space<vmem>>[vector<16xi32>], vector<16xf32>,
        %parallel_loop3A_276 = arith.addf %parallel_loop3A_273, %parallel_loop3A_275 : vector<16xf32>
        %parallel_loop3A_277 = arith.addi %parallel_loop3A_174, %add3A_10 : vector<16xi32>
        %parallel_loop3A_278 = tpu.vector_load_idx %arg14[%parallel_loop3A_277] : memref<32000xf32, #tpu.memory_space<vmem>>[vector<16xi32>], vector<16xf32>,
        %parallel_loop3A_279 = arith.addf %parallel_loop3A_276, %parallel_loop3A_278 : vector<16xf32>
        %parallel_loop3A_280 = arith.addi %parallel_loop3A_180, %add3A_10 : vector<16xi32>
        %parallel_loop3A_281 = tpu.vector_load_idx %arg15[%parallel_loop3A_280] : memref<19200xf32, #tpu.memory_space<vmem>>[vector<16xi32>], vector<16xf32>,
        %parallel_loop3A_282 = arith.addf %parallel_loop3A_279, %parallel_loop3A_281 : vector<16xf32>
        %parallel_loop3A_283 = arith.mulf %parallel_loop3A_193, %get3A_19 : vector<16xf32>
        %parallel_loop3A_284 = arith.addf %parallel_loop3A_282, %parallel_loop3A_283 : vector<16xf32>
        %parallel_loop3A_285 = arith.mulf %parallel_loop3A_203, %get3A_27 : vector<16xf32>
        %parallel_loop3A_286 = arith.addf %parallel_loop3A_284, %parallel_loop3A_285 : vector<16xf32>
        %parallel_loop3A_287 = arith.mulf %parallel_loop3A_213, %get3A_35 : vector<16xf32>
        %parallel_loop3A_288 = arith.addf %parallel_loop3A_286, %parallel_loop3A_287 : vector<16xf32>
        %parallel_loop3A_289 = arith.mulf %parallel_loop3A_223, %get3A_43 : vector<16xf32>
        %parallel_loop3A_290 = arith.addf %parallel_loop3A_288, %parallel_loop3A_289 : vector<16xf32>
        %parallel_loop3A_291 = arith.mulf %parallel_loop3A_233, %get3A_51 : vector<16xf32>
        %parallel_loop3A_292 = arith.addf %parallel_loop3A_290, %parallel_loop3A_291 : vector<16xf32>
        %parallel_loop3A_293 = arith.mulf %parallel_loop3A_243, %get3A_59 : vector<16xf32>
        %parallel_loop3A_294 = arith.addf %parallel_loop3A_292, %parallel_loop3A_293 : vector<16xf32>
        %parallel_loop3A_295 = arith.constant 0.000000e+00 : f32
        %parallel_loop3A_296 = vector.broadcast %parallel_loop3A_295 : f32 to vector<16xf32>
        %parallel_loop3A_297 = arith.maximumf %parallel_loop3A_294, %parallel_loop3A_296 : vector<16xf32>
        %parallel_loop3A_298 = arith.index_cast %parallel_loop3A_156 : i32 to index
        %parallel_loop3A_299 = arith.constant 32 : index
        %parallel_loop3A_300 = tpu.vector_load %arg23[%parallel_loop3A_298, %parallel_loop3A_299] {strides = array<i32>} : memref<96x64xf32, #tpu.memory_space<vmem>>, vector<16xf32>,
        %parallel_loop3A_301 = arith.addi %parallel_loop3A_165, %add3A_13 : vector<16xi32>
        %parallel_loop3A_302 = tpu.vector_load_idx %arg13[%parallel_loop3A_301] : memref<23104xf32, #tpu.memory_space<vmem>>[vector<16xi32>], vector<16xf32>,
        %parallel_loop3A_303 = arith.addf %parallel_loop3A_300, %parallel_loop3A_302 : vector<16xf32>
        %parallel_loop3A_304 = arith.addi %parallel_loop3A_174, %add3A_13 : vector<16xi32>
        %parallel_loop3A_305 = tpu.vector_load_idx %arg14[%parallel_loop3A_304] : memref<32000xf32, #tpu.memory_space<vmem>>[vector<16xi32>], vector<16xf32>,
        %parallel_loop3A_306 = arith.addf %parallel_loop3A_303, %parallel_loop3A_305 : vector<16xf32>
        %parallel_loop3A_307 = arith.addi %parallel_loop3A_180, %add3A_13 : vector<16xi32>
        %parallel_loop3A_308 = tpu.vector_load_idx %arg15[%parallel_loop3A_307] : memref<19200xf32, #tpu.memory_space<vmem>>[vector<16xi32>], vector<16xf32>,
        %parallel_loop3A_309 = arith.addf %parallel_loop3A_306, %parallel_loop3A_308 : vector<16xf32>
        %parallel_loop3A_310 = arith.mulf %parallel_loop3A_193, %get3A_21 : vector<16xf32>
        %parallel_loop3A_311 = arith.addf %parallel_loop3A_309, %parallel_loop3A_310 : vector<16xf32>
        %parallel_loop3A_312 = arith.mulf %parallel_loop3A_203, %get3A_29 : vector<16xf32>
        %parallel_loop3A_313 = arith.addf %parallel_loop3A_311, %parallel_loop3A_312 : vector<16xf32>
        %parallel_loop3A_314 = arith.mulf %parallel_loop3A_213, %get3A_37 : vector<16xf32>
        %parallel_loop3A_315 = arith.addf %parallel_loop3A_313, %parallel_loop3A_314 : vector<16xf32>
        %parallel_loop3A_316 = arith.mulf %parallel_loop3A_223, %get3A_45 : vector<16xf32>
        %parallel_loop3A_317 = arith.addf %parallel_loop3A_315, %parallel_loop3A_316 : vector<16xf32>
        %parallel_loop3A_318 = arith.mulf %parallel_loop3A_233, %get3A_53 : vector<16xf32>
        %parallel_loop3A_319 = arith.addf %parallel_loop3A_317, %parallel_loop3A_318 : vector<16xf32>
        %parallel_loop3A_320 = arith.mulf %parallel_loop3A_243, %get3A_61 : vector<16xf32>
        %parallel_loop3A_321 = arith.addf %parallel_loop3A_319, %parallel_loop3A_320 : vector<16xf32>
        %parallel_loop3A_322 = arith.constant 0.000000e+00 : f32
        %parallel_loop3A_323 = vector.broadcast %parallel_loop3A_322 : f32 to vector<16xf32>
        %parallel_loop3A_324 = arith.maximumf %parallel_loop3A_321, %parallel_loop3A_323 : vector<16xf32>
        %parallel_loop3A_325 = arith.index_cast %parallel_loop3A_156 : i32 to index
        %parallel_loop3A_326 = arith.constant 48 : index
        %parallel_loop3A_327 = tpu.vector_load %arg23[%parallel_loop3A_325, %parallel_loop3A_326] {strides = array<i32>} : memref<96x64xf32, #tpu.memory_space<vmem>>, vector<16xf32>,
        %parallel_loop3A_328 = arith.addi %parallel_loop3A_165, %add3A_16 : vector<16xi32>
        %parallel_loop3A_329 = tpu.vector_load_idx %arg13[%parallel_loop3A_328] : memref<23104xf32, #tpu.memory_space<vmem>>[vector<16xi32>], vector<16xf32>,
        %parallel_loop3A_330 = arith.addf %parallel_loop3A_327, %parallel_loop3A_329 : vector<16xf32>
        %parallel_loop3A_331 = arith.addi %parallel_loop3A_174, %add3A_16 : vector<16xi32>
        %parallel_loop3A_332 = tpu.vector_load_idx %arg14[%parallel_loop3A_331] : memref<32000xf32, #tpu.memory_space<vmem>>[vector<16xi32>], vector<16xf32>,
        %parallel_loop3A_333 = arith.addf %parallel_loop3A_330, %parallel_loop3A_332 : vector<16xf32>
        %parallel_loop3A_334 = arith.addi %parallel_loop3A_180, %add3A_16 : vector<16xi32>
        %parallel_loop3A_335 = tpu.vector_load_idx %arg15[%parallel_loop3A_334] : memref<19200xf32, #tpu.memory_space<vmem>>[vector<16xi32>], vector<16xf32>,
        %parallel_loop3A_336 = arith.addf %parallel_loop3A_333, %parallel_loop3A_335 : vector<16xf32>
        %parallel_loop3A_337 = arith.mulf %parallel_loop3A_193, %get3A_23 : vector<16xf32>
        %parallel_loop3A_338 = arith.addf %parallel_loop3A_336, %parallel_loop3A_337 : vector<16xf32>
        %parallel_loop3A_339 = arith.mulf %parallel_loop3A_203, %get3A_31 : vector<16xf32>
        %parallel_loop3A_340 = arith.addf %parallel_loop3A_338, %parallel_loop3A_339 : vector<16xf32>
        %parallel_loop3A_341 = arith.mulf %parallel_loop3A_213, %get3A_39 : vector<16xf32>
        %parallel_loop3A_342 = arith.addf %parallel_loop3A_340, %parallel_loop3A_341 : vector<16xf32>
        %parallel_loop3A_343 = arith.mulf %parallel_loop3A_223, %get3A_47 : vector<16xf32>
        %parallel_loop3A_344 = arith.addf %parallel_loop3A_342, %parallel_loop3A_343 : vector<16xf32>
        %parallel_loop3A_345 = arith.mulf %parallel_loop3A_233, %get3A_55 : vector<16xf32>
        %parallel_loop3A_346 = arith.addf %parallel_loop3A_344, %parallel_loop3A_345 : vector<16xf32>
        %parallel_loop3A_347 = arith.mulf %parallel_loop3A_243, %get3A_63 : vector<16xf32>
        %parallel_loop3A_348 = arith.addf %parallel_loop3A_346, %parallel_loop3A_347 : vector<16xf32>
        %parallel_loop3A_349 = arith.constant 0.000000e+00 : f32
        %parallel_loop3A_350 = vector.broadcast %parallel_loop3A_349 : f32 to vector<16xf32>
        %parallel_loop3A_351 = arith.maximumf %parallel_loop3A_348, %parallel_loop3A_350 : vector<16xf32>
        %parallel_loop3A_352 = arith.addf %parallel_loop3A_270, %parallel_loop3A_297 : vector<16xf32>
        %parallel_loop3A_353 = arith.addf %parallel_loop3A_324, %parallel_loop3A_351 : vector<16xf32>
        %parallel_loop3A_354 = arith.addf %parallel_loop3A_352, %parallel_loop3A_353 : vector<16xf32>
        %parallel_loop3A_355 = arith.constant true
        %parallel_loop3A_356 = vector.broadcast %parallel_loop3A_355 : i1 to vector<16xi1>
        %parallel_loop3A_357 = tpu.scan <sum>, %parallel_loop3A_354 masked %parallel_loop3A_356 : vector<16xf32>, vector<16xi1> -> vector<16xf32>
        %parallel_loop3A_358 = vector.extract %parallel_loop3A_357[15] : f32 from vector<16xf32>
        %parallel_loop3A_359 = arith.constant 1.562500e-02 : f32
        %parallel_loop3A_360 = arith.mulf %parallel_loop3A_358, %parallel_loop3A_359 : f32
        %parallel_loop3A_361 = vector.broadcast %parallel_loop3A_360 : f32 to vector<16xf32>
        %parallel_loop3A_362 = arith.subf %parallel_loop3A_270, %parallel_loop3A_361 : vector<16xf32>
        %parallel_loop3A_363 = arith.subf %parallel_loop3A_297, %parallel_loop3A_361 : vector<16xf32>
        %parallel_loop3A_364 = arith.subf %parallel_loop3A_324, %parallel_loop3A_361 : vector<16xf32>
        %parallel_loop3A_365 = arith.subf %parallel_loop3A_351, %parallel_loop3A_361 : vector<16xf32>
        %parallel_loop3A_366 = arith.mulf %parallel_loop3A_362, %parallel_loop3A_362 : vector<16xf32>
        %parallel_loop3A_367 = arith.mulf %parallel_loop3A_363, %parallel_loop3A_363 : vector<16xf32>
        %parallel_loop3A_368 = arith.addf %parallel_loop3A_366, %parallel_loop3A_367 : vector<16xf32>
        %parallel_loop3A_369 = arith.mulf %parallel_loop3A_364, %parallel_loop3A_364 : vector<16xf32>
        %parallel_loop3A_370 = arith.mulf %parallel_loop3A_365, %parallel_loop3A_365 : vector<16xf32>
        %parallel_loop3A_371 = arith.addf %parallel_loop3A_369, %parallel_loop3A_370 : vector<16xf32>
        %parallel_loop3A_372 = arith.addf %parallel_loop3A_368, %parallel_loop3A_371 : vector<16xf32>
        %parallel_loop3A_373 = arith.constant true
        %parallel_loop3A_374 = vector.broadcast %parallel_loop3A_373 : i1 to vector<16xi1>
        %parallel_loop3A_375 = tpu.scan <sum>, %parallel_loop3A_372 masked %parallel_loop3A_374 : vector<16xf32>, vector<16xi1> -> vector<16xf32>
        %parallel_loop3A_376 = vector.extract %parallel_loop3A_375[15] : f32 from vector<16xf32>
        %parallel_loop3A_377 = arith.constant 1.562500e-02 : f32
        %parallel_loop3A_378 = arith.mulf %parallel_loop3A_376, %parallel_loop3A_377 : f32
        %parallel_loop3A_379 = arith.constant 9.99999974E-6 : f32
        %parallel_loop3A_380 = arith.addf %parallel_loop3A_378, %parallel_loop3A_379 : f32
        %parallel_loop3A_381 = vector.broadcast %parallel_loop3A_380 : f32 to vector<16xf32>
        %parallel_loop3A_382 = vector.bitcast %parallel_loop3A_381 : vector<16xf32> to vector<16xi32>
        %parallel_loop3A_383 = arith.constant 1597463007 : i32
        %parallel_loop3A_384 = vector.broadcast %parallel_loop3A_383 : i32 to vector<16xi32>
        %parallel_loop3A_385 = arith.constant 1 : i32
        %parallel_loop3A_386 = vector.broadcast %parallel_loop3A_385 : i32 to vector<16xi32>
        %parallel_loop3A_387 = arith.shrsi %parallel_loop3A_382, %parallel_loop3A_386 : vector<16xi32>
        %parallel_loop3A_388 = arith.subi %parallel_loop3A_384, %parallel_loop3A_387 : vector<16xi32>
        %parallel_loop3A_389 = vector.bitcast %parallel_loop3A_388 : vector<16xi32> to vector<16xf32>
        %parallel_loop3A_390 = arith.constant -5.000000e-01 : f32
        %parallel_loop3A_391 = vector.broadcast %parallel_loop3A_390 : f32 to vector<16xf32>
        %parallel_loop3A_392 = arith.mulf %parallel_loop3A_381, %parallel_loop3A_391 : vector<16xf32>
        %parallel_loop3A_393 = arith.mulf %parallel_loop3A_392, %parallel_loop3A_389 : vector<16xf32>
        %parallel_loop3A_394 = arith.mulf %parallel_loop3A_393, %parallel_loop3A_389 : vector<16xf32>
        %parallel_loop3A_395 = arith.constant 1.500000e+00 : f32
        %parallel_loop3A_396 = vector.broadcast %parallel_loop3A_395 : f32 to vector<16xf32>
        %parallel_loop3A_397 = arith.addf %parallel_loop3A_394, %parallel_loop3A_396 : vector<16xf32>
        %parallel_loop3A_398 = arith.mulf %parallel_loop3A_389, %parallel_loop3A_397 : vector<16xf32>
        %parallel_loop3A_399 = arith.mulf %parallel_loop3A_392, %parallel_loop3A_398 : vector<16xf32>
        %parallel_loop3A_400 = arith.mulf %parallel_loop3A_399, %parallel_loop3A_398 : vector<16xf32>
        %parallel_loop3A_401 = arith.constant 1.500000e+00 : f32
        %parallel_loop3A_402 = vector.broadcast %parallel_loop3A_401 : f32 to vector<16xf32>
        %parallel_loop3A_403 = arith.addf %parallel_loop3A_400, %parallel_loop3A_402 : vector<16xf32>
        %parallel_loop3A_404 = arith.mulf %parallel_loop3A_398, %parallel_loop3A_403 : vector<16xf32>
        %parallel_loop3A_405 = arith.constant 64 : i32
        %parallel_loop3A_406 = arith.muli %parallel_loop3A_156, %parallel_loop3A_405 : i32
        %parallel_loop3A_407 = arith.mulf %parallel_loop3A_362, %parallel_loop3A_404 : vector<16xf32>
        %parallel_loop3A_408 = arith.mulf %parallel_loop3A_407, %get3A_65 : vector<16xf32>
        %parallel_loop3A_409 = arith.addf %parallel_loop3A_408, %get3A_73 : vector<16xf32>
        %parallel_loop3A_410 = arith.constant 0 : i32
        %parallel_loop3A_411 = arith.addi %parallel_loop3A_406, %parallel_loop3A_410 : i32
        %parallel_loop3A_412 = arith.index_cast %parallel_loop3A_411 : i32 to index
        %parallel_loop3A_413 = tpu.vector_load %arg25[%parallel_loop3A_412] {strides = array<i32>} : memref<6144xf32, #tpu.memory_space<vmem>>, vector<16xf32>,
        tpu.vector_store %arg25[%parallel_loop3A_412], %parallel_loop3A_409 {strides = array<i32>} : memref<6144xf32, #tpu.memory_space<vmem>>, vector<16xf32>,
        %parallel_loop3A_414 = arith.mulf %parallel_loop3A_363, %parallel_loop3A_404 : vector<16xf32>
        %parallel_loop3A_415 = arith.mulf %parallel_loop3A_414, %get3A_67 : vector<16xf32>
        %parallel_loop3A_416 = arith.addf %parallel_loop3A_415, %get3A_75 : vector<16xf32>
        %parallel_loop3A_417 = arith.constant 16 : i32
        %parallel_loop3A_418 = arith.addi %parallel_loop3A_406, %parallel_loop3A_417 : i32
        %parallel_loop3A_419 = arith.index_cast %parallel_loop3A_418 : i32 to index
        %parallel_loop3A_420 = tpu.vector_load %arg25[%parallel_loop3A_419] {strides = array<i32>} : memref<6144xf32, #tpu.memory_space<vmem>>, vector<16xf32>,
        tpu.vector_store %arg25[%parallel_loop3A_419], %parallel_loop3A_416 {strides = array<i32>} : memref<6144xf32, #tpu.memory_space<vmem>>, vector<16xf32>,
        %parallel_loop3A_421 = arith.mulf %parallel_loop3A_364, %parallel_loop3A_404 : vector<16xf32>
        %parallel_loop3A_422 = arith.mulf %parallel_loop3A_421, %get3A_69 : vector<16xf32>
        %parallel_loop3A_423 = arith.addf %parallel_loop3A_422, %get3A_77 : vector<16xf32>
        %parallel_loop3A_424 = arith.constant 32 : i32
        %parallel_loop3A_425 = arith.addi %parallel_loop3A_406, %parallel_loop3A_424 : i32
        %parallel_loop3A_426 = arith.index_cast %parallel_loop3A_425 : i32 to index
        %parallel_loop3A_427 = tpu.vector_load %arg25[%parallel_loop3A_426] {strides = array<i32>} : memref<6144xf32, #tpu.memory_space<vmem>>, vector<16xf32>,
        tpu.vector_store %arg25[%parallel_loop3A_426], %parallel_loop3A_423 {strides = array<i32>} : memref<6144xf32, #tpu.memory_space<vmem>>, vector<16xf32>,
        %parallel_loop3A_428 = arith.mulf %parallel_loop3A_365, %parallel_loop3A_404 : vector<16xf32>
        %parallel_loop3A_429 = arith.mulf %parallel_loop3A_428, %get3A_71 : vector<16xf32>
        %parallel_loop3A_430 = arith.addf %parallel_loop3A_429, %get3A_79 : vector<16xf32>
        %parallel_loop3A_431 = arith.constant 48 : i32
        %parallel_loop3A_432 = arith.addi %parallel_loop3A_406, %parallel_loop3A_431 : i32
        %parallel_loop3A_433 = arith.index_cast %parallel_loop3A_432 : i32 to index
        %parallel_loop3A_434 = tpu.vector_load %arg25[%parallel_loop3A_433] {strides = array<i32>} : memref<6144xf32, #tpu.memory_space<vmem>>, vector<16xf32>,
        tpu.vector_store %arg25[%parallel_loop3A_433], %parallel_loop3A_430 {strides = array<i32>} : memref<6144xf32, #tpu.memory_space<vmem>>, vector<16xf32>,
      } {sc.loop_unroll_factor = 2 : i64, sc.parallel_access}
      %mul3A_149 = arith.constant 96 : i32
      %mul3A_150 = arith.muli %add3A_103, %mul3A_149 : i32
      %add3A_151 = arith.addi %mul3A_2, %mul3A_150 : i32
      %mul3A_152 = arith.constant 64 : i32
      %mul3A_153 = arith.muli %add3A_151, %mul3A_152 : i32
      %dma_start3A_154 = tpu.memref_slice %arg12[%mul3A_153] : memref<6291456xf32, #tpu.memory_space<hbm>> -> memref<6144xf32, #tpu.memory_space<hbm>>
      %dma_start3A_155 = tpu.memref_slice %arg12[%mul3A_153] : memref<6291456xf32, #tpu.memory_space<hbm>> -> memref<6144xf32, #tpu.memory_space<hbm>>
      tpu.enqueue_dma source(%arg25 : memref<6144xf32, #tpu.memory_space<vmem>>) target(%dma_start3A_155 : memref<6144xf32, #tpu.memory_space<hbm>>) target_semaphore(%arg29 : memref<!tpu.dma_semaphore, #tpu.memory_space<semaphore_mem>>)
    }
    %scan3A_87 = arith.constant 16 : i32
    %add3A_88 = arith.constant 2880 : i32
    %add3A_89 = arith.addi %mul3A_2, %add3A_88 : i32
    %mul3A_90 = arith.constant 64 : i32
    %mul3A_91 = arith.muli %add3A_89, %mul3A_90 : i32
    %dma_wait3A = tpu.memref_slice %arg12[%mul3A_91] : memref<6291456xf32, #tpu.memory_space<hbm>> -> memref<6144xf32, #tpu.memory_space<hbm>>
    %dma_wait3A_92 = tpu.memref_slice %arg12[%mul3A_91] : memref<6291456xf32, #tpu.memory_space<hbm>> -> memref<6144xf32, #tpu.memory_space<hbm>>
    tpu.wait_dma2 semaphore(%arg28 : memref<!tpu.dma_semaphore, #tpu.memory_space<semaphore_mem>>) src(%arg24 : memref<6144xf32, #tpu.memory_space<vmem>>) dst(%dma_wait3A_92 : memref<6144xf32, #tpu.memory_space<hbm>>)
    %add3A_93 = arith.constant 2976 : i32
    %add3A_94 = arith.addi %mul3A_2, %add3A_93 : i32
    %mul3A_95 = arith.constant 64 : i32
    %mul3A_96 = arith.muli %add3A_94, %mul3A_95 : i32
    %dma_wait3A_97 = tpu.memref_slice %arg12[%mul3A_96] : memref<6291456xf32, #tpu.memory_space<hbm>> -> memref<6144xf32, #tpu.memory_space<hbm>>
    %dma_wait3A_98 = tpu.memref_slice %arg12[%mul3A_96] : memref<6291456xf32, #tpu.memory_space<hbm>> -> memref<6144xf32, #tpu.memory_space<hbm>>
    tpu.wait_dma2 semaphore(%arg29 : memref<!tpu.dma_semaphore, #tpu.memory_space<semaphore_mem>>) src(%arg25 : memref<6144xf32, #tpu.memory_space<vmem>>) dst(%dma_wait3A_98 : memref<6144xf32, #tpu.memory_space<hbm>>)
    return
  }
}

module attributes {stable_mosaic.version = 14 : i64} {
  func.func @_prep_body(%arg0: memref<1600x32xf32, #tpu.memory_space<vmem>>, %arg1: memref<19x16xf32, #tpu.memory_space<vmem>>, %arg2: memref<500x16xf32, #tpu.memory_space<vmem>>, %arg3: memref<300x16xf32, #tpu.memory_space<vmem>>, %arg4: memref<6x16xf32, #tpu.memory_space<vmem>>, %arg5: memref<16xf32, #tpu.memory_space<vmem>>, %arg6: memref<112x64xf32, #tpu.memory_space<vmem>>, %arg7: memref<64xf32, #tpu.memory_space<vmem>>, %arg8: memref<1600x64xf32, #tpu.memory_space<vmem>>, %arg9: memref<361x64xf32, #tpu.memory_space<vmem>>, %arg10: memref<500x64xf32, #tpu.memory_space<vmem>>, %arg11: memref<300x64xf32, #tpu.memory_space<vmem>>, %arg12: memref<6x64xf32, #tpu.memory_space<vmem>>) attributes {dimension_semantics = [], scalar_prefetch = 0 : i64, scratch_operands = 0 : i64, tpu.core_type = #tpu.core_type<tc>} {
    %get3A = arith.constant 0 : index
    %get3A_0 = arith.constant 0 : index
    %get3A_1 = vector.load %arg6[%get3A, %get3A_0] : memref<112x64xf32, #tpu.memory_space<vmem>>, vector<112x64xf32>
    %get3A_2 = arith.constant 0 : index
    %get3A_3 = arith.constant 0 : index
    %get3A_4 = vector.load %arg0[%get3A_2, %get3A_3] : memref<1600x32xf32, #tpu.memory_space<vmem>>, vector<1600x32xf32>
    %slice3A = vector.extract_strided_slice %get3A_1 {offsets = [0, 0], sizes = [32, 64], strides = [1, 1]} : vector<112x64xf32> to vector<32x64xf32>
    %dot_general3A = arith.constant dense<0.000000e+00> : vector<1600x64xf32>
    %dot_general3A_5 = tpu.matmul %get3A_4, %slice3A, %dot_general3A {dimension_numbers = #tpu.dot_dimension_numbers<[1], [0], [0], [1], [0, 0, 1, 1], [], []>, precision = #tpu.contract_precision<fp32>, transpose_lhs_hint = false} : vector<1600x32xf32>, vector<32x64xf32>, vector<1600x64xf32> -> vector<1600x64xf32>
    %swap3A = arith.constant 0 : index
    %swap3A_6 = arith.constant 0 : index
    %swap3A_7 = vector.load %arg8[%swap3A, %swap3A_6] : memref<1600x64xf32, #tpu.memory_space<vmem>>, vector<1600x64xf32>
    tpu.vector_store %arg8[%swap3A, %swap3A_6], %dot_general3A_5 {strides = array<i32>} : memref<1600x64xf32, #tpu.memory_space<vmem>>, vector<1600x64xf32>,
    %get3A_8 = arith.constant 0 : index
    %get3A_9 = arith.constant 0 : index
    %get3A_10 = vector.load %arg1[%get3A_8, %get3A_9] : memref<19x16xf32, #tpu.memory_space<vmem>>, vector<19x16xf32>
    %slice3A_11 = vector.extract_strided_slice %get3A_1 {offsets = [32, 0], sizes = [16, 64], strides = [1, 1]} : vector<112x64xf32> to vector<16x64xf32>
    %dot_general3A_12 = arith.constant dense<0.000000e+00> : vector<19x64xf32>
    %dot_general3A_13 = tpu.matmul %get3A_10, %slice3A_11, %dot_general3A_12 {dimension_numbers = #tpu.dot_dimension_numbers<[1], [0], [0], [1], [0, 0, 1, 1], [], []>, precision = #tpu.contract_precision<fp32>, transpose_lhs_hint = false} : vector<19x16xf32>, vector<16x64xf32>, vector<19x64xf32> -> vector<19x64xf32>
    %get3A_14 = arith.constant 0 : index
    %get3A_15 = arith.constant 0 : index
    %get3A_16 = vector.load %arg1[%get3A_14, %get3A_15] : memref<19x16xf32, #tpu.memory_space<vmem>>, vector<19x16xf32>
    %slice3A_17 = vector.extract_strided_slice %get3A_1 {offsets = [48, 0], sizes = [16, 64], strides = [1, 1]} : vector<112x64xf32> to vector<16x64xf32>
    %dot_general3A_18 = arith.constant dense<0.000000e+00> : vector<19x64xf32>
    %dot_general3A_19 = tpu.matmul %get3A_16, %slice3A_17, %dot_general3A_18 {dimension_numbers = #tpu.dot_dimension_numbers<[1], [0], [0], [1], [0, 0, 1, 1], [], []>, precision = #tpu.contract_precision<fp32>, transpose_lhs_hint = false} : vector<19x16xf32>, vector<16x64xf32>, vector<19x64xf32> -> vector<19x64xf32>
    %get3A_20 = arith.constant 0 : index
    %get3A_21 = vector.load %arg7[%get3A_20] : memref<64xf32, #tpu.memory_space<vmem>>, vector<64xf32>
    %get3A_22 = arith.constant 0 : index
    %get3A_23 = vector.load %arg5[%get3A_22] : memref<16xf32, #tpu.memory_space<vmem>>, vector<16xf32>
    %slice3A_24 = vector.extract_strided_slice %get3A_1 {offsets = [96, 0], sizes = [16, 64], strides = [1, 1]} : vector<112x64xf32> to vector<16x64xf32>
    %dot_general3A_25 = arith.constant dense<0.000000e+00> : vector<64xf32>
    %dot_general3A_26 = tpu.matmul %get3A_23, %slice3A_24, %dot_general3A_25 {dimension_numbers = #tpu.dot_dimension_numbers<[0], [0], [], [1], [1, 1], [], []>, precision = #tpu.contract_precision<fp32>, transpose_lhs_hint = false} : vector<16xf32>, vector<16x64xf32>, vector<64xf32> -> vector<64xf32>
    %add3A = arith.addf %get3A_21, %dot_general3A_26 : vector<64xf32>
    %broadcast_in_dim3A = vector.shape_cast %dot_general3A_13 : vector<19x64xf32> to vector<19x1x64xf32>
    %broadcast_in_dim3A_27 = vector.shape_cast %dot_general3A_19 : vector<19x64xf32> to vector<1x19x64xf32>
    %add3A_28 = vector.broadcast %broadcast_in_dim3A : vector<19x1x64xf32> to vector<19x19x64xf32>
    %add3A_29 = vector.broadcast %broadcast_in_dim3A_27 : vector<1x19x64xf32> to vector<19x19x64xf32>
    %add3A_30 = arith.addf %add3A_28, %add3A_29 : vector<19x19x64xf32>
    %broadcast_in_dim3A_31 = vector.shape_cast %add3A : vector<64xf32> to vector<1x1x64xf32>
    %add3A_32 = vector.broadcast %broadcast_in_dim3A_31 : vector<1x1x64xf32> to vector<19x19x64xf32>
    %add3A_33 = arith.addf %add3A_30, %add3A_32 : vector<19x19x64xf32>
    %reshape3A = vector.shape_cast %add3A_33 : vector<19x19x64xf32> to vector<361x64xf32>
    %swap3A_34 = arith.constant 0 : index
    %swap3A_35 = arith.constant 0 : index
    %swap3A_36 = vector.load %arg9[%swap3A_34, %swap3A_35] : memref<361x64xf32, #tpu.memory_space<vmem>>, vector<361x64xf32>
    tpu.vector_store %arg9[%swap3A_34, %swap3A_35], %reshape3A {strides = array<i32>} : memref<361x64xf32, #tpu.memory_space<vmem>>, vector<361x64xf32>,
    %get3A_37 = arith.constant 0 : index
    %get3A_38 = arith.constant 0 : index
    %get3A_39 = vector.load %arg2[%get3A_37, %get3A_38] : memref<500x16xf32, #tpu.memory_space<vmem>>, vector<500x16xf32>
    %slice3A_40 = vector.extract_strided_slice %get3A_1 {offsets = [64, 0], sizes = [16, 64], strides = [1, 1]} : vector<112x64xf32> to vector<16x64xf32>
    %dot_general3A_41 = arith.constant dense<0.000000e+00> : vector<500x64xf32>
    %dot_general3A_42 = tpu.matmul %get3A_39, %slice3A_40, %dot_general3A_41 {dimension_numbers = #tpu.dot_dimension_numbers<[1], [0], [0], [1], [0, 0, 1, 1], [], []>, precision = #tpu.contract_precision<fp32>, transpose_lhs_hint = false} : vector<500x16xf32>, vector<16x64xf32>, vector<500x64xf32> -> vector<500x64xf32>
    %swap3A_43 = arith.constant 0 : index
    %swap3A_44 = arith.constant 0 : index
    %swap3A_45 = vector.load %arg10[%swap3A_43, %swap3A_44] : memref<500x64xf32, #tpu.memory_space<vmem>>, vector<500x64xf32>
    tpu.vector_store %arg10[%swap3A_43, %swap3A_44], %dot_general3A_42 {strides = array<i32>} : memref<500x64xf32, #tpu.memory_space<vmem>>, vector<500x64xf32>,
    %get3A_46 = arith.constant 0 : index
    %get3A_47 = arith.constant 0 : index
    %get3A_48 = vector.load %arg3[%get3A_46, %get3A_47] : memref<300x16xf32, #tpu.memory_space<vmem>>, vector<300x16xf32>
    %slice3A_49 = vector.extract_strided_slice %get3A_1 {offsets = [80, 0], sizes = [16, 64], strides = [1, 1]} : vector<112x64xf32> to vector<16x64xf32>
    %dot_general3A_50 = arith.constant dense<0.000000e+00> : vector<300x64xf32>
    %dot_general3A_51 = tpu.matmul %get3A_48, %slice3A_49, %dot_general3A_50 {dimension_numbers = #tpu.dot_dimension_numbers<[1], [0], [0], [1], [0, 0, 1, 1], [], []>, precision = #tpu.contract_precision<fp32>, transpose_lhs_hint = false} : vector<300x16xf32>, vector<16x64xf32>, vector<300x64xf32> -> vector<300x64xf32>
    %swap3A_52 = arith.constant 0 : index
    %swap3A_53 = arith.constant 0 : index
    %swap3A_54 = vector.load %arg11[%swap3A_52, %swap3A_53] : memref<300x64xf32, #tpu.memory_space<vmem>>, vector<300x64xf32>
    tpu.vector_store %arg11[%swap3A_52, %swap3A_53], %dot_general3A_51 {strides = array<i32>} : memref<300x64xf32, #tpu.memory_space<vmem>>, vector<300x64xf32>,
    %get3A_55 = arith.constant 0 : index
    %get3A_56 = arith.constant 0 : index
    %get3A_57 = vector.load %arg4[%get3A_55, %get3A_56] : memref<6x16xf32, #tpu.memory_space<vmem>>, vector<6x16xf32>
    %slice3A_58 = vector.extract_strided_slice %get3A_1 {offsets = [96, 0], sizes = [16, 64], strides = [1, 1]} : vector<112x64xf32> to vector<16x64xf32>
    %dot_general3A_59 = arith.constant dense<0.000000e+00> : vector<6x64xf32>
    %dot_general3A_60 = tpu.matmul %get3A_57, %slice3A_58, %dot_general3A_59 {dimension_numbers = #tpu.dot_dimension_numbers<[1], [0], [0], [1], [0, 0, 1, 1], [], []>, precision = #tpu.contract_precision<fp32>, transpose_lhs_hint = false} : vector<6x16xf32>, vector<16x64xf32>, vector<6x64xf32> -> vector<6x64xf32>
    %swap3A_61 = arith.constant 0 : index
    %swap3A_62 = arith.constant 0 : index
    %swap3A_63 = vector.load %arg12[%swap3A_61, %swap3A_62] : memref<6x64xf32, #tpu.memory_space<vmem>>, vector<6x64xf32>
    tpu.vector_store %arg12[%swap3A_61, %swap3A_62], %dot_general3A_60 {strides = array<i32>} : memref<6x64xf32, #tpu.memory_space<vmem>>, vector<6x64xf32>,
    return
  }
}

</mosaic_0001>

<sc_bundles>
// kernel: kernel.4.cloned.1.call-start
scs
__scs_entry_jumppad:
0x0: {  	(pc) =	sbr.rel $0x88, $3  }
0x1: {  	(tag) =	ssettag $0x0;
	lr =	simm.s32 $0x1  }
0x2: {  	[smem:$0x3F92] =	sst lr;
	_ =	strace $0xD0000000  }
0x3: {  	_ = 	snop  }
0x4: {  	_ = 	snop  }
0x5: {  	_ = 	snop  }
0x6: {  	_ = 	snop  }
0x7: {  	_ = 	snop  }
__scs_overlays_trampoline_lowered:
0x8: {  	[smem:$0x3FA1] =	sst s0  }
0x9: {  	[smem:$0x3FA2] =	sst s1  }
0xa: {  	[smem:$0x3FA3] =	sst s2  }
0xb: {  	[smem:$0x3FA4] =	sst s3  }
0xc: {  	[smem:$0x3FA5] =	sst s4  }
0xd: {  	[smem:$0x3FA6] =	sst s5  }
0xe: {  	[smem:$0x3FA7] =	sst s6  }
0xf: {  	[smem:$0x3FA8] =	sst s7  }
0x10: {  	[smem:$0x3FA9] =	sst s8  }
0x11: {  	[smem:$0x3FAA] =	sst s9;
	s0 =	simm.s32 @!p0 $0x0  }
0x12: {  	s1 =	sld [smem:$0x3F90];
	s0 =	simm.s32 @p0 $0x1  }
0x13: {  	[smem:$0x3FAB] =	sst s0;
	s0 =	simm.s32 @!p1 $0x0  }
0x14: {  	s2 =	sld [smem:$0x3F8F];
	s0 =	simm.s32 @p1 $0x1  }
0x15: {  	[smem:$0x3FAC] =	sst s0;
	s0 =	simm.s32 @!p2 $0x0  }
0x16: {  	s3 =	sld [smem:$0x3FDB];
	s0 =	simm.s32 @p2 $0x1  }
0x17: {  	s4 =	simm.s32 $0x1BF5;
	[smem:$0x3FAE] =	sst s0  }
0x18: {  	s0 =	sld [smem:$0x3F91];
	_ =	swait.ge [sflag:s4], $0x0  }
0x19: {  	s7 =	sld [smem:$0x3F92]  }
0x1a: {  	s8 =	sadd.s32 $0xFFFFE003, lr  }
0x1b: {  	s9 =	sadd.s32 $0xFFFFFEF7, lr;
	s5 =	simm.s32 $0xFFFFFFFF;
	p2 =	slt.u32 s8, $0xFFFFF086  }
0x1c: {  	p1 =	slt.u32 s9, $0xF7A;
	s5 =	simm.s32 @!p2 $0x0  }
0x1d: {  	s5 =	simm.s32 @p1 $0x1;
	p0 =	seq.s32 s7, s2  }
0x1e: {  	s7 =	smul.u32 @!p0 $0xF7A, s2;
	p2 =	seq.s32 @!p0 s5, $0x0  }
0x1f: {  	s9 =	smul.u32 $0xF7A, s1;
	s8 =	simm.s32 @!p0 $0x1BF5;
	p2 =	por !p2, p0  }
0x20: {  	[sflag:s8] =	ssyncset.s32 @!p0 $0xFFFFF086;
	s6 =	sadd.s32 @!p0 s3, s7;
	s7 =	simm.s32 @!p0 $0x108  }
0x21: {  	s3 =	sadd.s32 s3, s9;
	s6 =	sadd.s32 @!p0 $0x88, s6;
	s7 =	simm.s32 @p2 $0x1082  }
0x22: {  	[simem:s7], [sflag:s8] =	dma.local @!p0 [hbm:s6], $0xF7A  }
0x23: {  	s9 =	sor.u32 $0xD0000000, s2;
	s6 =	simm.s32 $0x108;
	_ =	swait.ge @!p0 [sflag:s8], $0x0  }
0x24: {  	s3 =	sadd.s32 $0x88, s3;
	s6 =	simm.s32 @!p1 $0x1082;
	[sflag:s4] =	ssyncset.s32 $0xFFFFF086  }
0x25: {  	[simem:s6], [sflag:s4] =	dma.local [hbm:s3], $0xF7A  }
0x26: {  	[smem:$0x3F92] =	sst s1;
	(tag) =	ssettag s2;
	_ =	strace s9  }
0x27: {  	s1 =	sld [smem:$0x3FA2]  }
0x28: {  	s2 =	sld [smem:$0x3FA3]  }
0x29: {  	s4 =	sld [smem:$0x3FA5]  }
0x2a: {  	p0 =	seq.s32 s5, $0x0;
	s5 =	sld [smem:$0x3FA6]  }
0x2b: {  	s6 =	sld [smem:$0x3FA7]  }
0x2c: {  	s7 =	sld [smem:$0x3FA8]  }
0x2d: {  	s3 =	simm.s32 $0x108;
	s8 =	sld [smem:$0x3FA9]  }
0x2e: {  	s3 =	simm.s32 @!p0 $0x1082;
	s9 =	sld [smem:$0x3FAA]  }
0x2f: {  	lr =	sadd.s32 s0, s3;
	s0 =	sld [smem:$0x3FA1]  }
0x30: {  	s3 =	sld [smem:$0x3FA4]  }
0x31: {  	[smem:$0x3FAD] =	sst s10  }
0x32: {  	s10 =	sld [smem:$0x3FAB];
	_ =	sdelay $0x3  }
0x33: {  	p0 =	seq.s32 s10, $0x1;
	s10 =	sld [smem:$0x3FAD];
	_ =	sdelay $0x3  }
0x34: {  	[smem:$0x3FAD] =	sst s10  }
0x35: {  	s10 =	sld [smem:$0x3FAC];
	_ =	sdelay $0x3  }
0x36: {  	p1 =	seq.s32 s10, $0x1;
	s10 =	sld [smem:$0x3FAD];
	_ =	sdelay $0x3  }
0x37: {  	[smem:$0x3FAD] =	sst s10  }
0x38: {  	s10 =	sld [smem:$0x3FAE]  }
0x39: {  	_ = 	snop;
	(pc) =	sbr.ind lr, $3  }
0x3a: {  	_ = 	snop  }
0x3b: {  	_ = 	snop  }
0x3c: {  	p2 =	seq.s32 s10, $0x1;
	s10 =	sld [smem:$0x3FAD]  }
0x3d: {  	_ =	shalt  }
0x3e: {  	_ =	shalt  }
0x3f: {  	_ =	shalt  }
0x40: {  	_ =	shalt  }
0x41: {  	_ =	shalt  }
0x42: {  	_ =	shalt  }
0x43: {  	_ =	shalt  }
0x44: {  	_ =	shalt  }
0x45: {  	_ =	shalt  }
0x46: {  	_ =	shalt  }
0x47: {  	_ =	shalt  }
0x48: {  	_ =	shalt  }
0x49: {  	_ =	shalt  }
0x4a: {  	_ =	shalt  }
0x4b: {  	_ =	shalt  }
0x4c: {  	_ =	shalt  }
0x4d: {  	_ =	shalt  }
0x4e: {  	_ =	shalt  }
0x4f: {  	_ =	shalt  }
0x50: {  	_ =	shalt  }
0x51: {  	_ =	shalt  }
0x52: {  	_ =	shalt  }
0x53: {  	_ =	shalt  }
0x54: {  	_ =	shalt  }
0x55: {  	_ =	shalt  }
0x56: {  	_ =	shalt  }
0x57: {  	_ =	shalt  }
0x58: {  	_ =	shalt  }
0x59: {  	_ =	shalt  }
0x5a: {  	_ =	shalt  }
0x5b: {  	_ =	shalt  }
0x5c: {  	_ =	shalt  }
0x5d: {  	_ =	shalt  }
0x5e: {  	_ =	shalt  }
0x5f: {  	_ =	shalt  }
0x60: {  	_ =	shalt  }
0x61: {  	_ =	shalt  }
0x62: {  	_ =	shalt  }
0x63: {  	_ =	shalt  }
0x64: {  	_ =	shalt  }
0x65: {  	_ =	shalt  }
0x66: {  	_ =	shalt  }
0x67: {  	_ =	shalt  }
0x68: {  	_ =	shalt  }
0x69: {  	_ =	shalt  }
0x6a: {  	_ =	shalt  }
0x6b: {  	_ =	shalt  }
0x6c: {  	_ =	shalt  }
0x6d: {  	_ =	shalt  }
0x6e: {  	_ =	shalt  }
0x6f: {  	_ =	shalt  }
0x70: {  	_ =	shalt  }
0x71: {  	_ =	shalt  }
0x72: {  	_ =	shalt  }
0x73: {  	_ =	shalt  }
0x74: {  	_ =	shalt  }
0x75: {  	_ =	shalt  }
0x76: {  	_ =	shalt  }
0x77: {  	_ =	shalt  }
0x78: {  	_ =	shalt  }
0x79: {  	_ =	shalt  }
0x7a: {  	_ =	shalt  }
0x7b: {  	_ =	shalt  }
0x7c: {  	_ =	shalt  }
0x7d: {  	_ =	shalt  }
0x7e: {  	_ =	shalt  }
0x7f: {  	_ =	shalt  }
0x80: {  	_ =	shalt  }
0x81: {  	_ =	shalt  }
0x82: {  	_ =	shalt  }
0x83: {  	_ =	shalt  }
0x84: {  	_ =	shalt  }
0x85: {  	_ =	shalt  }
0x86: {  	_ =	shalt  }
0x87: {  	_ =	shalt  }
.Lfunc_end0:
.L_simem_size_0:
called_computation_lowered:
.L_overlay_start_0:
0x88: {  	s2 =	sld [smem:$0x3FD9]  }
0x89: {  	s3 =	sld [smem:$0x3FFE];
	_ =	sdelay $0x1  }
0x8a: {  	s1 =	srdreg.scid  }
0x8b: {  	s0 =	sand.u32 $0x1, s1  }
0x8c: {  	s17 =	sshll.u32 s0, $0xA;
	s2 =	sadd.s32 s3, s2  }
0x8d: {  	s2 =	sadd.s32 s2, s17  }
0x8e: {  	[smem:$0x3FB9] =	sst s2  }
0x8f: {  	_ = 	snop  }
0x90: {  	s2 =	sld [smem:$0x3FBC]  }
0x91: {  	s18 =	sld [smem:$0x3FBB]  }
0x92: {  	s4 =	sld [smem:$0x3FD0];
	(tm) =	ssettm $0x1  }
0x93: {  	s5 =	sld [smem:$0x3FFB];
	_ =	sdelay $0x3  }
0x94: {  	_ =	strace s5  }
0x95: {  	s5 =	sld [smem:$0x3FFC];
	_ =	sdelay $0x3  }
0x96: {  	_ =	strace s5  }
0x97: {  	s5 =	sld [smem:$0x3FFD];
	_ =	sdelay $0x3  }
0x98: {  	_ =	strace s5  }
0x99: {  	_ =	strace $0x8FFFFFFF  }
0x9a: {  	s19 =	sld [smem:$0x3FDB];
	_ =	sdelay $0x1  }
0x9b: {  	s6 =	simm.s32 $_scs_section_size  }
0x9c: {  	s7 =	simm.s32 $_size__tile_overlayer_lowered;
	s8 =	simm.s32 $_tile_overlayer_lowered  }
0x9d: {  	s22 =	simm.s32 $0x1BFF;
	s21 =	sshll.u32 s8, $0x1;
	s5 =	sadd.s32 s6, s19  }
0x9e: {  	s9 =	simm.s32 $0x0;
	s20 =	sshll.u32 s7, $0x1;
	s7 =	sadd.s32 s21, s5  }
0x9f: {  	[timem:s9], [sflag:s22] =	dma.local [hbm:s7], s20  }
0xa0: {  	_ =	swait.ge [sflag:s22], s20  }
0xa1: {  	s6 =	ssub.s32 $0x0, s20;
	[sflag:s22] =	ssyncset.done $0x0  }
0xa2: {  	[sflag:s22] =	ssyncadd.s32 s6;
	_ =	sdelay $0x1  }
0xa3: {  	s23 =	simm.s32 $0x1B8B  }
0xa4: {  	_ =	swait.ge [sflag:s23], $0x1  }
0xa5: {  	[sflag:s23] =	ssyncset.done $0x0  }
0xa6: {  	s25 =	simm.s32 $0x1B8E;
	s24 =	sld [smem:$0x3FFE];
	[sflag:s23] =	ssyncadd.s32 $0xFFFFFFFF  }
0xa7: {  	s26 =	simm.s32 $execute0_lowered;
	[smem:$0x3FD2] =	sst s25  }
0xa8: {  	s7 =	sshll.u32 s26, $0x1;
	_ =	strace $0x80000046;
	[dreg:$0x1] =	wrdreg $0xFFFFFFFF  }
0xa9: {  	s28 =	simm.s32 $_size_execute0_lowered;
	s5 =	sadd.s32 s5, s7;
	[dreg:$0x0] =	wrdreg $0x0  }
0xaa: {  	s7 =	sshll.u32 s28, $0x1;
	[dreg:$0x2] =	wrdreg s5  }
0xab: {  	[dreg:$0x3] =	wrdreg s7  }
0xac: {  	[dreg:$0x4] =	wrdreg $0xC0  }
0xad: {  	_ =	task [dreg:s9], $0x5FFFF  }
0xae: {  	[dreg:$0x1] =	wrdreg $0xFFFFFFFF  }
0xaf: {  	[dreg:$0x0] =	wrdreg $0x60  }
0xb0: {  	[dreg:$0x2] =	wrdreg s24  }
0xb1: {  	[dreg:$0x3] =	wrdreg s2  }
0xb2: {  	[dreg:$0x4] =	wrdreg s18  }
0xb3: {  	[dreg:$0x5] =	wrdreg s4  }
0xb4: {  	[dreg:$0x6] =	wrdreg $0x9  }
0xb5: {  	_ =	task.clear_ibuf [dreg:s9], $0x7FFFF;
	_ =	strace $0x90000046  }
0xb6: {  	s29 =	simm.s32 $0x9;
	_ =	strace $0x80000048  }
0xb7: {  	_ =	swait.ge [sflag:s29], $0x1  }
0xb8: {  	[sflag:s29] =	ssyncadd.s32 $0xFFFFFFFF  }
0xb9: {  	_ =	strace $0x90000048  }
0xba: {  	_ =	sfence  }
0xbb: {  	s30 =	sld [smem:$0x0];
	_ =	sdelay $0x2  }
0xbc: {  	s31 =	sshll.u32 s1, $0xD;
	s1 =	sshrl.u32 s1, $0x2  }
0xbd: {  	s3 =	sand.u32 $0x4000, s31;
	s1 =	sadd.s32 s1, s30  }
0xbe: {  	s0 =	sor.u32 s3, s0;
	s1 =	sshll.u32 s1, $0x11  }
0xbf: {  	s0 =	sor.u32 s1, s0  }
0xc0: {  	s0 =	sadd.s32 $0x8F2B, s0  }
0xc1: {  	[sflag:s0] =	ssyncadd.remote.s32 $0x1  }
0xc2: {  	_ =	sfence.sel $0xFFFF  }
0xc3: {  	[dreg:$0x0] =	wrdreg $0xFFFFFFFF;
	(pc) =	sbr.abs _section_cstart, $3  }
0xc4: {  	[dreg:$0x1] =	wrdreg $0xFFFFFFFF  }
0xc5: {  	_ =	task.clear_ibuf [dreg:s9], $0x2FFFF;
	_ =	strace $0x9FFFFFFF  }
0xc6: {  	(tm) =	ssettm $0x7FFFFFFF  }
0xc7: {  	_ =	shalt  }
tec
execute0_lowered:
.L_overlay_start_1:
0x0: {  	(tag) =	ssettag $0x1  }
0x1: {  	s0 =	rddreg [dreg:$0x0];
	s1 =	srdreg.scid  }
0x2: {  	s2 =	stileid.u32;
	s4 =	rddreg [dreg:$0x3];
	s5 =	simm.s32 $0x0  }
0x3: {  	s16 =	simm.s32 $0x5;
	s17 =	simm.s32 $0x5A40;
	s18 =	simm.s32 $0xD740  }
0x4: {  	s28 =	simm.s32 $0x19C40;
	s29 =	simm.s32 $0x1;
	s30 =	simm.s32 $0x1B440  }
0x5: {  	s31 =	simm.s32 $0x2;
	s1 =	sand.u32 $0x1, s1;
	s2 =	sshll.u32 s2, $0x1  }
0x6: {  	[smem:$0x7FF] =	sst s5;
	s7 =	sadd.s32 $0x1000, s0;
	s8 =	sadd.s32 $0x4E00, s0  }
0x7: {  	s21 =	sadd.s32 $0x5A00, s0;
	s22 =	sadd.s32 $0x4400, s0;
	s2 =	sor.u32 s1, s2  }
0x8: {  	_ =	strace $0x80000047;
	[dreg:$0x5] =	wrdreg s8;
	s6 =	smul.u32 $0xC00, s2  }
0x9: {  	v0 =	vlaneseq.u32;
	[dreg:$0x6] =	wrdreg s21;
	s1 =	ssub.s32 $0x2, s1;
	s2 =	smul.u32 $0x900, s2  }
0xa: {  	v1 =	vor.u32 $0x7FC8, v0;
	[dreg:$0x7] =	wrdreg s22;
	s23 =	sshrl.u32 s1, $0x1;
	s3 =	sshrl.u32 s6, $0x3  }
0xb: {  	v30 =	vor.u32 $0x20, v0;
	[tilespmem:$0x1FF90] =	vst v1;
	s2 =	sadd.s32 s2, s0;
	s3 =	sadd.s32 s3, s0;
	s0 =	sadd.s32 $0x4200, s0  }
0xc: {  	v2 =	vor.u32 $0x10, v0;
	[tilespmem:$0x1FFE0] =	vst v30;
	s26 =	sadd.s32 $0x20CA00, s2;
	s2 =	simm.s32 $0x4;
	[dreg:$0x8] =	wrdreg s0  }
0xd: {  	v1 =	vor.u32 $0x7FD8, v0;
	[tilespmem:$0x1FFF0] =	vst v2;
	s0 =	ssub.s32 s1, s23;
	s24 =	sadd.s32 $0x9A00, s3;
	s25 =	sadd.s32 $0x6A00, s3  }
0xe: {  	[tilespmem:$0x1FFA0] =	vst v1;
	v1 =	vor.u32 $0x7FE8, v0;
	[dreg:$0xb] =	wrdreg s26;
	s23 =	simm.s32 $0x13040;
	s26 =	simm.s32 $0x18440  }
0xf: {  	[tilespmem:$0x1FFB0] =	vst v1;
	v1 =	vor.u32 $0x30, v0;
	s1 =	simm.s32 $0x3;
	s3 =	simm.s32 $0x0;
	[dreg:$0x9] =	wrdreg s24  }
0x10: {  	[tilespmem:$0x1FFC0] =	vst v1;
	v1 =	vor.u32 $0x7FF8, v0;
	[dreg:$0xa] =	wrdreg s25;
	s0 =	smax.u32 s0, $0x1;
	s24 =	simm.s32 $0x13C40  }
0x11: {  	[tilespmem:$0x1FFD0] =	vst v1;
	s25 =	simm.s32 $0x60;
	[dreg:$0xc] =	wrdreg s0;
	s0 =	simm.s32 $0x1CC40  }
.LBB2_1:
0x12: {  	s8 =	rddreg [dreg:$0x5]  }
0x13: {  	[tilespmem:s5], [sflag:$0x5] =	stream.linear.gather [hbm4b:s8+s5], $0x5A40, $0x38;
	[tilespmem:$0x1E440] =	vst v63  }
0x14: {  	_ =	swait.ge [sflag:s16], $0x5A40  }
0x15: {  	[sflag:s16] =	ssyncset.done $0x0  }
0x16: {  	s9 =	rddreg [dreg:$0x6];
	[sflag:s16] =	ssyncadd.s32 $0xFFFFA5C0  }
0x17: {  	[tilespmem:s17], [sflag:$0x5] =	stream.linear.gather [hbm4b:s9+s5], $0x7D00, $0x38;
	[tilespmem:$0x1E440] =	vst v63  }
0x18: {  	_ =	swait.ge [sflag:s16], $0x7D00  }
0x19: {  	[sflag:s16] =	ssyncset.done $0x0  }
0x1a: {  	s10 =	rddreg [dreg:$0x7];
	[sflag:s16] =	ssyncadd.s32 $0xFFFF8300  }
0x1b: {  	[tilespmem:s18], [sflag:$0x5] =	stream.linear.gather [hbm4b:s10+s5], $0x4B00, $0x38;
	[tilespmem:$0x1E440] =	vst v63  }
0x1c: {  	_ =	swait.ge [sflag:s16], $0x4B00  }
0x1d: {  	[sflag:s16] =	ssyncset.done $0x0  }
0x1e: {  	s9 =	simm.s32 $0x12240;
	s11 =	rddreg [dreg:$0x8];
	[sflag:s16] =	ssyncadd.s32 $0xFFFFB500  }
0x1f: {  	[tilespmem:s9], [sflag:$0x5] =	stream.linear.gather [hbm4b:s11+s5], $0x180, $0x38;
	[tilespmem:$0x1E440] =	vst v63  }
0x20: {  	_ =	swait.ge [sflag:s16], $0x180  }
0x21: {  	[sflag:s16] =	ssyncset.done $0x0  }
0x22: {  	[sflag:s16] =	ssyncadd.s32 $0xFFFFFE80  }
0x23: {  	s13 =	simm.s32 $0x123C0;
	s12 =	rddreg [dreg:$0x1]  }
0x24: {  	[tilespmem:s13], [sflag:$0x5] =	stream.linear.gather [hbm4b:s12+s5], $0x40, $0x38;
	[tilespmem:$0x1E440] =	vst v63  }
0x25: {  	_ =	swait.ge [sflag:s16], $0x40  }
0x26: {  	[sflag:s16] =	ssyncset.done $0x0  }
0x27: {  	[sflag:s16] =	ssyncadd.s32 $0xFFFFFFC0  }
0x28: {  	s15 =	simm.s32 $0x12400;
	s14 =	rddreg [dreg:$0x2]  }
0x29: {  	[tilespmem:s15], [sflag:$0x5] =	stream.linear.gather [hbm4b:s14+s5], $0x40, $0x38;
	[tilespmem:$0x1E440] =	vst v63  }
0x2a: {  	_ =	swait.ge [sflag:s16], $0x40  }
0x2b: {  	[sflag:s16] =	ssyncset.done $0x0  }
0x2c: {  	s20 =	simm.s32 $0x12440;
	s19 =	rddreg [dreg:$0x9];
	[sflag:s16] =	ssyncadd.s32 $0xFFFFFFC0  }
0x2d: {  	[tilespmem:s20], [sflag:$0x5] =	stream.linear.gather [hbm4b:s19+s5], $0xC00, $0x38;
	[tilespmem:$0x1E440] =	vst v63  }
0x2e: {  	_ =	swait.ge [sflag:s16], $0xC00  }
0x2f: {  	[sflag:s16] =	ssyncset.done $0x0  }
0x30: {  	s21 =	rddreg [dreg:$0xa];
	[sflag:s16] =	ssyncadd.s32 $0xFFFFF400  }
0x31: {  	[tilespmem:s23], [sflag:$0x5] =	stream.linear.gather [hbm4b:s21+s5], $0xC00, $0x38;
	[tilespmem:$0x1E440] =	vst v63  }
0x32: {  	_ =	swait.ge [sflag:s16], $0xC00  }
0x33: {  	[sflag:s16] =	ssyncset.done $0x0  }
0x34: {  	s22 =	rddreg [dreg:$0xb];
	[sflag:s16] =	ssyncadd.s32 $0xFFFFF400  }
0x35: {  	[tilespmem:s24], [sflag:$0x5] =	stream.linear.gather [hbm4b:s22+s5], $0x4800, $0x38;
	[tilespmem:$0x1E440] =	vst v63  }
0x36: {  	_ =	swait.ge [sflag:s16], $0x4800  }
0x37: {  	[sflag:s16] =	ssyncset.done $0x0  }
0x38: {  	[sflag:s16] =	ssyncadd.s32 $0xFFFFB800  }
0x39: {  	v1 =	vld [tilespmem:$0x12240];
	_ =	sdelay $0x4  }
0x3a: {  	[tilespmem:$0x1FD90] =	vst v1;
	v1 =	vld [tilespmem:$0x12250];
	_ =	sdelay $0x4  }
0x3b: {  	[tilespmem:$0x1FDA0] =	vst v1;
	v1 =	vld [tilespmem:$0x12310]  }
0x3c: {  	v36 =	vld [tilespmem:$0x12260]  }
0x3d: {  	v29 =	vld [tilespmem:$0x122F0]  }
0x3e: {  	v15 =	vld [tilespmem:$0x122E0]  }
0x3f: {  	v43 =	vld [tilespmem:$0x12340]  }
0x40: {  	[tilespmem:$0x1FDB0] =	vst v1;
	v1 =	vld [tilespmem:$0x12320]  }
0x41: {  	v12 =	vld [tilespmem:$0x122B0];
	[tilespmem:$0x1FE20] =	vst v36  }
0x42: {  	v34 =	vld [tilespmem:$0x12380];
	[tilespmem:$0x1FE30] =	vst v29  }
0x43: {  	v11 =	vld [tilespmem:$0x122A0];
	[tilespmem:$0x1FE40] =	vst v15  }
0x44: {  	v35 =	vld [tilespmem:$0x123C0];
	[tilespmem:$0x1FE50] =	vst v43  }
0x45: {  	[tilespmem:$0x1FDC0] =	vst v1;
	v1 =	vld [tilespmem:$0x12330]  }
0x46: {  	v20 =	vld [tilespmem:$0x123D0];
	[tilespmem:$0x1FE60] =	vst v12  }
0x47: {  	v31 =	vld [tilespmem:$0x123E0];
	[tilespmem:$0x1FE70] =	vst v34  }
0x48: {  	v22 =	vld [tilespmem:$0x123F0];
	[tilespmem:$0x1FE80] =	vst v11  }
0x49: {  	v23 =	vld [tilespmem:$0x12400];
	[tilespmem:$0x1FE90] =	vst v35  }
0x4a: {  	[tilespmem:$0x1FDD0] =	vst v1;
	v1 =	vld [tilespmem:$0x12360]  }
0x4b: {  	v24 =	vld [tilespmem:$0x12410];
	[tilespmem:$0x1FEA0] =	vst v20  }
0x4c: {  	v25 =	vld [tilespmem:$0x12420];
	[tilespmem:$0x1FEB0] =	vst v31  }
0x4d: {  	v26 =	vld [tilespmem:$0x12430];
	[tilespmem:$0x1FEC0] =	vst v22  }
0x4e: {  	v38 =	vld [tilespmem:$0x12390];
	[tilespmem:$0x1FED0] =	vst v23  }
0x4f: {  	[tilespmem:$0x1FDE0] =	vst v1;
	v1 =	vld [tilespmem:$0x12370]  }
0x50: {  	v4 =	vld [tilespmem:$0x12270];
	[tilespmem:$0x1FEE0] =	vst v24  }
0x51: {  	v37 =	vld [tilespmem:$0x12350];
	[tilespmem:$0x1FEF0] =	vst v25  }
0x52: {  	v10 =	vld [tilespmem:$0x12290];
	[tilespmem:$0x1FF00] =	vst v26  }
0x53: {  	v9 =	vld [tilespmem:$0x12300];
	[tilespmem:$0x1FF10] =	vst v38  }
0x54: {  	[tilespmem:$0x1FDF0] =	vst v1;
	v1 =	vld [tilespmem:$0x123A0]  }
0x55: {  	v6 =	vld [tilespmem:$0x12280];
	[tilespmem:$0x1FF20] =	vst v4  }
0x56: {  	v13 =	vld [tilespmem:$0x122C0];
	[tilespmem:$0x1FF30] =	vst v37  }
0x57: {  	v14 =	vld [tilespmem:$0x122D0];
	[tilespmem:$0x1FF40] =	vst v10  }
0x58: {  	[tilespmem:$0x1FF50] =	vst v9  }
0x59: {  	[tilespmem:$0x1FE00] =	vst v1;
	v1 =	vld [tilespmem:$0x123B0]  }
0x5a: {  	[tilespmem:$0x1FF60] =	vst v6  }
0x5b: {  	[tilespmem:$0x1FF70] =	vst v13  }
0x5c: {  	[tilespmem:$0x1FF80] =	vst v14  }
0x5d: {  	[tilespmem:s26], [sflag:$0x1] =	stream.indirect.gather [hbm4b:s7+s25], $0x40, s20, s25, $0xb8;
	[tilespmem:$0x1E440] =	vst v63  }
0x5e: {  	s19 =	simm.s32 $0x0;
	s20 =	simm.s32 $0x0;
	[tilespmem:$0x1FE10] =	vst v1  }
.LBB2_2:
0x5f: {  	s22 =	smul.u32 $0xC0, s20;
	_ =	sdelay $0x1  }
0x60: {  	s21 =	sadd.s32 $0xFFFFFFFE, s19;
	s8 =	sadd.s32 $0x124A0, s22  }
0x61: {  	[tilespmem:s28], [sflag:$0x2] =	stream.indirect.gather [hbm4b:s7+s25], $0x40, s8, s25, $0xb8;
	[tilespmem:$0x1E440] =	vst v63  }
0x62: {  	s9 =	sadd.s32 $0x3, s21;
	_ =	swait.ge [sflag:s29], $0x1800  }
0x63: {  	p0 =	seq.s32 s20, $0x0;
	v1 =	vmov s9;
	[sflag:s29] =	ssyncset.done $0x0  }
0x64: {  	s9 =	simm.s32 @!p0 $0x3;
	[sflag:s29] =	ssyncadd.s32 $0xFFFFE800  }
0x65: {  	_ =	swait.ge @!p0 [sflag:s9], $0x1800  }
0x66: {  	s8 =	sadd.s32 $0x2, s21;
	[sflag:s9] =	ssyncset.done @!p0 $0x0  }
0x67: {  	v3 =	vmov s8;
	[sflag:s9] =	ssyncadd.s32 @!p0 $0xFFFFE800  }
0x68: {  	s10 =	simm.s32 $0x18480;
	v5 =	vld.idx.msk [tilespmem:v1+s23+$0x0], $0xffff  }
0x69: {  	v7 =	vmul.u32 $0x6, v1;
	v1 =	vld [tilespmem:s10+$0x20];
	_ =	sdelay $0x1  }
0x6a: {  	v18 =	vld [tilespmem:$0x1FF90]  }
0x6b: {  	v28 =	vld.idx.msk [tilespmem:v3+s23+$0x0], $0xffff  }
0x6c: {  	v32 =	vld [tilespmem:s10+$0x0]  }
0x6d: {  	v33 =	vld [tilespmem:s10+$0x10];
	[tilespmem:$0x1F970] =	vst v1  }
0x6e: {  	v44 =	vshra.s32 v5, $0xC;
	v1 =	vld [tilespmem:s10+$0x30]  }
0x6f: {  	v21 =	vld [tilespmem:$0x1FFA0];
	v44 =	vand.u32 $0xFFFFFFC0, v44  }
0x70: {  	v27 =	vld [tilespmem:$0x1FFB0];
	v49 =	vor.u32 v0, v44  }
0x71: {  	v8 =	vadd.s32 $0x5, v7;
	v22 =	vld [tilespmem:$0x1FFC0]  }
0x72: {  	v40 =	vadd.s32 $0x4, v7;
	v19 =	vld [tilespmem:$0x1FFD0]  }
0x73: {  	v42 =	vadd.s32 $0x3, v7;
	v39 =	vld [tilespmem:$0x1FD90];
	[tilespmem:$0x1F980] =	vst v1  }
0x74: {  	v45 =	vadd.s32 $0x2, v7;
	v47 =	vld.idx.msk [tilespmem:v7+s24+$0x0], $0xffff  }
0x75: {  	v48 =	vshrl.u32 v5, $0x3;
	v7 =	vor.u32 $0x1, v7;
	v1 =	vld.idx.msk [tilespmem:v49+s18+$0x0], $0xffff  }
0x76: {  	v48 =	vand.u32 $0x7FC0, v48;
	v50 =	vor.u32 v2, v44;
	v8 =	vld.idx.msk [tilespmem:v8+s24+$0x0], $0xffff  }
0x77: {  	v5 =	vshll.u32 v5, $0x6;
	v51 =	vor.u32 v0, v48;
	v40 =	vld.idx.msk [tilespmem:v40+s24+$0x0], $0xffff  }
0x78: {  	v52 =	vor.u32 v0, v5;
	v53 =	vor.u32 v2, v48;
	v42 =	vld.idx.msk [tilespmem:v42+s24+$0x0], $0xffff  }
0x79: {  	v54 =	vor.u32 v2, v5;
	v52 =	vand.u32 v18, v52;
	v45 =	vld.idx.msk [tilespmem:v45+s24+$0x0], $0xffff  }
0x7a: {  	v55 =	vor.u32 v30, v5;
	v54 =	vand.u32 v21, v54;
	v7 =	vld.idx.msk [tilespmem:v7+s24+$0x0], $0xffff;
	[tilespmem:$0x1F990] =	vst v1  }
0x7b: {  	v5 =	vor.u32 v22, v5;
	v55 =	vand.u32 v27, v55;
	v50 =	vld.idx.msk [tilespmem:v50+s18+$0x0], $0xffff  }
0x7c: {  	v5 =	vand.u32 v19, v5;
	v51 =	vld.idx.msk [tilespmem:v51+s17+$0x0], $0xffff  }
0x7d: {  	v57 =	vshll.u32 v28, $0x6;
	v53 =	vld.idx.msk [tilespmem:v53+s17+$0x0], $0xffff  }
0x7e: {  	v58 =	vor.u32 v0, v57;
	v52 =	vld.idx.msk [tilespmem:v52+s5+$0x0], $0xffff  }
0x7f: {  	v1 =	vand.u32 v18, v58;
	v54 =	vld.idx.msk [tilespmem:v54+s5+$0x0], $0xffff  }
0x80: {  	v59 =	vor.u32 v2, v57;
	v55 =	vld.idx.msk [tilespmem:v55+s5+$0x0], $0xffff;
	[tilespmem:$0x1F9A0] =	vst v1  }
0x81: {  	v1 =	vand.u32 v21, v59;
	v5 =	vld.idx.msk [tilespmem:v5+s5+$0x0], $0xffff  }
0x82: {  	[tilespmem:$0x1F9B0] =	vst v1;
	v1 =	vld [tilespmem:$0x1F970]  }
0x83: {  	v61 =	vor.u32 v30, v57;
	v57 =	vor.u32 v22, v57;
	v56 =	vor.u32 v30, v48  }
0x84: {  	v48 =	vor.u32 v22, v48;
	v57 =	vand.u32 v19, v57;
	v19 =	vld [tilespmem:$0x1FDB0]  }
0x85: {  	v60 =	vor.u32 v30, v44;
	v18 =	vld [tilespmem:$0x1FDA0]  }
0x86: {  	v44 =	vor.u32 v22, v44;
	v16 =	vld [tilespmem:$0x1F990]  }
0x87: {  	v62 =	vmul.f32 v47, v39;
	v55 =	vadd.f32 v55, v1;
	v1 =	vld [tilespmem:$0x1F980]  }
0x88: {  	v61 =	vand.u32 v27, v61;
	v41 =	vmul.f32 v47, v36;
	v58 =	vmul.f32 v8, v38;
	v56 =	vld.idx.msk [tilespmem:v56+s17+$0x0], $0xffff  }
0x89: {  	v27 =	vmov v9;
	v49 =	vmul.f32 v40, v43;
	v46 =	vmul.f32 v40, v37;
	v48 =	vld.idx.msk [tilespmem:v48+s17+$0x0], $0xffff  }
0x8a: {  	v43 =	vmul.f32 v42, v9;
	v9 =	vmul.f32 v42, v19;
	v60 =	vld.idx.msk [tilespmem:v60+s18+$0x0], $0xffff;
	v52 =	vadd.f32 v52, v32  }
0x8b: {  	v59 =	vmul.f32 v8, v34;
	v44 =	vld.idx.msk [tilespmem:v44+s18+$0x0], $0xffff;
	v63 =	vmul.f32 v47, v18;
	v54 =	vadd.f32 v54, v33  }
0x8c: {  	v47 =	vmul.f32 v47, v4;
	v51 =	vadd.f32 v51, v52;
	v5 =	vadd.f32 v5, v1  }
0x8d: {  	v32 =	vmul.f32 v7, v10;
	v33 =	vadd.f32 v53, v54;
	v34 =	vadd.f32 v56, v55  }
0x8e: {  	v53 =	vmul.f32 v45, v14;
	v51 =	vadd.f32 v16, v51;
	v5 =	vadd.f32 v48, v5  }
0x8f: {  	v17 =	vld [tilespmem:$0x1FDC0];
	v50 =	vadd.f32 v50, v33;
	v33 =	vmul.f32 v7, v11;
	v54 =	vadd.f32 v60, v34  }
0x90: {  	v16 =	vmovc v4;
	v4 =	vld [tilespmem:$0x1FDD0];
	v34 =	vmul.f32 v45, v15;
	v1 =	vmul.f32 v45, v13;
	v5 =	vadd.f32 v44, v5  }
0x91: {  	v51 =	vadd.f32 v51, v62;
	v50 =	vadd.f32 v50, v63;
	v63 =	vld [tilespmem:$0x1FDE0];
	v48 =	vmul.f32 v7, v6  }
0x92: {  	v62 =	vmovc v13;
	v13 =	vld [tilespmem:$0x1FDF0];
	v41 =	vadd.f32 v54, v41;
	v7 =	vmul.f32 v7, v12;
	v5 =	vadd.f32 v5, v47  }
0x93: {  	v3 =	vmul.u32 $0x6, v3;
	v50 =	vadd.f32 v50, v32;
	v32 =	vmovc v6;
	v6 =	vmovc v15;
	v15 =	vld [tilespmem:$0x1F9A0];
	v48 =	vadd.f32 v51, v48  }
0x94: {  	v60 =	vmovc v14;
	v14 =	vld [tilespmem:$0x1FE00];
	v41 =	vadd.f32 v41, v33;
	v5 =	vadd.f32 v5, v7;
	v7 =	vmul.f32 v45, v29  }
0x95: {  	v52 =	vmul.f32 v42, v17;
	v33 =	vld [tilespmem:$0x1FE10];
	v54 =	vadd.f32 v50, v53;
	v1 =	vadd.f32 v48, v1  }
0x96: {  	v41 =	vadd.f32 v41, v34;
	v5 =	vadd.f32 v5, v7;
	v7 =	vmul.f32 v42, v4  }
0x97: {  	v55 =	vmul.f32 v40, v63;
	v9 =	vadd.f32 v54, v9;
	v1 =	vadd.f32 v1, v43  }
0x98: {  	v41 =	vadd.f32 v41, v52;
	v5 =	vadd.f32 v5, v7;
	v7 =	vmul.f32 v40, v13  }
0x99: {  	v56 =	vmul.f32 v8, v14;
	v9 =	vadd.f32 v9, v46;
	v1 =	vadd.f32 v1, v49  }
0x9a: {  	v53 =	vld [tilespmem:s10+$0xFFFFFFE0];
	v41 =	vadd.f32 v41, v55;
	v5 =	vadd.f32 v5, v7;
	v7 =	vmul.f32 v8, v33  }
0x9b: {  	v42 =	vld.idx.msk [tilespmem:v15+s5+$0x0], $0xffff;
	v9 =	vadd.f32 v9, v58;
	v58 =	vshra.s32 v28, $0xC;
	v1 =	vadd.f32 v1, v59  }
0x9c: {  	v15 =	vld [tilespmem:$0x1F9B0];
	v50 =	vand.u32 $0xFFFFFFC0, v58;
	v40 =	vadd.f32 v41, v56;
	v5 =	vadd.f32 v5, v7  }
0x9d: {  	v47 =	vld [tilespmem:s10+$0xFFFFFFC0];
	v9 =	vmax.f32 v9, $0.0e+00;
	v49 =	vor.u32 v0, v50;
	v8 =	vshrl.u32 v28, $0x3  }
0x9e: {  	v54 =	vld [tilespmem:s10+$0xFFFFFFF0];
	v1 =	vmax.f32 v1, $0.0e+00;
	v40 =	vmax.f32 v40, $0.0e+00;
	v5 =	vmax.f32 v5, $0.0e+00  }
0x9f: {  	v45 =	vld.idx.msk [tilespmem:v57+s5+$0x0], $0xffff;
	v8 =	vand.u32 $0x7FC0, v8;
	v56 =	vadd.f32 v9, v1;
	v57 =	vadd.f32 v5, v40  }
0xa0: {  	v52 =	vld [tilespmem:s10+$0xFFFFFFD0];
	v7 =	vor.u32 v0, v8;
	v34 =	vor.u32 v2, v8  }
0xa1: {  	v43 =	vld.idx.msk [tilespmem:v3+s24+$0x0], $0xffff;
	v59 =	vor.u32 v30, v8;
	v8 =	vor.u32 v22, v8;
	v48 =	vadd.f32 v57, v56  }
0xa2: {  	v41 =	vld.idx.msk [tilespmem:v61+s5+$0x0], $0xffff  }
0xa3: {  	v49 =	vld.idx.msk [tilespmem:v49+s18+$0x0], $0xffff;
	(xrf2) =	vadd.scan.msk.f32 $0xffff, v48  }
0xa4: {  	v55 =	vor.u32 v2, v50;
	v44 =	vld.idx.msk [tilespmem:v15+s5+$0x0], $0xffff  }
0xa5: {  	v61 =	vor.u32 v30, v50;
	v7 =	vld.idx.msk [tilespmem:v7+s17+$0x0], $0xffff  }
0xa6: {  	v50 =	vor.u32 v22, v50;
	v8 =	vld.idx.msk [tilespmem:v8+s17+$0x0], $0xffff  }
0xa7: {  	v46 =	vld.idx.msk [tilespmem:v34+s17+$0x0], $0xffff;
	v48 =	vor.u32 $0x1, v3  }
0xa8: {  	v42 =	vadd.f32 v42, v47;
	v47 =	vor.u32 $0x3, v3;
	v51 =	vld.idx.msk [tilespmem:v59+s17+$0x0], $0xffff  }
0xa9: {  	v45 =	vadd.f32 v45, v54;
	v55 =	vld.idx.msk [tilespmem:v55+s18+$0x0], $0xffff;
	v34 =	vor.u32 $0x2, v3  }
0xaa: {  	v41 =	vadd.f32 v41, v53;
	v44 =	vadd.f32 v44, v52;
	v52 =	vld.idx.msk [tilespmem:v61+s18+$0x0], $0xffff  }
0xab: {  	v7 =	vadd.f32 v7, v42;
	v8 =	vadd.f32 v8, v45;
	v45 =	vld.idx.msk [tilespmem:v50+s18+$0x0], $0xffff  }
0xac: {  	v58 =	vadd.s32 $0x4, v3;
	v3 =	vadd.s32 $0x5, v3;
	v44 =	vadd.f32 v46, v44;
	v48 =	vld.idx.msk [tilespmem:v48+s24+$0x0], $0xffff  }
0xad: {  	v47 =	vld.idx.msk [tilespmem:v47+s24+$0x0], $0xffff;
	v61 =	vmul.f32 v43, v39;
	v41 =	vadd.f32 v51, v41;
	v7 =	vadd.f32 v49, v7;
	v56, _, _ =	vpop (xrf2)  }
0xae: {  	v46 =	vld.idx.msk [tilespmem:v34+s24+$0x0], $0xffff;
	v34 =	vmul.f32 v43, v18;
	v44 =	vadd.f32 v55, v44;
	(v2sf) =	vpush v56, $0xF  }
0xaf: {  	v54 =	vmul.f32 v43, v36;
	v41 =	vadd.f32 v52, v41;
	v7 =	vadd.f32 v7, v61  }
0xb0: {  	v43 =	vmul.f32 v43, v16;
	v61 =	vadd.f32 v44, v34;
	v8 =	vadd.f32 v45, v8  }
0xb1: {  	v39 =	vmovc v16;
	v16 =	vld [tilespmem:$0x1FE50];
	v41 =	vadd.f32 v41, v54;
	v57 =	vmul.f32 v48, v32;
	v59 =	vmul.f32 v48, v10  }
0xb2: {  	v3 =	vld.idx.msk [tilespmem:v3+s24+$0x0], $0xffff;
	v51 =	vmul.f32 v48, v11;
	v34 =	vmul.f32 v48, v12;
	v8 =	vadd.f32 v8, v43  }
0xb3: {  	v10 =	vmovc v62;
	v48 =	vld [tilespmem:$0x1FE70];
	v56 =	vmul.f32 v46, v62;
	v62 =	vmul.f32 v47, v17;
	v7 =	vadd.f32 v7, v57  }
0xb4: {  	v57 =	vld.idx.msk [tilespmem:v58+s24+$0x0], $0xffff;
	v58 =	vmul.f32 v46, v60;
	v42 =	vadd.f32 v61, v59;
	v59 =	vmul.f32 v46, v6  }
0xb5: {  	v12 =	vmovc v60;
	v41 =	vadd.f32 v41, v51;
	v46 =	vmul.f32 v46, v29;
	v60 =	vmul.f32 v47, v27  }
0xb6: {  	v61 =	vmul.f32 v47, v19;
	v8 =	vadd.f32 v8, v34;
	v7 =	vadd.f32 v7, v56  }
0xb7: {  	v34 =	vmul.f32 v47, v4;
	v42 =	vadd.f32 v42, v58;
	v41 =	vadd.f32 v41, v59  }
0xb8: {  	v8 =	vadd.f32 v8, v46;
	v56 =	vmul.f32 v3, v48;
	v7 =	vadd.f32 v7, v60  }
0xb9: {  	v42 =	vadd.f32 v42, v61;
	v52 =	vmul.f32 v57, v16;
	v53 =	vmul.f32 v57, v37  }
0xba: {  	v41 =	vadd.f32 v41, v62;
	v54 =	vmul.f32 v57, v63;
	v55 =	vmul.f32 v57, v13  }
0xbb: {  	v57 =	vmul.f32 v3, v38;
	v7 =	vadd.f32 v7, v52;
	v42 =	vadd.f32 v42, v53  }
0xbc: {  	v8 =	vadd.f32 v8, v34;
	v41 =	vadd.f32 v41, v54  }
0xbd: {  	v58 =	vmul.f32 v3, v14;
	v7 =	vadd.f32 v7, v56;
	v42 =	vadd.f32 v42, v57;
	s11 =	spop (v2sf)  }
0xbe: {  	v3 =	vmul.f32 v3, v33;
	v8 =	vadd.f32 v8, v55;
	s8 =	smul.f32 $1.562500000e-02, s11  }
0xbf: {  	v59 =	vadd.f32 v41, v58;
	v4 =	vmax.f32 v7, $0.0e+00;
	v7 =	vmax.f32 v42, $0.0e+00  }
0xc0: {  	v3 =	vadd.f32 v8, v3;
	[tilespmem:$0x1FA50] =	vst v7;
	v7 =	vadd.f32 v7, v4;
	v8 =	vmov s8  }
0xc1: {  	v6 =	vmovc v19;
	v19 =	vmax.f32 v59, $0.0e+00;
	[tilespmem:$0x1FA40] =	vst v4;
	v28 =	vsub.f32 v1, v8;
	v9 =	vsub.f32 v9, v8  }
0xc2: {  	v15 =	vmovc v18;
	v3 =	vmax.f32 v3, $0.0e+00;
	[tilespmem:$0x1FA60] =	vst v19;
	v18 =	vsub.f32 v40, v8;
	v61 =	vsub.f32 v5, v8  }
0xc3: {  	[tilespmem:$0x1FA70] =	vst v3;
	v3 =	vadd.f32 v3, v19;
	v5 =	vmul.f32 v28, v28;
	v8 =	vmul.f32 v9, v9  }
0xc4: {  	s12 =	sadd.s32 $0x0, s19;
	[tilespmem:$0x1FB90] =	vst v9;
	v9 =	vmul.f32 v18, v18;
	v40 =	vmul.f32 v61, v61  }
0xc5: {  	s10 =	sadd.s32 $0x3, s12;
	v3 =	vadd.f32 v3, v7;
	[tilespmem:$0x1FB80] =	vst v28  }
0xc6: {  	v60 =	vmov s10;
	[tilespmem:$0x1FBA0] =	vst v18;
	v5 =	vadd.f32 v8, v5;
	v8 =	vadd.f32 v40, v9  }
0xc7: {  	s14 =	simm.s32 $0x18500;
	s13 =	sadd.s32 $0x2, s12;
	[tilespmem:$0x1FB70] =	vst v61  }
0xc8: {  	(xrf2) =	vadd.scan.msk.f32 $0xffff, v3;
	v1 =	vmov s13;
	v3 =	vadd.f32 v8, v5;
	v5 =	vld [tilespmem:s14+$0x10];
	_ =	sdelay $0x2  }
0xc9: {  	v7 =	vld.idx.msk [tilespmem:v60+s23+$0x0], $0xffff  }
0xca: {  	v4 =	vld [tilespmem:s14+$0x0]  }
0xcb: {  	v41 =	vld.idx.msk [tilespmem:v1+s23+$0x0], $0xffff;
	[tilespmem:$0x1F9C0] =	vst v5  }
0xcc: {  	v5 =	vld [tilespmem:s14+$0x20];
	_ =	sdelay $0x4  }
0xcd: {  	[tilespmem:$0x1F9D0] =	vst v5  }
0xce: {  	v5 =	vld [tilespmem:s14+$0x30]  }
0xcf: {  	v42 =	vmul.u32 $0x6, v60;
	_ =	sdelay $0x1  }
0xd0: {  	v62 =	vadd.s32 $0x5, v42;
	(xrf2) =	vadd.scan.msk.f32 $0xffff, v3  }
0xd1: {  	v50 =	vmov v27;
	v27 =	vld [tilespmem:$0x1FF90];
	v8 =	vadd.s32 $0x4, v42;
	v3 =	vshra.s32 v7, $0xC  }
0xd2: {  	v51 =	vld [tilespmem:$0x1FFD0];
	v63 =	vadd.s32 $0x3, v42;
	[tilespmem:$0x1F9E0] =	vst v5;
	v5 =	vand.u32 $0xFFFFFFC0, v3  }
0xd3: {  	v19 =	vld [tilespmem:$0x1FFA0];
	v49 =	vor.u32 v2, v5  }
0xd4: {  	v16 =	vmov v37;
	v37 =	vshrl.u32 v7, $0x3;
	v7 =	vshll.u32 v7, $0x6;
	v55 =	vld.idx.msk [tilespmem:v42+s24+$0x0], $0xffff  }
0xd5: {  	v34 =	vadd.s32 $0x2, v42;
	v54 =	vor.u32 v0, v7;
	v47 =	vld.idx.msk [tilespmem:v62+s24+$0x0], $0xffff  }
0xd6: {  	v56 =	vand.u32 $0x7FC0, v37;
	v60 =	vand.u32 v27, v54;
	v45 =	vld.idx.msk [tilespmem:v8+s24+$0x0], $0xffff  }
0xd7: {  	v59 =	vor.u32 v0, v56;
	v46 =	vld.idx.msk [tilespmem:v63+s24+$0x0], $0xffff  }
0xd8: {  	v42 =	vor.u32 $0x1, v42;
	v58 =	vld.idx.msk [tilespmem:v49+s18+$0x0], $0xffff  }
0xd9: {  	v17 =	vmov v38;
	v3, _, _ =	vpop (xrf2);
	v38 =	vor.u32 v0, v5;
	v49 =	vld [tilespmem:$0x1FFB0]  }
0xda: {  	v44 =	vmul.u32 $0x6, v1;
	v53 =	vld.idx.msk [tilespmem:v34+s24+$0x0], $0xffff;
	v34 =	vor.u32 v2, v56;
	(v2sf) =	vpush v3, $0xF;
	v3, _, _ =	vpop (xrf2)  }
0xdb: {  	v40 =	vor.u32 v2, v7;
	v1 =	vshll.u32 v41, $0x6;
	(v2sf) =	vpush v3, $0xF;
	v3 =	vld.idx.msk [tilespmem:v60+s5+$0x0], $0xffff  }
0xdc: {  	v62 =	vand.u32 v19, v40;
	v8 =	vor.u32 v0, v1;
	v59 =	vld.idx.msk [tilespmem:v59+s17+$0x0], $0xffff  }
0xdd: {  	v43 =	vor.u32 v30, v7;
	v7 =	vor.u32 v22, v7;
	v8 =	vand.u32 v27, v8;
	v42 =	vld.idx.msk [tilespmem:v42+s24+$0x0], $0xffff  }
0xde: {  	v57 =	vld.idx.msk [tilespmem:v38+s18+$0x0], $0xffff;
	v63 =	vand.u32 v49, v43;
	v43 =	vand.u32 v51, v7;
	v7 =	vor.u32 v2, v1  }
0xdf: {  	v61 =	vld.idx.msk [tilespmem:v34+s17+$0x0], $0xffff;
	[tilespmem:$0x1F9F0] =	vst v8;
	v7 =	vand.u32 v19, v7  }
0xe0: {  	v3 =	vadd.f32 v3, v4;
	v4 =	vld [tilespmem:$0x1F9C0];
	[tilespmem:$0x1FA00] =	vst v7  }
0xe1: {  	v9 =	vor.u32 v30, v1;
	v60 =	vld.idx.msk [tilespmem:v62+s5+$0x0], $0xffff  }
0xe2: {  	v1 =	vor.u32 v22, v1;
	v7 =	vand.u32 v49, v9  }
0xe3: {  	v1 =	vand.u32 v51, v1;
	[tilespmem:$0x1FA10] =	vst v7  }
0xe4: {  	[tilespmem:$0x1FA20] =	vst v1  }
0xe5: {  	v52 =	vor.u32 v30, v56;
	v63 =	vld.idx.msk [tilespmem:v63+s5+$0x0], $0xffff  }
0xe6: {  	v60 =	vadd.f32 v60, v4;
	v4 =	vld [tilespmem:$0x1F9D0]  }
0xe7: {  	v56 =	vor.u32 v22, v56;
	v19 =	vld [tilespmem:$0x1FD90];
	v7 =	vmul.f32 v47, v48  }
0xe8: {  	v34 =	vor.u32 v30, v5;
	v43 =	vld.idx.msk [tilespmem:v43+s5+$0x0], $0xffff  }
0xe9: {  	v5 =	vor.u32 v22, v5;
	[tilespmem:$0x1FA30] =	vst v7;
	v7 =	vld [tilespmem:$0x1FE50]  }
0xea: {  	v40 =	vld.idx.msk [tilespmem:v52+s17+$0x0], $0xffff  }
0xeb: {  	v63 =	vadd.f32 v63, v4;
	v4 =	vld [tilespmem:$0x1F9E0]  }
0xec: {  	v56 =	vld.idx.msk [tilespmem:v56+s17+$0x0], $0xffff  }
0xed: {  	v8 =	vmul.f32 v55, v36;
	v49 =	vmul.f32 v55, v15;
	v62 =	vld.idx.msk [tilespmem:v34+s18+$0x0], $0xffff  }
0xee: {  	v18 =	vmov v39;
	v9 =	vmul.f32 v55, v19;
	v55 =	vmul.f32 v55, v39;
	v5 =	vld.idx.msk [tilespmem:v5+s18+$0x0], $0xffff  }
0xef: {  	v3 =	vadd.f32 v59, v3;
	v39 =	vmovc v10;
	v52 =	vmul.f32 v45, v7;
	v7 =	vmul.f32 v53, v10;
	v10 =	vld [tilespmem:$0x1FF40]  }
0xf0: {  	v34 =	vadd.f32 v61, v60;
	v43 =	vadd.f32 v43, v4;
	v4 =	vld [tilespmem:$0x1F9F0]  }
0xf1: {  	v28 =	vmov v16;
	v3 =	vadd.f32 v57, v3  }
0xf2: {  	v27 =	vmovc v6;
	v54 =	vmul.f32 v47, v17;
	v59 =	vld [tilespmem:$0x1FDC0];
	v40 =	vadd.f32 v40, v63;
	v63 =	vadd.f32 v58, v34  }
0xf3: {  	v38 =	vmovc v17;
	v17 =	vld [tilespmem:$0x1FDD0];
	v48 =	vmul.f32 v46, v6;
	v3 =	vadd.f32 v3, v9;
	v43 =	vadd.f32 v56, v43  }
0xf4: {  	v6 =	vmovc v32;
	v9 =	vadd.f32 v63, v49;
	v56 =	vmul.f32 v42, v32;
	v32 =	vmul.f32 v42, v10  }
0xf5: {  	v51 =	vmul.f32 v45, v16;
	v16 =	vmovc v50;
	v50 =	vmul.f32 v46, v50;
	v5 =	vadd.f32 v5, v43  }
0xf6: {  	v61 =	vmovc v12;
	v60 =	vmul.f32 v53, v12;
	v12 =	vld [tilespmem:$0x1FE60];
	v3 =	vadd.f32 v3, v56;
	v9 =	vadd.f32 v9, v32  }
0xf7: {  	v37 =	vmovc v15;
	v15 =	vld [tilespmem:$0x1FE40];
	v1 =	vshrl.u32 v41, $0x3;
	v5 =	vadd.f32 v5, v55;
	v55 =	vmul.f32 v46, v59  }
0xf8: {  	v3 =	vadd.f32 v3, v7;
	v7 =	vadd.f32 v9, v60;
	v9 =	vmul.f32 v46, v17;
	v46 =	vld.idx.msk [tilespmem:v4+s5+$0x0], $0xffff  }
0xf9: {  	v1 =	vand.u32 $0x7FC0, v1;
	v40 =	vadd.f32 v62, v40;
	v4 =	vld [tilespmem:$0x1FA00]  }
0xfa: {  	v62 =	vor.u32 v2, v1  }
0xfb: {  	v34 =	vmul.f32 v42, v11;
	v58 =	vld [tilespmem:$0x1FA20];
	v8 =	vadd.f32 v40, v8;
	v42 =	vmul.f32 v42, v12  }
0xfc: {  	v49 =	vmul.f32 v53, v15;
	v32 =	vld [tilespmem:$0x1FDE0]  }
0xfd: {  	v53 =	vmul.f32 v53, v29;
	v40 =	vld.idx.msk [tilespmem:v44+s24+$0x0], $0xffff;
	v8 =	vadd.f32 v8, v34;
	v5 =	vadd.f32 v5, v42  }
0xfe: {  	v41 =	vshra.s32 v41, $0xC;
	v43 =	vld [tilespmem:s14+$0xFFFFFFD0]  }
0xff: {  	v41 =	vand.u32 $0xFFFFFFC0, v41;
	v8 =	vadd.f32 v8, v49;
	v49 =	vld.idx.msk [tilespmem:v62+s17+$0x0], $0xffff;
	v5 =	vadd.f32 v5, v53  }
0x100: {  	v34 =	vor.u32 v2, v41;
	v60 =	vld [tilespmem:$0x1FA30];
	v3 =	vadd.f32 v3, v50;
	v7 =	vadd.f32 v7, v48  }
0x101: {  	v56 =	vmul.f32 v45, v32;
	v5 =	vadd.f32 v5, v9;
	v9 =	vmul.f32 v45, v13;
	v45 =	vld.idx.msk [tilespmem:v4+s5+$0x0], $0xffff  }
0x102: {  	v8 =	vadd.f32 v8, v55;
	v42 =	vor.u32 v0, v1;
	v4 =	vld [tilespmem:$0x1FA10]  }
0x103: {  	v57 =	vmul.f32 v47, v14;
	v50 =	vld [tilespmem:s14+$0xFFFFFFC0];
	v3 =	vadd.f32 v3, v52;
	v7 =	vadd.f32 v7, v51  }
0x104: {  	v51 =	vld [tilespmem:s14+$0xFFFFFFE0];
	v52 =	vor.u32 v0, v41;
	v5 =	vadd.f32 v5, v9;
	v9 =	vmul.f32 v47, v33  }
0x105: {  	v62 =	vor.u32 v30, v41;
	v53 =	vld [tilespmem:s14+$0xFFFFFFF0];
	v8 =	vadd.f32 v8, v56;
	v3 =	vadd.f32 v3, v60  }
0x106: {  	v56 =	vld.idx.msk [tilespmem:v34+s18+$0x0], $0xffff;
	v5 =	vadd.f32 v5, v9;
	v9 =	vor.u32 v30, v1;
	v1 =	vor.u32 v22, v1  }
0x107: {  	v41 =	vor.u32 v22, v41;
	v7 =	vadd.f32 v7, v54;
	v8 =	vadd.f32 v8, v57;
	v42 =	vld.idx.msk [tilespmem:v42+s17+$0x0], $0xffff  }
0x108: {  	v60 =	vor.u32 $0x1, v44;
	v46 =	vadd.f32 v46, v50;
	v47 =	vld.idx.msk [tilespmem:v58+s5+$0x0], $0xffff;
	v3 =	vmax.f32 v3, $0.0e+00  }
0x109: {  	v7 =	vmax.f32 v7, $0.0e+00;
	v8 =	vmax.f32 v8, $0.0e+00;
	v52 =	vld.idx.msk [tilespmem:v52+s18+$0x0], $0xffff;
	v5 =	vmax.f32 v5, $0.0e+00  }
0x10a: {  	v63 =	vadd.f32 v7, v3;
	v48 =	vld.idx.msk [tilespmem:v4+s5+$0x0], $0xffff;
	v4 =	vmov v33;
	v33 =	vadd.f32 v5, v8  }
0x10b: {  	v1 =	vld.idx.msk [tilespmem:v1+s17+$0x0], $0xffff  }
0x10c: {  	v41 =	vld.idx.msk [tilespmem:v41+s18+$0x0], $0xffff;
	v42 =	vadd.f32 v42, v46;
	v54 =	vadd.f32 v33, v63;
	v63 =	vor.u32 $0x2, v44  }
0x10d: {  	v34 =	vmul.f32 v40, v19;
	v9 =	vld.idx.msk [tilespmem:v9+s17+$0x0], $0xffff;
	v43 =	vadd.f32 v45, v43  }
0x10e: {  	v57 =	vld.idx.msk [tilespmem:v60+s24+$0x0], $0xffff;
	v47 =	vadd.f32 v47, v53;
	v42 =	vadd.f32 v52, v42;
	v33 =	vor.u32 $0x3, v44;
	(xrf2) =	vadd.scan.msk.f32 $0xffff, v54  }
0x10f: {  	v50 =	vadd.s32 $0x4, v44;
	v43 =	vadd.f32 v49, v43;
	v48 =	vadd.f32 v48, v51;
	v51 =	vld.idx.msk [tilespmem:v62+s18+$0x0], $0xffff  }
0x110: {  	v60 =	vmul.f32 v40, v36;
	v53 =	vmul.f32 v40, v37;
	v1 =	vadd.f32 v1, v47  }
0x111: {  	v40 =	vmul.f32 v40, v18;
	v42 =	vadd.f32 v42, v34;
	v43 =	vadd.f32 v56, v43;
	v49 =	vld.idx.msk [tilespmem:v63+s24+$0x0], $0xffff  }
0x112: {  	v44 =	vadd.s32 $0x5, v44;
	v1 =	vadd.f32 v41, v1;
	v9 =	vadd.f32 v9, v48  }
0x113: {  	v43 =	vadd.f32 v43, v53;
	v63 =	vmul.f32 v57, v6;
	v47 =	vld.idx.msk [tilespmem:v33+s24+$0x0], $0xffff;
	v33 =	vmul.f32 v57, v10  }
0x114: {  	v34 =	vmul.f32 v57, v11;
	v1 =	vadd.f32 v1, v40;
	v9 =	vadd.f32 v51, v9  }
0x115: {  	v57 =	vmul.f32 v57, v12;
	v42 =	vadd.f32 v42, v63;
	v43 =	vadd.f32 v43, v33  }
0x116: {  	v48 =	vld.idx.msk [tilespmem:v50+s24+$0x0], $0xffff;
	v54 =	vmul.f32 v49, v39;
	v9 =	vadd.f32 v9, v60;
	v60 =	vmul.f32 v49, v61  }
0x117: {  	v10 =	vmovc v61;
	v1 =	vadd.f32 v1, v57;
	v61 =	vmul.f32 v49, v15;
	v49 =	vmul.f32 v49, v29  }
0x118: {  	s15 =	spop (v2sf);
	v40 =	vld.idx.msk [tilespmem:v44+s24+$0x0], $0xffff;
	v58, _, _ =	vpop (xrf2);
	v42 =	vadd.f32 v42, v54;
	v9 =	vadd.f32 v9, v34  }
0x119: {  	s21 =	spop (v2sf);
	v54 =	vmul.f32 v47, v17;
	v1 =	vadd.f32 v1, v49;
	(v2sf) =	vpush v58, $0xF  }
0x11a: {  	v43 =	vadd.f32 v43, v60;
	v34 =	vmul.f32 v47, v59  }
0x11b: {  	v60 =	vmul.f32 v48, v13;
	v9 =	vadd.f32 v9, v61;
	v1 =	vadd.f32 v1, v54  }
0x11c: {  	v6 =	vmov v16;
	v63 =	vmul.f32 v47, v16;
	v33 =	vmul.f32 v47, v27;
	v16 =	vld [tilespmem:$0x1FE50]  }
0x11d: {  	v9 =	vadd.f32 v9, v34;
	v1 =	vadd.f32 v1, v60;
	v34 =	vmul.f32 v40, v4  }
0x11e: {  	v12 =	vmov v59;
	v15 =	vmov v32;
	v59 =	vmul.f32 v48, v32;
	v32 =	vld [tilespmem:$0x1FE70]  }
0x11f: {  	v57 =	vmul.f32 v48, v28;
	v43 =	vadd.f32 v43, v33;
	v1 =	vadd.f32 v1, v34  }
0x120: {  	v42 =	vadd.f32 v42, v63;
	v63 =	vmul.f32 v40, v38;
	v4 =	vld [tilespmem:$0x1FA40]  }
0x121: {  	v55 =	vmul.f32 v48, v16;
	v43 =	vadd.f32 v43, v57;
	v17 =	vmax.f32 v1, $0.0e+00;
	v1 =	vld [tilespmem:$0x1FA60]  }
0x122: {  	s8 =	smul.f32 $1.562500000e-02, s15  }
0x123: {  	v58 =	vadd.f32 v42, v55;
	v61 =	vmul.f32 v40, v32;
	v43 =	vadd.f32 v43, v63  }
0x124: {  	s9 =	smul.f32 $1.562500000e-02, s21;
	v11 =	vmovc v39;
	v39 =	vmov s8;
	v33 =	vmul.f32 v40, v14;
	v9 =	vadd.f32 v9, v59  }
0x125: {  	v51 =	vmovc v28;
	v41 =	vadd.f32 v58, v61;
	v28 =	vmax.f32 v43, $0.0e+00;
	v13 =	vsub.f32 v4, v39;
	v4 =	vld [tilespmem:$0x1FA50]  }
0x126: {  	s9 =	sadd.f32 $9.999999740e-06, s9;
	[tilespmem:$0x1FB10] =	vst v28;
	v16 =	vsub.f32 v1, v39;
	v1 =	vld [tilespmem:$0x1FA70]  }
0x127: {  	v9 =	vadd.f32 v9, v33;
	v21 =	vmax.f32 v41, $0.0e+00;
	[tilespmem:$0x1FB30] =	vst v17  }
0x128: {  	v45 =	vmov s9;
	[tilespmem:$0x1FB00] =	vst v21;
	s9 =	spop (v2sf)  }
0x129: {  	v19 =	vmax.f32 v9, $0.0e+00;
	[tilespmem:$0x1FCD0] =	vst v13;
	s8 =	smul.f32 $1.562500000e-02, s9  }
0x12a: {  	[tilespmem:$0x1FB20] =	vst v19;
	v14 =	vsub.f32 v4, v39  }
0x12b: {  	[tilespmem:$0x1FD40] =	vst v16;
	v4 =	vsub.f32 v1, v39;
	v54 =	vmov s8  }
0x12c: {  	[tilespmem:$0x1FD30] =	vst v14;
	v40 =	vmul.f32 v14, v14;
	v14 =	vsub.f32 v3, v54  }
0x12d: {  	v9 =	vmul.f32 v13, v13;
	[tilespmem:$0x1FD50] =	vst v4;
	v13 =	vsub.f32 v7, v54  }
0x12e: {  	v53 =	vmul.f32 v4, v4;
	v4 =	vsub.f32 v8, v54;
	[tilespmem:$0x1FBC0] =	vst v14  }
0x12f: {  	s10 =	sadd.s32 $0x2, s19;
	v52 =	vmul.f32 v16, v16;
	v16 =	vsub.f32 v5, v54;
	[tilespmem:$0x1FBD0] =	vst v13  }
0x130: {  	s11 =	sadd.s32 $0x3, s10;
	[tilespmem:$0x1FBE0] =	vst v4  }
0x131: {  	s12 =	sadd.s32 $0x2, s10;
	s13 =	simm.s32 $0x18580;
	v55 =	vmov s11;
	[tilespmem:$0x1FBB0] =	vst v16  }
0x132: {  	v7 =	vmov s12;
	v58 =	vmul.f32 v4, v4;
	v4 =	vld [tilespmem:s13+$0x20]  }
0x133: {  	v41 =	vadd.f32 v17, v19;
	v1 =	vadd.f32 v28, v21  }
0x134: {  	v9 =	vadd.f32 v40, v9;
	v3 =	vshra.s32 v45, $0x1;
	v5 =	vadd.f32 v53, v52;
	v17 =	vld [tilespmem:s13+$0x0]  }
0x135: {  	v1 =	vadd.f32 v41, v1;
	v45 =	vmul.f32 $-5.000000000e-01, v45;
	v3 =	vsub.s32 $0x5F3759DF, v3;
	v28 =	vld [tilespmem:s13+$0x10]  }
0x136: {  	v8 =	vmul.f32 v14, v14;
	v57 =	vmul.f32 v13, v13;
	v5 =	vadd.f32 v5, v9;
	v9 =	vld.idx.msk [tilespmem:v55+s23+$0x0], $0xffff  }
0x137: {  	v59 =	vmul.f32 v16, v16;
	v61 =	vmul.f32 v3, v45;
	v46 =	vld.idx.msk [tilespmem:v7+s23+$0x0], $0xffff;
	[tilespmem:$0x1FA80] =	vst v4  }
0x138: {  	v60 =	vmul.u32 $0x6, v55;
	v4 =	vld [tilespmem:s13+$0x30]  }
0x139: {  	(xrf2) =	vadd.scan.msk.f32 $0xffff, v1;
	v1 =	vadd.f32 v57, v8;
	v8 =	vadd.f32 v59, v58;
	v44 =	vmul.f32 v3, v61  }
0x13a: {  	v63 =	vadd.s32 $0x5, v60  }
0x13b: {  	v14 =	vld [tilespmem:$0x1FF90];
	(xrf2) =	vadd.scan.msk.f32 $0xffff, v5;
	v1 =	vadd.f32 v8, v1;
	v5 =	vadd.s32 $0x4, v60;
	v44 =	vadd.f32 $1.500000000e+00, v44  }
0x13c: {  	v33 =	vadd.s32 $0x3, v60;
	v34 =	vadd.s32 $0x2, v60;
	v13 =	vld [tilespmem:$0x1FFA0]  }
0x13d: {  	(xrf2) =	vadd.scan.msk.f32 $0xffff, v1;
	v39 =	vmul.f32 v3, v44;
	v1 =	vshra.s32 v9, $0xC;
	[tilespmem:$0x1FA90] =	vst v4;
	v4 =	vld [tilespmem:$0x1FFB0]  }
0x13e: {  	v48 =	vor.u32 $0x1, v60;
	v55 =	vand.u32 $0xFFFFFFC0, v1;
	v1 =	vshrl.u32 v9, $0x3;
	v57 =	vld.idx.msk [tilespmem:v60+s24+$0x0], $0xffff  }
0x13f: {  	v59 =	vand.u32 $0x7FC0, v1;
	v1 =	vmul.f32 v39, v45;
	v47 =	vld.idx.msk [tilespmem:v63+s24+$0x0], $0xffff  }
0x140: {  	v58 =	vor.u32 v0, v55;
	v44 =	vld.idx.msk [tilespmem:v5+s24+$0x0], $0xffff  }
0x141: {  	v9 =	vshll.u32 v9, $0x6;
	v60 =	vor.u32 v2, v55;
	v50 =	vld.idx.msk [tilespmem:v33+s24+$0x0], $0xffff;
	[tilespmem:$0x1FAF0] =	vst v1  }
0x142: {  	v63 =	vor.u32 v0, v59;
	v33 =	vor.u32 v0, v9;
	v1 =	vor.u32 v2, v9;
	v45 =	vld.idx.msk [tilespmem:v34+s24+$0x0], $0xffff  }
0x143: {  	v34 =	vor.u32 v2, v59;
	v48 =	vld.idx.msk [tilespmem:v48+s24+$0x0], $0xffff;
	v49 =	vand.u32 v13, v1;
	v1 =	vshll.u32 v46, $0x6  }
0x144: {  	v53 =	vand.u32 v14, v33;
	v8 =	vor.u32 v0, v1;
	v0 =	vld [tilespmem:$0x1FFD0]  }
0x145: {  	v3, _, _ =	vpop (xrf2);
	v61 =	vld.idx.msk [tilespmem:v58+s18+$0x0], $0xffff  }
0x146: {  	v43 =	vmul.u32 $0x6, v7;
	v54 =	vor.u32 v30, v9;
	(v2sf) =	vpush v3, $0xF;
	v3, _, _ =	vpop (xrf2);
	v60 =	vld.idx.msk [tilespmem:v60+s18+$0x0], $0xffff  }
0x147: {  	v9 =	vor.u32 v22, v9;
	(v2sf) =	vpush v3, $0xF;
	v5 =	vor.u32 v2, v1;
	v63 =	vld.idx.msk [tilespmem:v63+s17+$0x0], $0xffff  }
0x148: {  	v7 =	vor.u32 v30, v1;
	v3, _, _ =	vpop (xrf2);
	v8 =	vand.u32 v14, v8;
	v58 =	vand.u32 v4, v54;
	v52 =	vld.idx.msk [tilespmem:v34+s17+$0x0], $0xffff  }
0x149: {  	v5 =	vand.u32 v13, v5;
	(v2sf) =	vpush v3, $0xF;
	v3 =	vld.idx.msk [tilespmem:v53+s5+$0x0], $0xffff;
	[tilespmem:$0x1FAA0] =	vst v8;
	v33 =	vand.u32 v0, v9  }
0x14a: {  	v1 =	vor.u32 v22, v1;
	v4 =	vand.u32 v4, v7;
	[tilespmem:$0x1FAB0] =	vst v5;
	v9 =	vor.u32 v30, v59  }
0x14b: {  	v42 =	vld.idx.msk [tilespmem:v49+s5+$0x0], $0xffff;
	[tilespmem:$0x1FAC0] =	vst v4;
	v0 =	vand.u32 v0, v1  }
0x14c: {  	[tilespmem:$0x1FAE0] =	vst v0  }
0x14d: {  	v58 =	vld.idx.msk [tilespmem:v58+s5+$0x0], $0xffff  }
0x14e: {  	v0 =	vmul.f32 v47, v32;
	v40 =	vld.idx.msk [tilespmem:v33+s5+$0x0], $0xffff  }
0x14f: {  	v9 =	vld.idx.msk [tilespmem:v9+s17+$0x0], $0xffff  }
0x150: {  	[tilespmem:$0x1FAD0] =	vst v0;
	v0 =	vld [tilespmem:$0x1FA80];
	_ =	sdelay $0x1  }
0x151: {  	v34 =	vor.u32 v22, v59  }
0x152: {  	v19 =	vmov v51;
	v21 =	vld [tilespmem:$0x1FD90]  }
0x153: {  	v54 =	vmul.f32 v44, v51;
	v51 =	vmul.f32 v50, v6;
	v3 =	vadd.f32 v3, v17;
	v17 =	vmovc v6;
	v6 =	vld [tilespmem:$0x1FF60]  }
0x154: {  	v58 =	vadd.f32 v58, v0;
	v0 =	vld [tilespmem:$0x1FA90]  }
0x155: {  	v42 =	vadd.f32 v42, v28;
	v28 =	vld [tilespmem:$0x1FF40]  }
0x156: {  	v53 =	vld.idx.msk [tilespmem:v34+s17+$0x0], $0xffff;
	v3 =	vadd.f32 v63, v3  }
0x157: {  	v7 =	vmul.f32 v57, v37;
	v41 =	vmul.f32 v57, v36;
	v5 =	vld [tilespmem:$0x1FE50];
	v42 =	vadd.f32 v52, v42  }
0x158: {  	v59 =	vor.u32 v30, v55;
	v49 =	vmul.f32 v57, v21;
	v3 =	vadd.f32 v61, v3  }
0x159: {  	v56 =	vmovc v18;
	v55 =	vor.u32 v22, v55;
	v42 =	vadd.f32 v60, v42;
	v40 =	vadd.f32 v40, v0  }
0x15a: {  	v57 =	vmul.f32 v57, v56;
	v63 =	vmul.f32 v48, v28;
	v3 =	vadd.f32 v3, v49  }
0x15b: {  	v7 =	vadd.f32 v42, v7;
	v40 =	vadd.f32 v53, v40;
	v53 =	vmul.f32 v48, v6  }
0x15c: {  	v16 =	vmov v56;
	v56 =	vmul.f32 v44, v5;
	v5 =	vmul.f32 v45, v11  }
0x15d: {  	v52 =	vmul.f32 v45, v10;
	v7 =	vadd.f32 v7, v63;
	v3 =	vadd.f32 v3, v53  }
0x15e: {  	v18 =	vmov v11;
	v11 =	vld [tilespmem:$0x1FAA0]  }
0x15f: {  	v8 =	vmul.f32 v50, v27;
	v55 =	vld.idx.msk [tilespmem:v55+s18+$0x0], $0xffff;
	v3 =	vadd.f32 v3, v5;
	v5 =	vadd.f32 v7, v52;
	_ =	sdelay $0x1  }
0x160: {  	v32 =	vmovc v27;
	v27 =	vmov v15;
	v5 =	vadd.f32 v5, v8;
	v8 =	vmul.f32 v44, v15;
	v15 =	vld [tilespmem:$0x1FDF0]  }
0x161: {  	v13 =	vld [tilespmem:$0x1FE60]  }
0x162: {  	v14 =	vld [tilespmem:$0x1FDD0]  }
0x163: {  	v59 =	vld.idx.msk [tilespmem:v59+s18+$0x0], $0xffff;
	v40 =	vadd.f32 v55, v40  }
0x164: {  	v0 =	vld [tilespmem:$0x1FE80]  }
0x165: {  	v40 =	vadd.f32 v40, v57;
	v57 =	vmul.f32 v44, v15;
	v44 =	vld.idx.msk [tilespmem:v11+s5+$0x0], $0xffff  }
0x166: {  	v11 =	vld [tilespmem:$0x1FAB0]  }
0x167: {  	v62 =	vmov v37;
	v37 =	vmov v2;
	v2 =	vld [tilespmem:$0x1FE40];
	v9 =	vadd.f32 v9, v58  }
0x168: {  	v4 =	vmov v10;
	s14 =	spop (v2sf);
	v10 =	vld [tilespmem:$0x1FE00]  }
0x169: {  	v1 =	vshrl.u32 v46, $0x3;
	v46 =	vshra.s32 v46, $0xC;
	v61 =	vld [tilespmem:$0x1FAD0];
	s15 =	spop (v2sf);
	v9 =	vadd.f32 v59, v9  }
0x16a: {  	v46 =	vand.u32 $0xFFFFFFC0, v46;
	v33 =	vmul.f32 v47, v38;
	s11 =	spop (v2sf);
	v63 =	vld [tilespmem:$0x1FAE0];
	v59 =	vlaneseq.u32  }
0x16b: {  	v60 =	vld [tilespmem:$0x1FAC0];
	s11 =	smul.f32 $1.562500000e-02, s11;
	v42 =	vor.u32 v59, v46;
	v9 =	vadd.f32 v9, v41;
	v34 =	vmul.f32 v48, v0  }
0x16c: {  	v1 =	vand.u32 $0x7FC0, v1;
	v38 =	vmul.f32 v48, v13;
	v41 =	vld.idx.msk [tilespmem:v43+s24+$0x0], $0xffff;
	v53 =	vmul.f32 v50, v12  }
0x16d: {  	s11 =	sadd.f32 $9.999999740e-06, s11;
	v55 =	vmul.f32 v50, v14;
	v50 =	vld [tilespmem:s13+$0xFFFFFFC0];
	v48 =	vmul.f32 v45, v2;
	v9 =	vadd.f32 v9, v34  }
0x16e: {  	v49 =	vmul.f32 v45, v29;
	v40 =	vadd.f32 v40, v38;
	v3 =	vadd.f32 v3, v51;
	v45 =	vld.idx.msk [tilespmem:v11+s5+$0x0], $0xffff  }
0x16f: {  	v58 =	vmul.f32 v47, v10;
	v34 =	vmov s11;
	v7 =	vadd.f32 v9, v48;
	v11 =	vld [tilespmem:$0x1FE10]  }
0x170: {  	v42 =	vld.idx.msk [tilespmem:v42+s18+$0x0], $0xffff;
	v9 =	vadd.f32 v40, v49;
	v3 =	vadd.f32 v3, v56;
	v40 =	vor.u32 v59, v1  }
0x171: {  	v51 =	vld [tilespmem:s13+$0xFFFFFFD0];
	v48 =	vor.u32 v37, v1;
	v5 =	vadd.f32 v5, v54;
	v7 =	vadd.f32 v7, v53  }
0x172: {  	v49 =	vld.idx.msk [tilespmem:v63+s5+$0x0], $0xffff;
	v53 =	vmul.f32 $-5.000000000e-01, v34;
	v9 =	vadd.f32 v9, v55;
	v3 =	vadd.f32 v3, v61  }
0x173: {  	v56 =	vld [tilespmem:s13+$0xFFFFFFF0];
	v5 =	vadd.f32 v5, v33;
	v55 =	vor.u32 v37, v46;
	v7 =	vadd.f32 v7, v8  }
0x174: {  	v63 =	vld [tilespmem:$0x1FAF0];
	v61 =	vshra.s32 v34, $0x1;
	v8 =	vadd.f32 v9, v57;
	v9 =	vmul.f32 v47, v11  }
0x175: {  	v34 =	vmul.f32 v41, v21;
	v7 =	vadd.f32 v7, v58;
	v58 =	vor.u32 $0x1, v43;
	v40 =	vld.idx.msk [tilespmem:v40+s17+$0x0], $0xffff  }
0x176: {  	v3 =	vmax.f32 v3, $0.0e+00;
	v48 =	vld.idx.msk [tilespmem:v48+s17+$0x0], $0xffff;
	v8 =	vadd.f32 v8, v9;
	v9 =	vor.u32 v30, v1  }
0x177: {  	v5 =	vmax.f32 v5, $0.0e+00;
	v52 =	vmax.f32 v7, $0.0e+00;
	v7 =	vld [tilespmem:s13+$0xFFFFFFE0];
	v1 =	vor.u32 v22, v1  }
0x178: {  	v38 =	vadd.f32 v5, v3;
	v55 =	vld.idx.msk [tilespmem:v55+s18+$0x0], $0xffff;
	v44 =	vadd.f32 v44, v50;
	v8 =	vmax.f32 v8, $0.0e+00  }
0x179: {  	v57 =	vsub.s32 $0x5F3759DF, v61;
	v61 =	vor.u32 v30, v46;
	v47 =	vld.idx.msk [tilespmem:v60+s5+$0x0], $0xffff;
	v60 =	vadd.f32 v8, v52  }
0x17a: {  	v46 =	vor.u32 v22, v46;
	v59 =	vmul.f32 v57, v53;
	v58 =	vld.idx.msk [tilespmem:v58+s24+$0x0], $0xffff;
	v40 =	vadd.f32 v40, v44  }
0x17b: {  	v45 =	vadd.f32 v45, v51;
	v54 =	vadd.f32 v60, v38;
	v38 =	vmul.f32 v63, v39;
	v9 =	vld.idx.msk [tilespmem:v9+s17+$0x0], $0xffff  }
0x17c: {  	v50 =	vor.u32 $0x3, v43;
	v40 =	vadd.f32 v42, v40;
	v63 =	vmul.f32 v57, v59;
	v1 =	vld.idx.msk [tilespmem:v1+s17+$0x0], $0xffff  }
0x17d: {  	s21 =	smul.f32 $1.562500000e-02, s14;
	v45 =	vadd.f32 v48, v45;
	(xrf2) =	vadd.scan.msk.f32 $0xffff, v54;
	v33 =	vadd.f32 $1.500000000e+00, v38;
	v38 =	vor.u32 $0x2, v43  }
0x17e: {  	v7 =	vadd.f32 v47, v7;
	v47 =	vld.idx.msk [tilespmem:v61+s18+$0x0], $0xffff;
	v54 =	vadd.f32 $1.500000000e+00, v63  }
0x17f: {  	v49 =	vadd.f32 v49, v56;
	v56 =	vmov s21;
	v46 =	vld.idx.msk [tilespmem:v46+s18+$0x0], $0xffff;
	v40 =	vadd.f32 v40, v34  }
0x180: {  	v45 =	vadd.f32 v55, v45;
	v60 =	vadd.s32 $0x4, v43;
	v44 =	vmul.f32 v57, v54  }
0x181: {  	v57 =	vmul.f32 v58, v6;
	v7 =	vadd.f32 v9, v7;
	v1 =	vadd.f32 v1, v49;
	v49 =	vld.idx.msk [tilespmem:v50+s24+$0x0], $0xffff  }
0x182: {  	v59 =	vmul.f32 v58, v28;
	v43 =	vadd.s32 $0x5, v43;
	v42 =	vld.idx.msk [tilespmem:v38+s24+$0x0], $0xffff;
	v38 =	vmul.f32 v41, v62  }
0x183: {  	v9 =	vmul.f32 v41, v36;
	v40 =	vadd.f32 v40, v57;
	v7 =	vadd.f32 v47, v7  }
0x184: {  	v21 =	vmovc v62;
	v41 =	vmul.f32 v41, v16;
	v1 =	vadd.f32 v46, v1;
	v45 =	vadd.f32 v45, v38  }
0x185: {  	v63 =	vmovc v16;
	v62 =	vmul.f32 v58, v0;
	v47 =	vmul.f32 v58, v13;
	v16 =	vld [tilespmem:$0x1FE50];
	v7 =	vadd.f32 v7, v9  }
0x186: {  	v9 =	vld.idx.msk [tilespmem:v60+s24+$0x0], $0xffff;
	v1 =	vadd.f32 v1, v41;
	v58 =	vmul.f32 v49, v17;
	v45 =	vadd.f32 v45, v59  }
0x187: {  	v7 =	vadd.f32 v7, v62;
	v62 =	vmul.f32 v49, v12;
	v61, _, _ =	vpop (xrf2);
	v38 =	vmul.f32 v42, v4;
	v4 =	vld [tilespmem:$0x1FB00]  }
0x188: {  	v34 =	vmul.f32 v42, v18;
	v57 =	vmul.f32 v42, v2;
	(v2sf) =	vpush v61, $0xF  }
0x189: {  	v59 =	vld.idx.msk [tilespmem:v43+s24+$0x0], $0xffff;
	v1 =	vadd.f32 v1, v47;
	v42 =	vmul.f32 v42, v29;
	v61 =	vmul.f32 v49, v32  }
0x18a: {  	v32 =	vmul.f32 v49, v14;
	v40 =	vadd.f32 v40, v34;
	v60 =	vadd.f32 v45, v38  }
0x18b: {  	v7 =	vadd.f32 v7, v57;
	v34 =	vmul.f32 v9, v16;
	v1 =	vadd.f32 v1, v42  }
0x18c: {  	v28 =	vld [tilespmem:$0x1FE70];
	v38 =	vmul.f32 v9, v19;
	v49 =	vmul.f32 v9, v27;
	v4 =	vsub.f32 v4, v56  }
0x18d: {  	v2 =	vld [tilespmem:$0x1FF10];
	v9 =	vmul.f32 v9, v15;
	v7 =	vadd.f32 v7, v62;
	v1 =	vadd.f32 v1, v32  }
0x18e: {  	v54 =	vmul.f32 v59, v10;
	v41 =	vmov v4;
	v4 =	vld [tilespmem:$0x1FB10]  }
0x18f: {  	v7 =	vadd.f32 v7, v49;
	v1 =	vadd.f32 v1, v9;
	v9 =	vmul.f32 v59, v11  }
0x190: {  	v40 =	vadd.f32 v40, v58;
	v43 =	vadd.f32 v60, v61  }
0x191: {  	v50 =	vmul.f32 v59, v28;
	v7 =	vadd.f32 v7, v54;
	v1 =	vadd.f32 v1, v9  }
0x192: {  	v51 =	vmul.f32 v59, v2;
	v40 =	vadd.f32 v40, v34;
	v43 =	vadd.f32 v43, v38  }
0x193: {  	v6 =	vld [tilespmem:$0x1FB20];
	v0 =	vmovc v17;
	v17 =	vmax.f32 v7, $0.0e+00;
	v7 =	vsub.f32 v4, v56;
	v4 =	vmax.f32 v1, $0.0e+00  }
0x194: {  	[tilespmem:$0x1FD20] =	vst v4;
	v57 =	vadd.f32 v4, v17;
	v4 =	vld [tilespmem:$0x1FB30]  }
0x195: {  	v40 =	vadd.f32 v40, v50;
	v55 =	vadd.f32 v43, v51;
	_ =	sdelay $0x1  }
0x196: {  	v14 =	vmax.f32 v40, $0.0e+00;
	v9 =	vmax.f32 v55, $0.0e+00;
	s10 =	spop (v2sf)  }
0x197: {  	v1 =	vadd.f32 v9, v14;
	s8 =	smul.f32 $1.562500000e-02, s10  }
0x198: {  	[tilespmem:$0x1FCE0] =	vst v14;
	v14 =	vsub.f32 v6, v56;
	v4 =	vsub.f32 v4, v56  }
0x199: {  	v58 =	vmul.f32 v41, v41;
	v59 =	vmul.f32 v7, v7;
	v60 =	vmov s8  }
0x19a: {  	[tilespmem:$0x1FB40] =	vst v7;
	v61 =	vmul.f32 v14, v14;
	v7 =	vsub.f32 v3, v60;
	v3 =	vmul.f32 v4, v4  }
0x19b: {  	v45 =	vadd.f32 v59, v58  }
0x19c: {  	[tilespmem:$0x1FB60] =	vst v4;
	v4 =	vsub.f32 v52, v60;
	v3 =	vadd.f32 v3, v61  }
0x19d: {  	v1 =	vadd.f32 v57, v1  }
0x19e: {  	[tilespmem:$0x1FD80] =	vst v4;
	v32 =	vmul.f32 v4, v4;
	v4 =	vld [tilespmem:$0x1FB70];
	v3 =	vadd.f32 v3, v45  }
0x19f: {  	s11 =	sadd.s32 $0x4, s19;
	[tilespmem:$0x1FCF0] =	vst v9;
	(xrf2) =	vadd.scan.msk.f32 $0xffff, v1  }
0x1a0: {  	s12 =	sadd.s32 $0x3, s11;
	[tilespmem:$0x1FD00] =	vst v17;
	v10 =	vsub.f32 v5, v60;
	v6 =	vsub.f32 v8, v60;
	(xrf2) =	vadd.scan.msk.f32 $0xffff, v3;
	v3 =	vld [tilespmem:$0x1FB90]  }
0x1a1: {  	v33 =	vmul.f32 v33, v39;
	v62 =	vmov s12;
	[tilespmem:$0x1FB50] =	vst v14;
	v5 =	vmul.f32 v7, v7  }
0x1a2: {  	[tilespmem:$0x1FD60] =	vst v7;
	v8 =	vmul.f32 v10, v10;
	v49 =	vmul.f32 v6, v6  }
0x1a3: {  	[tilespmem:$0x1FD70] =	vst v10;
	v4 =	vmul.f32 v33, v4  }
0x1a4: {  	v9 =	vmul.f32 v44, v53;
	[tilespmem:$0x1FD10] =	vst v6;
	v5 =	vadd.f32 v8, v5;
	v8 =	vadd.f32 v49, v32  }
0x1a5: {  	[tilespmem:$0x1FC50] =	vst v4;
	v3 =	vmul.f32 v33, v3  }
0x1a6: {  	v9 =	vmul.f32 v9, v44;
	v1 =	vadd.f32 v8, v5;
	v5 =	vld.idx.msk [tilespmem:v62+s23+$0x0], $0xffff  }
0x1a7: {  	[tilespmem:$0x1FC70] =	vst v3;
	v3 =	vld [tilespmem:$0x1FBB0]  }
0x1a8: {  	v9 =	vadd.f32 $1.500000000e+00, v9;
	_ =	sdelay $0x1  }
0x1a9: {  	v7 =	vmul.f32 v9, v44;
	_ =	sdelay $0x1  }
0x1aa: {  	(xrf2) =	vadd.scan.msk.f32 $0xffff, v1;
	v1 =	vld [tilespmem:$0x1FBA0];
	v3 =	vmul.f32 v7, v3  }
0x1ab: {  	v4 =	vld [tilespmem:$0x1FB80]  }
0x1ac: {  	[tilespmem:$0x1FC90] =	vst v3;
	v3 =	vld [tilespmem:$0x1FBC0];
	_ =	sdelay $0x1  }
0x1ad: {  	s8 =	sadd.s32 $0x2, s11  }
0x1ae: {  	v51 =	vmov s8;
	v1 =	vmul.f32 v33, v1  }
0x1af: {  	v4 =	vmul.f32 v33, v4  }
0x1b0: {  	[tilespmem:$0x1FC80] =	vst v1;
	v3 =	vmul.f32 v7, v3  }
0x1b1: {  	s9 =	smul.f32 $1.562500000e-02, s15;
	[tilespmem:$0x1FC60] =	vst v4;
	v4 =	vld [tilespmem:$0x1FBD0]  }
0x1b2: {  	v10 =	vld [tilespmem:$0x1FFA0];
	[tilespmem:$0x1FCA0] =	vst v3  }
0x1b3: {  	s9 =	sadd.f32 $9.999999740e-06, s9;
	s8 =	simm.s32 $0x18600;
	v53 =	vld.idx.msk [tilespmem:v51+s23+$0x0], $0xffff  }
0x1b4: {  	v58 =	vld [tilespmem:s8+$0x0]  }
0x1b5: {  	v34 =	vmov s9;
	v44 =	vmul.u32 $0x6, v62;
	v62 =	vld [tilespmem:s8+$0x10]  }
0x1b6: {  	v54 =	vmul.f32 $-5.000000000e-01, v34;
	v8 =	vshra.s32 v34, $0x1;
	v4 =	vmul.f32 v7, v4;
	v59 =	vld [tilespmem:s8+$0x20]  }
0x1b7: {  	v9 =	vsub.s32 $0x5F3759DF, v8;
	v60 =	vld [tilespmem:s8+$0x30]  }
0x1b8: {  	v1 =	vmul.f32 v9, v54;
	v8 =	vshra.s32 v5, $0xC;
	[tilespmem:$0x1FCB0] =	vst v4;
	v4 =	vld [tilespmem:$0x1FFD0]  }
0x1b9: {  	v52 =	vadd.s32 $0x5, v44;
	v61 =	vand.u32 $0xFFFFFFC0, v8;
	v3 =	vlaneseq.u32  }
0x1ba: {  	v6 =	vld [tilespmem:$0x1FF90];
	v38 =	vmul.f32 v9, v1;
	v1 =	vshll.u32 v5, $0x6;
	v42 =	vor.u32 v3, v61  }
0x1bb: {  	v56 =	vor.u32 v3, v1;
	v3 =	vshrl.u32 v5, $0x3;
	v5 =	vor.u32 v37, v1  }
0x1bc: {  	v13 =	vmovc v12;
	v12 =	vld [tilespmem:$0x1FE60];
	v34 =	vand.u32 v10, v5;
	v5 =	vor.u32 v30, v1;
	v1 =	vor.u32 v22, v1  }
0x1bd: {  	v39 =	vadd.s32 $0x3, v44;
	v49 =	vand.u32 v4, v1;
	v1 =	vld [tilespmem:$0x1FBE0]  }
0x1be: {  	v11 =	vld [tilespmem:$0x1FFB0]  }
0x1bf: {  	v27 =	vld [tilespmem:$0x1FF60];
	v32 =	vand.u32 v6, v56  }
0x1c0: {  	v45 =	vld.idx.msk [tilespmem:v44+s24+$0x0], $0xffff  }
0x1c1: {  	v33 =	vlaneseq.u32;
	v40 =	vadd.f32 $1.500000000e+00, v38;
	v3 =	vand.u32 $0x7FC0, v3;
	v57 =	vld.idx.msk [tilespmem:v52+s24+$0x0], $0xffff  }
0x1c2: {  	v56 =	vmul.u32 $0x6, v51;
	v51 =	vld.idx.msk [tilespmem:v39+s24+$0x0], $0xffff;
	v52 =	vor.u32 v33, v3;
	v1 =	vmul.f32 v7, v1  }
0x1c3: {  	v38 =	vand.u32 v11, v5;
	v55 =	vld.idx.msk [tilespmem:v42+s18+$0x0], $0xffff  }
0x1c4: {  	v8, _, _ =	vpop (xrf2);
	v19 =	vmul.f32 v9, v40;
	v9 =	vor.u32 v37, v3;
	v50 =	vld.idx.msk [tilespmem:v32+s5+$0x0], $0xffff;
	[tilespmem:$0x1FCC0] =	vst v1;
	v1 =	vor.u32 $0x1, v56  }
0x1c5: {  	v43 =	vld [tilespmem:$0x1FE50];
	(v2sf) =	vpush v8, $0xF;
	v8, _, _ =	vpop (xrf2);
	[tilespmem:$0x1FC40] =	vst v1  }
0x1c6: {  	(v2sf) =	vpush v8, $0xF;
	v8, _, _ =	vpop (xrf2);
	v47 =	vor.u32 v30, v3;
	v48 =	vld.idx.msk [tilespmem:v34+s5+$0x0], $0xffff  }
0x1c7: {  	(v2sf) =	vpush v8, $0xF;
	v54 =	vmul.f32 v19, v54;
	v5 =	vor.u32 v37, v61;
	v52 =	vld.idx.msk [tilespmem:v52+s17+$0x0], $0xffff  }
0x1c8: {  	v46 =	vld.idx.msk [tilespmem:v38+s5+$0x0], $0xffff  }
0x1c9: {  	v8 =	vor.u32 v30, v61;
	v40 =	vmul.f32 v54, v19;
	v9 =	vld.idx.msk [tilespmem:v9+s17+$0x0], $0xffff  }
0x1ca: {  	v54 =	vadd.s32 $0x2, v44;
	v61 =	vor.u32 v22, v61;
	v7 =	vor.u32 v22, v3;
	v49 =	vld.idx.msk [tilespmem:v49+s5+$0x0], $0xffff  }
0x1cb: {  	v42 =	vshrl.u32 v53, $0x3;
	v32 =	vadd.s32 $0x4, v44;
	v1 =	vshll.u32 v53, $0x6;
	v47 =	vld.idx.msk [tilespmem:v47+s17+$0x0], $0xffff  }
0x1cc: {  	v44 =	vor.u32 $0x1, v44;
	v3 =	vor.u32 v33, v1;
	v39 =	vor.u32 v30, v1;
	v5 =	vld.idx.msk [tilespmem:v5+s18+$0x0], $0xffff  }
0x1cd: {  	v17 =	vmovc v37;
	v38 =	vor.u32 v37, v1;
	v3 =	vand.u32 v6, v3;
	v6 =	vand.u32 v11, v39;
	v39 =	vld [tilespmem:$0x1FD90]  }
0x1ce: {  	v14 =	vmovc v63;
	v1 =	vor.u32 v22, v1;
	v8 =	vld.idx.msk [tilespmem:v8+s18+$0x0], $0xffff;
	v46 =	vadd.f32 v46, v59;
	v59 =	vand.u32 $0x7FC0, v42  }
0x1cf: {  	v7 =	vld.idx.msk [tilespmem:v7+s17+$0x0], $0xffff;
	v48 =	vadd.f32 v48, v62;
	v62 =	vand.u32 v4, v1;
	v1 =	vor.u32 v33, v59  }
0x1d0: {  	v50 =	vadd.f32 v50, v58;
	v58 =	vand.u32 v10, v38;
	v38 =	vmul.f32 v45, v21;
	v10 =	vld [tilespmem:$0x1FDB0];
	[tilespmem:$0x1FC00] =	vst v1  }
0x1d1: {  	v49 =	vadd.f32 v49, v60;
	v42 =	vmul.f32 v45, v36;
	v1 =	vmul.f32 v57, v28;
	v61 =	vld.idx.msk [tilespmem:v61+s18+$0x0], $0xffff  }
0x1d2: {  	v50 =	vadd.f32 v52, v50;
	v34 =	vmul.f32 v45, v39;
	v45 =	vmul.f32 v45, v63;
	v44 =	vld.idx.msk [tilespmem:v44+s24+$0x0], $0xffff  }
0x1d3: {  	v53 =	vshra.s32 v53, $0xC;
	v9 =	vadd.f32 v9, v48;
	v54 =	vld.idx.msk [tilespmem:v54+s24+$0x0], $0xffff;
	[tilespmem:$0x1FBF0] =	vst v1;
	v1 =	vor.u32 v30, v59  }
0x1d4: {  	s13 =	spop (v2sf);
	v46 =	vadd.f32 v47, v46;
	v7 =	vadd.f32 v7, v49;
	v49 =	vor.u32 v37, v59;
	v37 =	vld [tilespmem:$0x1FE80];
	[tilespmem:$0x1FC10] =	vst v1  }
0x1d5: {  	s14 =	spop (v2sf);
	v63 =	vmul.f32 v57, v2;
	v50 =	vadd.f32 v55, v50;
	v5 =	vadd.f32 v5, v9;
	v2 =	vld.idx.msk [tilespmem:v3+s5+$0x0], $0xffff  }
0x1d6: {  	s15 =	spop (v2sf);
	v53 =	vand.u32 $0xFFFFFFC0, v53;
	v8 =	vadd.f32 v8, v46;
	v52 =	vld.idx.msk [tilespmem:v32+s24+$0x0], $0xffff  }
0x1d7: {  	s11 =	smul.f32 $1.562500000e-02, s15;
	v50 =	vadd.f32 v50, v34;
	v9 =	vor.u32 v17, v53;
	v5 =	vadd.f32 v5, v38;
	v32 =	vld [tilespmem:$0x1FE40]  }
0x1d8: {  	v16 =	vmovc v18;
	v8 =	vadd.f32 v8, v42;
	v60 =	vmul.f32 v44, v27;
	v48 =	vmul.f32 v54, v18;
	v18 =	vld [tilespmem:$0x1FF40]  }
0x1d9: {  	v15 =	vmovc v0;
	s11 =	sadd.f32 $9.999999740e-06, s11;
	v7 =	vadd.f32 v61, v7;
	v61 =	vmul.f32 v51, v0;
	v38 =	vmul.f32 v44, v37;
	v0 =	vld [tilespmem:$0x1FF80]  }
0x1da: {  	v46 =	vld.idx.msk [tilespmem:v56+s24+$0x0], $0xffff;
	v42 =	vmul.f32 v51, v10;
	v50 =	vadd.f32 v50, v60;
	[tilespmem:$0x1FC20] =	vst v2  }
0x1db: {  	v7 =	vadd.f32 v7, v45;
	v60 =	vmov s11;
	v8 =	vadd.f32 v8, v38;
	v3 =	vld.idx.msk [tilespmem:v58+s5+$0x0], $0xffff  }
0x1dc: {  	v11 =	vld [tilespmem:$0x1FDD0];
	v1 =	vmul.f32 v54, v32;
	v47 =	vmul.f32 $-5.000000000e-01, v60;
	v48 =	vadd.f32 v50, v48  }
0x1dd: {  	v4 =	vld [tilespmem:$0x1FF30];
	v38 =	vshra.s32 v60, $0x1;
	v34 =	vmul.f32 v44, v18;
	v44 =	vmul.f32 v44, v12  }
0x1de: {  	v17 =	vld [tilespmem:$0x1FE10];
	v50 =	vsub.s32 $0x5F3759DF, v38;
	v45 =	vmul.f32 v54, v0;
	v48 =	vadd.f32 v48, v61  }
0x1df: {  	v54 =	vmul.f32 v54, v29;
	v61 =	vld [tilespmem:$0x1FC20];
	v5 =	vadd.f32 v5, v34;
	v7 =	vadd.f32 v7, v44  }
0x1e0: {  	v1 =	vadd.f32 v8, v1;
	v8 =	vmul.f32 v50, v47;
	v34 =	vmul.f32 v51, v13;
	[tilespmem:$0x1FC30] =	vst v3;
	v3 =	vld [tilespmem:$0x1FBF0]  }
0x1e1: {  	v2 =	vmovc v13;
	v13 =	vld [tilespmem:$0x1FE00];
	v5 =	vadd.f32 v5, v45;
	v7 =	vadd.f32 v7, v54;
	v54 =	vmul.f32 v52, v43  }
0x1e2: {  	v60 =	vld.idx.msk [tilespmem:v6+s5+$0x0], $0xffff  }
0x1e3: {  	v8 =	vmul.f32 v50, v8;
	v5 =	vadd.f32 v5, v42;
	v42 =	vld [tilespmem:$0x1FDE0];
	v48 =	vadd.f32 v48, v54  }
0x1e4: {  	v38 =	vmul.f32 v52, v4;
	v6 =	vld [tilespmem:$0x1FDF0]  }
0x1e5: {  	v8 =	vadd.f32 $1.500000000e+00, v8;
	v48 =	vadd.f32 v48, v3;
	v3 =	vld [tilespmem:$0x1FC00]  }
0x1e6: {  	v51 =	vmul.f32 v51, v11;
	v45 =	vld [tilespmem:$0x1FC10];
	v5 =	vadd.f32 v5, v38;
	v38 =	vor.u32 v33, v53  }
0x1e7: {  	v59 =	vor.u32 v22, v59;
	v62 =	vld.idx.msk [tilespmem:v62+s5+$0x0], $0xffff;
	v8 =	vmul.f32 v50, v8  }
0x1e8: {  	v1 =	vadd.f32 v1, v34;
	v58 =	vld [tilespmem:s8+$0xFFFFFFC0];
	v7 =	vadd.f32 v7, v51;
	v34 =	vmul.f32 v52, v42  }
0x1e9: {  	v55 =	vld [tilespmem:s8+$0xFFFFFFD0];
	v47 =	vmul.f32 v8, v47;
	v5 =	vadd.f32 v5, v63;
	v52 =	vmul.f32 v52, v6  }
0x1ea: {  	v51 =	vld [tilespmem:s8+$0xFFFFFFE0];
	v54 =	vmul.f32 v57, v13;
	v57 =	vmul.f32 v57, v17;
	v1 =	vadd.f32 v1, v34  }
0x1eb: {  	v33 =	vmax.f32 v5, $0.0e+00;
	v5 =	vmul.f32 v47, v8;
	v7 =	vadd.f32 v7, v52;
	v47 =	vld.idx.msk [tilespmem:v38+s18+$0x0], $0xffff  }
0x1ec: {  	v34 =	vld [tilespmem:$0x1FC30];
	v1 =	vadd.f32 v1, v54  }
0x1ed: {  	v7 =	vadd.f32 v7, v57;
	v50 =	vld.idx.msk [tilespmem:v3+s17+$0x0], $0xffff;
	v3 =	vadd.f32 $1.500000000e+00, v40  }
0x1ee: {  	v57 =	vld.idx.msk [tilespmem:v59+s17+$0x0], $0xffff  }
0x1ef: {  	v38 =	vmax.f32 v1, $0.0e+00;
	v59 =	vmax.f32 v7, $0.0e+00;
	v1 =	vmul.f32 v3, v19;
	v3 =	vld.idx.msk [tilespmem:v9+s18+$0x0], $0xffff  }
0x1f0: {  	v44 =	vor.u32 v30, v53;
	v9 =	vadd.f32 v59, v38;
	v19 =	vmov v38;
	v38 =	vld [tilespmem:$0x1FC40]  }
0x1f1: {  	v52 =	vld [tilespmem:s8+$0xFFFFFFF0]  }
0x1f2: {  	v49 =	vld.idx.msk [tilespmem:v49+s17+$0x0], $0xffff;
	v54 =	vmax.f32 v48, $0.0e+00;
	v48 =	vadd.f32 v61, v58;
	v61 =	vor.u32 v22, v53  }
0x1f3: {  	v45 =	vld.idx.msk [tilespmem:v45+s17+$0x0], $0xffff;
	v5 =	vadd.f32 $1.500000000e+00, v5  }
0x1f4: {  	v63 =	vor.u32 $0x2, v56;
	v7 =	vadd.f32 v33, v54  }
0x1f5: {  	v51 =	vadd.f32 v60, v51;
	v53 =	vmul.f32 v5, v8;
	v5 =	vld.idx.msk [tilespmem:v44+s18+$0x0], $0xffff;
	v55 =	vadd.f32 v34, v55  }
0x1f6: {  	v7 =	vadd.f32 v9, v7;
	v9 =	vadd.f32 v62, v52;
	v62 =	vor.u32 $0x3, v56  }
0x1f7: {  	v34 =	vadd.f32 v49, v55;
	v55 =	vld.idx.msk [tilespmem:v61+s18+$0x0], $0xffff  }
0x1f8: {  	v45 =	vadd.f32 v45, v51;
	v58 =	vld.idx.msk [tilespmem:v38+s24+$0x0], $0xffff  }
0x1f9: {  	v8 =	vadd.f32 v50, v48;
	(xrf2) =	vadd.scan.msk.f32 $0xffff, v7;
	v7 =	vld.idx.msk [tilespmem:v63+s24+$0x0], $0xffff;
	v38 =	vmul.f32 v46, v39;
	v39 =	vadd.s32 $0x4, v56  }
0x1fa: {  	v40 =	vmovc v59;
	v59 =	vmul.f32 v46, v36;
	v5 =	vadd.f32 v5, v45;
	v9 =	vadd.f32 v57, v9  }
0x1fb: {  	v52 =	vmul.f32 v46, v21;
	v8 =	vadd.f32 v47, v8;
	v44 =	vld.idx.msk [tilespmem:v62+s24+$0x0], $0xffff  }
0x1fc: {  	v5 =	vadd.f32 v5, v59;
	v9 =	vadd.f32 v55, v9;
	v46 =	vmul.f32 v46, v14  }
0x1fd: {  	v3 =	vadd.f32 v3, v34;
	v8 =	vadd.f32 v8, v38;
	v63 =	vmul.f32 v58, v37  }
0x1fe: {  	v38 =	vmul.f32 v7, v32;
	v9 =	vadd.f32 v9, v46;
	v57 =	vmul.f32 v58, v27;
	v34 =	vld.idx.msk [tilespmem:v39+s24+$0x0], $0xffff  }
0x1ff: {  	v37 =	vmul.f32 v7, v0;
	v39 =	vmul.f32 v58, v12;
	v0 =	vld [tilespmem:$0x1FEC0];
	v5 =	vadd.f32 v5, v63  }
0x200: {  	v62 =	vmul.f32 v7, v16;
	v8 =	vadd.f32 v8, v57;
	v57 =	vmul.f32 v44, v2;
	v2 =	vld [tilespmem:$0x1FC50]  }
0x201: {  	v7 =	vmul.f32 v7, v29;
	v9 =	vadd.f32 v9, v39;
	v5 =	vadd.f32 v5, v38;
	_ =	sdelay $0x1  }
0x202: {  	v7 =	vadd.f32 v9, v7;
	v9 =	vmul.f32 v34, v42;
	v5 =	vadd.f32 v5, v57  }
0x203: {  	v61 =	vadd.s32 $0x5, v56  }
0x204: {  	v5 =	vadd.f32 v5, v9;
	v9 =	vmul.f32 v2, v0;
	v0 =	vld [tilespmem:$0x1FC60];
	_ =	sdelay $0x3  }
0x205: {  	v50 =	vld.idx.msk [tilespmem:v61+s24+$0x0], $0xffff  }
0x206: {  	v61 =	vmul.f32 v0, v35;
	v0 =	vld [tilespmem:$0x1FC70];
	_ =	sdelay $0x4  }
0x207: {  	v8 =	vadd.f32 v8, v62;
	v62 =	vmul.f32 v0, v20;
	v0 =	vld [tilespmem:$0x1FC80];
	_ =	sdelay $0x3  }
0x208: {  	v2 =	vld [tilespmem:$0x1FC90]  }
0x209: {  	v63 =	vmul.f32 v0, v31;
	v0 =	vld [tilespmem:$0x1FEC0];
	_ =	sdelay $0x4  }
0x20a: {  	v32 =	vmul.f32 v2, v0;
	v0 =	vld [tilespmem:$0x1FF10];
	_ =	sdelay $0x2  }
0x20b: {  	v60 =	vmul.f32 v58, v18  }
0x20c: {  	v58 =	vmul.f32 v34, v43;
	v59 =	vmul.f32 v34, v4  }
0x20d: {  	v47 =	vmul.f32 v34, v6;
	v34 =	vmul.f32 v50, v0;
	v0 =	vld [tilespmem:$0x1FCA0]  }
0x20e: {  	v3 =	vadd.f32 v3, v52;
	_ =	sdelay $0x1  }
0x20f: {  	v3 =	vadd.f32 v3, v60;
	_ =	sdelay $0x1  }
0x210: {  	v3 =	vadd.f32 v3, v37;
	v37 =	vmul.f32 v0, v35;
	v0 =	vld [tilespmem:$0x1FCB0];
	_ =	sdelay $0x4  }
0x211: {  	v38 =	vmul.f32 v0, v20;
	v0 =	vld [tilespmem:$0x1FCC0];
	_ =	sdelay $0x3  }
0x212: {  	v55 =	vmul.f32 v44, v10  }
0x213: {  	v39 =	vmul.f32 v0, v31;
	v0 =	vld [tilespmem:$0x1FCD0]  }
0x214: {  	v3 =	vadd.f32 v3, v55;
	_ =	sdelay $0x1  }
0x215: {  	v3 =	vadd.f32 v3, v59;
	_ =	sdelay $0x1  }
0x216: {  	v3 =	vadd.f32 v3, v34;
	v34 =	vmul.f32 v1, v0;
	v0 =	vld [tilespmem:$0x1FCE0]  }
0x217: {  	v52 =	vmul.f32 v44, v15  }
0x218: {  	s10 =	smul.f32 $1.562500000e-02, s13  }
0x219: {  	v8 =	vadd.f32 v8, v52  }
0x21a: {  	v52 =	vadd.f32 v37, v23;
	v37 =	vadd.f32 v38, v24;
	v38 =	vmov s10  }
0x21b: {  	v59 =	vsub.f32 v0, v38;
	v0 =	vld [tilespmem:$0x1FCF0];
	_ =	sdelay $0x4  }
0x21c: {  	v21 =	vsub.f32 v0, v38;
	v0 =	vld [tilespmem:$0x1FD00];
	_ =	sdelay $0x1  }
0x21d: {  	v9 =	vadd.f32 v9, v26  }
0x21e: {  	s11 =	simm.s32 $0x1B480  }
0x21f: {  	v27 =	vld [tilespmem:$0x1FEC0];
	[tilespmem:s11+$0x30] =	vst v9  }
0x220: {  	v44 =	vmul.f32 v44, v11;
	v22 =	vsub.f32 v0, v38;
	v0 =	vld [tilespmem:$0x1FD10]  }
0x221: {  	v42 =	vmul.f32 v50, v13  }
0x222: {  	v7 =	vadd.f32 v7, v44  }
0x223: {  	v5 =	vadd.f32 v5, v42;
	v44 =	vadd.f32 v61, v23  }
0x224: {  	v45 =	vadd.f32 v62, v24  }
0x225: {  	v14 =	vmax.f32 v5, $0.0e+00;
	v46 =	vadd.f32 v63, v25;
	v5 =	vmul.f32 v53, v0;
	v0 =	vld [tilespmem:$0x1FD20];
	[tilespmem:s11+$0x0] =	vst v44  }
0x226: {  	v55 =	vadd.f32 v32, v26;
	[tilespmem:s11+$0x10] =	vst v45  }
0x227: {  	s10 =	simm.s32 $0x1B500;
	[tilespmem:s11+$0x20] =	vst v46  }
0x228: {  	v60 =	vmul.f32 v50, v28;
	[tilespmem:s10+$0x30] =	vst v55  }
0x229: {  	v8 =	vadd.f32 v8, v58;
	v7 =	vadd.f32 v7, v47;
	v32 =	vmul.f32 v50, v17;
	[tilespmem:s10+$0x0] =	vst v52  }
0x22a: {  	v57 =	vsub.f32 v0, v38;
	v0 =	vld [tilespmem:$0x1FD30]  }
0x22b: {  	v8 =	vadd.f32 v8, v60;
	v7 =	vadd.f32 v7, v32;
	_ =	sdelay $0x1  }
0x22c: {  	v13 =	vmax.f32 v8, $0.0e+00;
	v12 =	vmax.f32 v7, $0.0e+00  }
0x22d: {  	s9 =	smul.f32 $1.562500000e-02, s14;
	v7 =	vadd.f32 v12, v14;
	v15 =	vmax.f32 v3, $0.0e+00;
	v8 =	vmul.f32 v59, v59  }
0x22e: {  	v3 =	vadd.f32 v15, v13;
	v9 =	vmul.f32 v21, v21;
	v50 =	vmul.f32 v1, v0;
	v0 =	vld [tilespmem:$0x1FD40]  }
0x22f: {  	s9 =	sadd.f32 $9.999999740e-06, s9  }
0x230: {  	v49 =	vadd.f32 v7, v3;
	v7 =	vadd.f32 v9, v8  }
0x231: {  	v56, _, _ =	vpop (xrf2);
	v8 =	vmov s9;
	v48 =	vmul.f32 v22, v22;
	v3 =	vmul.f32 v57, v57  }
0x232: {  	(v2sf) =	vpush v56, $0xF;
	v63 =	vmul.f32 $-5.000000000e-01, v8;
	[tilespmem:s10+$0x10] =	vst v37  }
0x233: {  	v45 =	vadd.f32 v3, v48;
	v3 =	vshra.s32 v8, $0x1;
	v8 =	vmul.f32 v1, v0;
	v0 =	vld [tilespmem:$0x1FD50];
	_ =	sdelay $0x1  }
0x234: {  	v39 =	vadd.f32 v39, v25;
	_ =	sdelay $0x1  }
0x235: {  	[tilespmem:s10+$0x20] =	vst v39  }
0x236: {  	v5 =	vmul.f32 v5, v27;
	v9 =	vsub.s32 $0x5F3759DF, v3;
	v3 =	vmul.f32 v1, v0;
	v0 =	vld [tilespmem:$0x1FD60];
	_ =	sdelay $0x1  }
0x237: {  	v5 =	vadd.f32 v5, v26  }
0x238: {  	s9 =	simm.s32 $0x1B580  }
0x239: {  	[tilespmem:s9+$0x30] =	vst v5  }
0x23a: {  	v51 =	vadd.f32 v45, v7;
	v7 =	vmul.f32 v53, v0;
	v0 =	vld [tilespmem:$0x1FD70];
	_ =	sdelay $0x3  }
0x23b: {  	s21 =	spop (v2sf)  }
0x23c: {  	s12 =	smul.f32 $1.562500000e-02, s21;
	v5 =	vmul.f32 v53, v0;
	v0 =	vld [tilespmem:$0x1FD80];
	_ =	sdelay $0x1  }
0x23d: {  	v52 =	vmov s12  }
0x23e: {  	v60 =	vmul.f32 v34, v35;
	v28 =	vsub.f32 v33, v52;
	v1 =	vmul.f32 v9, v63  }
0x23f: {  	(xrf2) =	vadd.scan.msk.f32 $0xffff, v49;
	v16 =	vsub.f32 v40, v52;
	v38 =	vsub.f32 v54, v52;
	v55 =	vmul.f32 v50, v20  }
0x240: {  	s21 =	sadd.s32 $0x60, s22;
	s12 =	simm.s32 $0x6;
	(xrf2) =	vadd.scan.msk.f32 $0xffff, v51;
	v39 =	vsub.f32 v19, v52;
	v62 =	vmul.f32 v9, v1;
	v56 =	vmul.f32 v53, v0  }
.LBB2_3:
0x241: {  	v33 =	vld [tilespmem:$0x1FDA0]  }
0x242: {  	v44 =	vld [tilespmem:$0x1FD90]  }
0x243: {  	v0 =	vld [tilespmem:$0x1FFD0]  }
0x244: {  	v34 =	vld [tilespmem:$0x1FFC0]  }
0x245: {  	v32 =	vld [tilespmem:$0x1FFB0]  }
0x246: {  	v29 =	vld [tilespmem:$0x1FFA0]  }
0x247: {  	v4 =	vld [tilespmem:$0x1FF90]  }
0x248: {  	[tilespmem:$0x1F950] =	vst v22;
	v2 =	vld [tilespmem:$0x1FB60]  }
0x249: {  	[tilespmem:$0x1F930] =	vst v21;
	v49 =	vld [tilespmem:$0x1FF20]  }
0x24a: {  	[tilespmem:$0x1F8C0] =	vst v15;
	s13 =	sadd.s32 s12, s19;
	v3 =	vmul.f32 v3, v27;
	v52 =	vld [tilespmem:$0x1FF50]  }
0x24b: {  	[tilespmem:$0x1F8B0] =	vst v13;
	v61 =	vadd.f32 $1.500000000e+00, v62;
	v50 =	vld [tilespmem:$0x1FF60];
	v1 =	vmul.f32 v38, v38;
	v58 =	vmul.f32 v28, v28;
	s14 =	sadd.s32 $0x2, s13;
	s13 =	sadd.s32 $0x3, s13  }
0x24c: {  	[tilespmem:$0x1F8D0] =	vst v14;
	v51 =	vld [tilespmem:$0x1FF40];
	v45 =	vmul.f32 v39, v39;
	v46 =	vmul.f32 v16, v16;
	v11 =	vmov s13  }
0x24d: {  	[tilespmem:$0x1F8E0] =	vst v12;
	v37 =	vmovc v36;
	v54 =	vld [tilespmem:$0x1FE80];
	v10 =	vmov s14;
	v9 =	vmul.f32 v9, v61;
	v1 =	vadd.f32 v58, v1  }
0x24e: {  	s8 =	sadd.s32 $0x80, s8;
	v36 =	vld [tilespmem:$0x1FD90];
	[tilespmem:$0x1F890] =	vst v16;
	v60 =	vadd.f32 v60, v23;
	v6 =	vmovc v2;
	v2 =	vmov v57;
	v57 =	vadd.f32 v46, v45  }
0x24f: {  	v7 =	vmul.f32 v7, v35;
	v5 =	vmul.f32 v5, v20;
	[tilespmem:$0x1F940] =	vst v39;
	v17 =	vld [tilespmem:s8+$0x10];
	v55 =	vadd.f32 v55, v24  }
0x250: {  	v13, _, _ =	vpop (xrf2);
	v18 =	vld [tilespmem:s8+$0x20];
	v12 =	vmul.u32 $0x6, v10;
	v14 =	vmul.f32 v9, v63;
	[tilespmem:s11+$0xFFFFFFC0] =	vst v60;
	v1 =	vadd.f32 v57, v1  }
0x251: {  	(v2sf) =	vpush v13, $0xF;
	v3 =	vadd.f32 v3, v26;
	v8 =	vmul.f32 v8, v31;
	[tilespmem:s11+$0xFFFFFFD0] =	vst v55;
	v15 =	vld.idx.msk [tilespmem:v11+s23+$0x0], $0xffff  }
0x252: {  	v7 =	vadd.f32 v7, v23;
	v63 =	vor.u32 $0x1, v12;
	v10 =	vld.idx.msk [tilespmem:v10+s23+$0x0], $0xffff;
	(xrf2) =	vadd.scan.msk.f32 $0xffff, v1;
	v1 =	vmul.f32 v14, v9  }
0x253: {  	[tilespmem:$0x1F910] =	vst v38;
	v19 =	vld [tilespmem:s8+$0x30];
	v62 =	vor.u32 $0x2, v12;
	v61 =	vor.u32 $0x3, v12;
	v11 =	vmul.u32 $0x6, v11  }
0x254: {  	v39 =	vld [tilespmem:$0x1FFF0];
	v13, _, _ =	vpop (xrf2);
	v58 =	vadd.s32 $0x5, v12;
	[tilespmem:$0x1F900] =	vst v6;
	v8 =	vadd.f32 v8, v25;
	v1 =	vadd.f32 $1.500000000e+00, v1  }
0x255: {  	v38 =	vld [tilespmem:$0x1FF70];
	(v2sf) =	vpush v13, $0xF;
	[tilespmem:$0x1FB60] =	vst v2;
	v60 =	vadd.s32 $0x4, v12;
	v13 =	vadd.s32 $0x5, v11  }
0x256: {  	v57 =	vld.idx.msk [tilespmem:v12+s24+$0x0], $0xffff;
	v12 =	vmul.f32 v56, v31;
	v16 =	vadd.s32 $0x4, v11;
	[tilespmem:s11+$0xFFFFFFE0] =	vst v8;
	v20 =	vmul.f32 v1, v9  }
0x257: {  	v46 =	vld [tilespmem:$0x1FDB0];
	[tilespmem:s11+$0xFFFFFFF0] =	vst v3;
	v8 =	vshra.s32 v15, $0xC;
	v3 =	vshll.u32 v10, $0x6;
	v9 =	vadd.s32 $0x3, v11  }
0x258: {  	v2 =	vmovc v59;
	v14 =	vld [tilespmem:s8+$0x0];
	v1 =	vadd.f32 v5, v24;
	v5 =	vadd.f32 v12, v25;
	v12 =	vadd.s32 $0x2, v11;
	[tilespmem:$0x1F8F0] =	vst v20  }
0x259: {  	v8 =	vand.u32 $0xFFFFFFC0, v8;
	v22 =	vor.u32 v39, v3;
	v6 =	vmul.f32 v20, v41;
	v20 =	vld.idx.msk [tilespmem:v11+s24+$0x0], $0xffff;
	[tilespmem:s9+$0x0] =	vst v7  }
0x25a: {  	v24 =	vor.u32 v30, v3;
	v22 =	vand.u32 v29, v22;
	v7 =	vshrl.u32 v15, $0x3;
	v59 =	vld.idx.msk [tilespmem:v13+s24+$0x0], $0xffff;
	[tilespmem:s9+$0x10] =	vst v1  }
0x25b: {  	v45 =	vld [tilespmem:$0x1FDC0];
	v11 =	vor.u32 $0x1, v11;
	v15 =	vshll.u32 v15, $0x6;
	v23 =	vand.u32 $0x7FC0, v7;
	[tilespmem:$0x1F960] =	vst v6  }
0x25c: {  	v27 =	vor.u32 v30, v15;
	v6 =	vlaneseq.u32;
	v1 =	vld.idx.msk [tilespmem:v16+s24+$0x0], $0xffff;
	v16 =	vor.u32 v39, v8;
	[tilespmem:s9+$0x20] =	vst v5  }
0x25d: {  	v21 =	vor.u32 v6, v3;
	v7 =	vld.idx.msk [tilespmem:v12+s24+$0x0], $0xffff;
	v12 =	vor.u32 v6, v15;
	v3 =	vor.u32 v34, v3;
	v25, _, _ =	vpop (xrf2)  }
0x25e: {  	v56 =	vld [tilespmem:$0x1FF30];
	(v2sf) =	vpush v25, $0xF;
	v25 =	vor.u32 v39, v15;
	v15 =	vor.u32 v34, v15  }
0x25f: {  	[tilespmem:$0x1F920] =	vst v28;
	v28 =	vand.u32 v0, v3;
	v15 =	vand.u32 v0, v15;
	v0 =	vld [tilespmem:$0x1FFE0]  }
0x260: {  	v26 =	vor.u32 v39, v23;
	v5 =	vld.idx.msk [tilespmem:v9+s24+$0x0], $0xffff  }
0x261: {  	v27 =	vand.u32 v32, v27;
	v11 =	vld.idx.msk [tilespmem:v11+s24+$0x0], $0xffff  }
0x262: {  	v13 =	vor.u32 v6, v8;
	v31 =	vmul.f32 v20, v44;
	v44 =	vld.idx.msk [tilespmem:v22+s5+$0x0], $0xffff  }
0x263: {  	v9 =	vor.u32 v6, v23;
	v16 =	vld.idx.msk [tilespmem:v16+s18+$0x0], $0xffff  }
0x264: {  	v24 =	vand.u32 v32, v24;
	v32 =	vor.u32 v0, v8;
	v0 =	vld [tilespmem:$0x1FFC0]  }
0x265: {  	v12 =	vand.u32 v4, v12;
	v26 =	vld.idx.msk [tilespmem:v26+s17+$0x0], $0xffff  }
0x266: {  	v21 =	vand.u32 v4, v21;
	v27 =	vld.idx.msk [tilespmem:v27+s5+$0x0], $0xffff  }
0x267: {  	v13 =	vld.idx.msk [tilespmem:v13+s18+$0x0], $0xffff  }
0x268: {  	v25 =	vand.u32 v29, v25;
	v9 =	vld.idx.msk [tilespmem:v9+s17+$0x0], $0xffff  }
0x269: {  	v3 =	vshrl.u32 v10, $0x3;
	v10 =	vshra.s32 v10, $0xC;
	v8 =	vor.u32 v0, v8;
	v0 =	vld [tilespmem:$0x1FE70]  }
0x26a: {  	v29 =	vor.u32 v30, v23;
	v30 =	vand.u32 $0x7FC0, v3;
	v3 =	vand.u32 $0xFFFFFFC0, v10;
	v10 =	vld.idx.msk [tilespmem:v12+s5+$0x0], $0xffff  }
0x26b: {  	v48 =	vld.idx.msk [tilespmem:v21+s5+$0x0], $0xffff  }
0x26c: {  	v12 =	vor.u32 v34, v23;
	v21 =	vld [tilespmem:$0x1FF80]  }
0x26d: {  	v25 =	vld.idx.msk [tilespmem:v25+s5+$0x0], $0xffff  }
0x26e: {  	s14 =	spop (v2sf);
	v55 =	vmul.f32 v59, v0;
	v0 =	vld [tilespmem:$0x1FFE0]  }
0x26f: {  	s13 =	smul.f32 $1.562500000e-02, s14;
	s15 =	spop (v2sf);
	v33 =	vmul.f32 v20, v33;
	v35 =	vor.u32 v39, v30;
	v15 =	vld.idx.msk [tilespmem:v15+s5+$0x0], $0xffff;
	v10 =	vadd.f32 v10, v14  }
0x270: {  	s14 =	smul.f32 $1.562500000e-02, s15;
	v4 =	vor.u32 v6, v3;
	v41 =	vor.u32 v39, v3;
	v40 =	vmul.f32 v5, v46;
	v29 =	vld.idx.msk [tilespmem:v29+s17+$0x0], $0xffff;
	s15 =	spop (v2sf)  }
0x271: {  	v42 =	vmul.f32 v7, v38;
	v23 =	vor.u32 v6, v30;
	v12 =	vld.idx.msk [tilespmem:v12+s17+$0x0], $0xffff;
	v9 =	vadd.f32 v9, v10;
	s15 =	smul.f32 $1.562500000e-02, s15  }
0x272: {  	v34 =	vmul.f32 v20, v37;
	v20 =	vmul.f32 v20, v49;
	v32 =	vld.idx.msk [tilespmem:v32+s18+$0x0], $0xffff;
	v14 =	vadd.f32 v25, v17  }
0x273: {  	v18 =	vadd.f32 v27, v18;
	v9 =	vadd.f32 v13, v9;
	s15 =	sadd.f32 $9.999999740e-06, s15;
	v37 =	vor.u32 v0, v30;
	v0 =	vld [tilespmem:$0x1FF10]  }
0x274: {  	v6 =	vmul.f32 v5, v52;
	v15 =	vadd.f32 v15, v19;
	v14 =	vadd.f32 v26, v14;
	v8 =	vld.idx.msk [tilespmem:v8+s18+$0x0], $0xffff  }
0x275: {  	v22 =	vld [tilespmem:$0x1FE40];
	v10 =	vmul.f32 v11, v50;
	v9 =	vadd.f32 v9, v31;
	v27 =	vmov s15  }
0x276: {  	v18 =	vadd.f32 v29, v18;
	v19 =	vld [tilespmem:$0x1FE60];
	v13 =	vadd.f32 v16, v14;
	v29 =	vshra.s32 v27, $0x1  }
0x277: {  	v12 =	vadd.f32 v12, v15;
	v9 =	vadd.f32 v9, v10;
	v10 =	vsub.s32 $0x5F3759DF, v29;
	v29 =	vld [tilespmem:$0x1FE30]  }
0x278: {  	v26 =	vmul.f32 v11, v51;
	v13 =	vadd.f32 v13, v33;
	v47 =	vmul.f32 v59, v0;
	v0 =	vld [tilespmem:$0x1FE00]  }
0x279: {  	v24 =	vld.idx.msk [tilespmem:v24+s5+$0x0], $0xffff;
	v17 =	vmul.f32 v7, v21;
	v18 =	vadd.f32 v32, v18;
	v8 =	vadd.f32 v8, v12  }
0x27a: {  	v39 =	vld.idx.msk [tilespmem:v28+s5+$0x0], $0xffff;
	v25 =	vmul.f32 v7, v22;
	v14 =	vmul.f32 v11, v54;
	v13 =	vadd.f32 v13, v26  }
0x27b: {  	v28 =	vld [tilespmem:s8+$0xFFFFFFF0];
	v11 =	vmul.f32 v11, v19;
	v18 =	vadd.f32 v18, v34;
	v8 =	vadd.f32 v8, v20  }
0x27c: {  	v9 =	vadd.f32 v9, v42;
	v42 =	vld [tilespmem:$0x1FDD0];
	v27 =	vmul.f32 $-5.000000000e-01, v27;
	v13 =	vadd.f32 v13, v17  }
0x27d: {  	v8 =	vadd.f32 v8, v11;
	v7 =	vmul.f32 v7, v29;
	v53 =	vmul.f32 v59, v0;
	v0 =	vld [tilespmem:$0x1FFC0]  }
0x27e: {  	v6 =	vadd.f32 v9, v6;
	v9 =	vadd.f32 v13, v40;
	v40 =	vld [tilespmem:$0x1FDE0]  }
0x27f: {  	v14 =	vadd.f32 v18, v14;
	v18 =	vmul.f32 v10, v27;
	v7 =	vadd.f32 v8, v7;
	v8 =	vld.idx.msk [tilespmem:v41+s18+$0x0], $0xffff  }
0x280: {  	v41 =	vld [tilespmem:$0x1FDF0]  }
0x281: {  	v17 =	vmul.f32 v10, v18;
	v18 =	vld.idx.msk [tilespmem:v63+s24+$0x0], $0xffff  }
0x282: {  	v63 =	vld [tilespmem:$0x1FE10];
	v30 =	vor.u32 v0, v30;
	v0 =	vmul.f32 v1, v43  }
0x283: {  	v4 =	vld.idx.msk [tilespmem:v4+s18+$0x0], $0xffff;
	v14 =	vadd.f32 v14, v25;
	v43 =	vmul.f32 v5, v45;
	v5 =	vmul.f32 v5, v42  }
0x284: {  	[tilespmem:$0x1F8A0] =	vst v2;
	v2 =	vmul.f32 v1, v56;
	v23 =	vld.idx.msk [tilespmem:v23+s17+$0x0], $0xffff;
	v17 =	vadd.f32 $1.500000000e+00, v17;
	v13 =	vmul.f32 v1, v40  }
0x285: {  	v15 =	vld [tilespmem:s8+$0xFFFFFFC0];
	v1 =	vmul.f32 v1, v41;
	v14 =	vadd.f32 v14, v43;
	v5 =	vadd.f32 v7, v5  }
0x286: {  	v16 =	vld [tilespmem:s8+$0xFFFFFFD0];
	v2 =	vadd.f32 v9, v2;
	v0 =	vadd.f32 v6, v0;
	v6 =	vmul.f32 v10, v17  }
0x287: {  	v10 =	vadd.f32 v14, v13;
	v1 =	vadd.f32 v5, v1;
	v5 =	vmul.f32 v59, v63;
	v11 =	vld.idx.msk [tilespmem:v30+s17+$0x0], $0xffff  }
0x288: {  	v2 =	vadd.f32 v2, v47;
	v0 =	vadd.f32 v0, v55;
	v30 =	vld [tilespmem:$0x1FFE0]  }
0x289: {  	v31 =	vld [tilespmem:$0x1FFC0];
	v10 =	vadd.f32 v10, v53;
	v5 =	vadd.f32 v1, v5  }
0x28a: {  	v12 =	vld [tilespmem:s8+$0xFFFFFFE0];
	v47 =	vmax.f32 v2, $0.0e+00  }
0x28b: {  	v13 =	vld.idx.msk [tilespmem:v60+s24+$0x0], $0xffff;
	v60 =	vmax.f32 v0, $0.0e+00;
	v1 =	vmax.f32 v10, $0.0e+00;
	v53 =	vmax.f32 v5, $0.0e+00  }
0x28c: {  	v33 =	vld [tilespmem:$0x1FDA0];
	v2 =	vadd.f32 v47, v60;
	v5 =	vadd.f32 v53, v1  }
0x28d: {  	v26 =	vld.idx.msk [tilespmem:v37+s17+$0x0], $0xffff;
	v14 =	vmul.f32 v6, v27;
	v25 =	vor.u32 v30, v3  }
0x28e: {  	v34 =	vld [tilespmem:$0x1FE20];
	v3 =	vor.u32 v31, v3;
	v2 =	vadd.f32 v5, v2  }
0x28f: {  	v20 =	vld.idx.msk [tilespmem:v35+s17+$0x0], $0xffff;
	v0 =	vmul.f32 v14, v6  }
0x290: {  	v12 =	vadd.f32 v24, v12;
	(xrf2) =	vadd.scan.msk.f32 $0xffff, v2;
	v2 =	vld [tilespmem:$0x1F890]  }
0x291: {  	v27 =	vld [tilespmem:$0x1FEC0];
	v0 =	vadd.f32 $1.500000000e+00, v0;
	v10 =	vadd.f32 v48, v15  }
0x292: {  	v12 =	vadd.f32 v26, v12;
	v15 =	vadd.f32 v44, v16;
	v16 =	vld.idx.msk [tilespmem:v25+s18+$0x0], $0xffff  }
0x293: {  	v14 =	vmul.f32 v57, v36;
	v55 =	vmul.f32 v0, v6;
	v0 =	vadd.f32 v23, v10;
	v3 =	vld.idx.msk [tilespmem:v3+s18+$0x0], $0xffff  }
0x294: {  	v26 =	vld [tilespmem:$0x1FF00];
	v6 =	vadd.f32 v39, v28;
	v10 =	vadd.f32 v20, v15;
	v15 =	vmul.f32 v18, v54  }
0x295: {  	v5 =	vmul.f32 v57, v33;
	v0 =	vadd.f32 v4, v0;
	v2 =	vmul.f32 v55, v2  }
0x296: {  	v7 =	vld.idx.msk [tilespmem:v62+s24+$0x0], $0xffff;
	v4 =	vmul.f32 v57, v34;
	v6 =	vadd.f32 v11, v6;
	v8 =	vadd.f32 v8, v10  }
0x297: {  	v0 =	vadd.f32 v0, v14;
	v2 =	vmul.f32 v2, v27;
	v12 =	vadd.f32 v16, v12  }
0x298: {  	v9 =	vld.idx.msk [tilespmem:v61+s24+$0x0], $0xffff;
	v10 =	vmul.f32 v57, v49;
	v5 =	vadd.f32 v8, v5;
	v3 =	vadd.f32 v3, v6  }
0x299: {  	v14 =	vmul.f32 v18, v51;
	v2 =	vadd.f32 v2, v26;
	v4 =	vadd.f32 v12, v4  }
0x29a: {  	s11 =	smov.u32 s10;
	s10 =	smov.u32 s9;
	s9 =	sadd.s32 $0x80, s9;
	v11 =	vmul.f32 v18, v50;
	v8 =	vmul.f32 v18, v19;
	v3 =	vadd.f32 v3, v10  }
0x29b: {  	[tilespmem:s9+$0x30] =	vst v2;
	v2 =	vadd.f32 v5, v14;
	v5 =	vmul.f32 v7, v22;
	v4 =	vadd.f32 v4, v15  }
0x29c: {  	v6 =	vmul.f32 v7, v29;
	v3 =	vadd.f32 v3, v8  }
0x29d: {  	v17 =	vld.idx.msk [tilespmem:v58+s24+$0x0], $0xffff;
	v0 =	vadd.f32 v0, v11;
	v4 =	vadd.f32 v4, v5;
	v5 =	vmul.f32 v9, v45  }
0x29e: {  	v43 =	vld [tilespmem:$0x1FE50];
	v11 =	vmul.f32 v7, v38;
	v8 =	vmul.f32 v9, v42;
	v3 =	vadd.f32 v3, v6  }
0x29f: {  	v4 =	vadd.f32 v4, v5;
	v5 =	vmul.f32 v13, v40  }
0x2a0: {  	v32 =	vld [tilespmem:$0x1FE70];
	v0 =	vadd.f32 v0, v11;
	v6 =	vmul.f32 v13, v41;
	v3 =	vadd.f32 v3, v8  }
0x2a1: {  	v16 =	vmul.f32 v7, v21;
	v7 =	vmul.f32 v9, v52;
	v4 =	vadd.f32 v4, v5;
	v5 =	vld [tilespmem:$0x1FE00]  }
0x2a2: {  	v10 =	vmul.f32 v9, v46;
	v3 =	vadd.f32 v3, v6;
	v6 =	vmul.f32 v17, v63  }
0x2a3: {  	v2 =	vadd.f32 v2, v16;
	v0 =	vadd.f32 v0, v7;
	v7 =	vmul.f32 v13, v43;
	v8 =	vld [tilespmem:$0x1FF10]  }
0x2a4: {  	v9 =	vmul.f32 v13, v56;
	v3 =	vadd.f32 v3, v6;
	v6 =	vld [tilespmem:$0x1F8B0]  }
0x2a5: {  	v2 =	vadd.f32 v2, v10;
	v0 =	vadd.f32 v0, v7;
	v7 =	vmul.f32 v17, v32  }
0x2a6: {  	v5 =	vmul.f32 v17, v5  }
0x2a7: {  	v2 =	vadd.f32 v2, v9;
	v0 =	vadd.f32 v0, v7  }
0x2a8: {  	v7 =	vld [tilespmem:$0x1F8E0];
	v8 =	vmul.f32 v17, v8;
	v4 =	vadd.f32 v4, v5;
	v5 =	vmov s13  }
0x2a9: {  	v59 =	vsub.f32 v6, v5;
	v6 =	vld [tilespmem:$0x1F8D0]  }
0x2aa: {  	v13 =	vmax.f32 v0, $0.0e+00;
	v2 =	vadd.f32 v2, v8;
	v0 =	vmax.f32 v4, $0.0e+00;
	v4 =	vld [tilespmem:$0x1F8C0];
	_ =	sdelay $0x1  }
0x2ab: {  	v15 =	vmax.f32 v2, $0.0e+00  }
0x2ac: {  	v2 =	vmax.f32 v3, $0.0e+00;
	v3 =	vadd.f32 v15, v13;
	v57 =	vsub.f32 v7, v5;
	v14 =	vmovc v0  }
0x2ad: {  	v0 =	vadd.f32 v2, v14;
	v6 =	vsub.f32 v6, v5  }
0x2ae: {  	v4 =	vsub.f32 v4, v5  }
0x2af: {  	v0 =	vadd.f32 v0, v3;
	v3 =	vmul.f32 v57, v57;
	v7 =	vmul.f32 v6, v6  }
0x2b0: {  	v11, _, _ =	vpop (xrf2);
	v12 =	vmov v2;
	v5 =	vmul.f32 v59, v59;
	v2 =	vmul.f32 v4, v4  }
0x2b1: {  	(v2sf) =	vpush v11, $0xF;
	(xrf2) =	vadd.scan.msk.f32 $0xffff, v0;
	v0 =	vadd.f32 v3, v7;
	v3 =	vld [tilespmem:$0x1FB40]  }
0x2b2: {  	v2 =	vadd.f32 v2, v5;
	v5 =	vld [tilespmem:$0x1F8F0];
	_ =	sdelay $0x3  }
0x2b3: {  	v0 =	vadd.f32 v0, v2;
	v2 =	vld [tilespmem:$0x1F910]  }
0x2b4: {  	v10 =	vmul.f32 v5, v3;
	v3 =	vld [tilespmem:$0x1FB50]  }
0x2b5: {  	s14 =	sadd.f32 $9.999999740e-06, s14;
	_ =	sdelay $0x1  }
0x2b6: {  	v16 =	vld [tilespmem:$0x1F930];
	v8 =	vmov s14  }
0x2b7: {  	v9 =	vshra.s32 v8, $0x1;
	v63 =	vmul.f32 $-5.000000000e-01, v8;
	v7 =	vmul.f32 v55, v2;
	v2 =	vld [tilespmem:$0x1F920]  }
0x2b8: {  	v9 =	vsub.s32 $0x5F3759DF, v9;
	v8 =	vmul.f32 v5, v3;
	v3 =	vld [tilespmem:$0x1F900]  }
0x2b9: {  	v35 =	vld [tilespmem:$0x1FE90];
	v11 =	vmul.f32 v9, v63  }
0x2ba: {  	v20 =	vld [tilespmem:$0x1FEA0]  }
0x2bb: {  	v62 =	vmul.f32 v9, v11;
	v11 =	vld [tilespmem:$0x1F950]  }
0x2bc: {  	s12 =	sadd.s32 $0x2, s12;
	s15 =	spop (v2sf);
	(xrf2) =	vadd.scan.msk.f32 $0xffff, v0;
	v0 =	vld [tilespmem:$0x1F960]  }
0x2bd: {  	p1 =	slt.u32 s12, $0x5E;
	s13 =	smul.f32 $1.562500000e-02, s15;
	v3 =	vmul.f32 v5, v3;
	v5 =	vmul.f32 v55, v2;
	v2 =	vmov v16;
	v16 =	vld [tilespmem:$0x1F940]  }
.Ltmp0:
0x2be: {  	v24 =	vld [tilespmem:$0x1FEE0];
	(pc) =	sbr.rel @p1 .LBB2_3-.Ltmp0, $4  }
0x2bf: {  	v31 =	vld [tilespmem:$0x1FEB0];
	[tilespmem:$0x1FB40] =	vst v2;
	v2 =	vmov s13  }
0x2c0: {  	v36 =	vmovc v34;
	v23 =	vld [tilespmem:$0x1FED0];
	v22 =	vmov v6;
	v21 =	vmov v4;
	v38 =	vsub.f32 v60, v2  }
0x2c1: {  	v25 =	vld [tilespmem:$0x1FEF0];
	v4 =	vmovc v11;
	v28 =	vsub.f32 v47, v2;
	v60 =	vmul.f32 v0, v35;
	v39 =	vsub.f32 v1, v2  }
0x2c2: {  	v41 =	vld [tilespmem:$0x1F8A0];
	[tilespmem:$0x1FB50] =	vst v4;
	v56 =	vmul.f32 v55, v16;
	v16 =	vsub.f32 v53, v2;
	v55 =	vmul.f32 v10, v20  }
0x2c3: {  	v0, _, _ =	vpop (xrf2)  }
0x2c4: {  	(v2sf) =	vpush v0, $0xF;
	_ =	sdelay $0x4  }
0x2c5: {  	v54 =	vmul.f32 v38, v38;
	v1 =	vmul.f32 v28, v28  }
0x2c6: {  	v2 =	vmul.f32 v39, v39;
	v4 =	vmul.f32 v16, v16;
	_ =	sdelay $0x1  }
0x2c7: {  	v0 =	vadd.f32 v1, v54;
	v58 =	vadd.f32 v4, v2;
	_ =	sdelay $0x1  }
0x2c8: {  	v0 =	vadd.f32 v58, v0;
	_ =	sdelay $0x1  }
0x2c9: {  	(xrf2) =	vadd.scan.msk.f32 $0xffff, v0;
	_ =	sdelay $0x2  }
0x2ca: {  	s8 =	spop (v2sf)  }
0x2cb: {  	s8 =	smul.f32 $1.562500000e-02, s8;
	_ =	sdelay $0x1  }
0x2cc: {  	v61 =	vmov s8  }
0x2cd: {  	v2 =	vsub.f32 v13, v61;
	v51 =	vsub.f32 v15, v61  }
0x2ce: {  	v49 =	vsub.f32 v14, v61;
	v1 =	vsub.f32 v12, v61  }
0x2cf: {  	v10, _, _ =	vpop (xrf2);
	v12 =	vmul.f32 v2, v2;
	v6 =	vmul.f32 v51, v51  }
0x2d0: {  	(v2sf) =	vpush v10, $0xF;
	v11, _, _ =	vpop (xrf2);
	v13 =	vmul.f32 v49, v49;
	v10 =	vmul.f32 v1, v1  }
0x2d1: {  	(v2sf) =	vpush v11, $0xF  }
0x2d2: {  	v4 =	vadd.f32 v6, v12;
	v0 =	vadd.f32 v10, v13;
	_ =	sdelay $0x1  }
0x2d3: {  	v0 =	vadd.f32 v0, v4;
	_ =	sdelay $0x1  }
0x2d4: {  	(xrf2) =	vadd.scan.msk.f32 $0xffff, v0;
	_ =	sdelay $0x8  }
0x2d5: {  	s15 =	spop (v2sf)  }
0x2d6: {  	s12 =	spop (v2sf);
	v0, _, _ =	vpop (xrf2)  }
0x2d7: {  	s12 =	smul.f32 $1.562500000e-02, s12;
	(v2sf) =	vpush v0, $0xF;
	_ =	sdelay $0x1  }
0x2d8: {  	s12 =	sadd.f32 $9.999999740e-06, s12;
	_ =	sdelay $0x1  }
0x2d9: {  	v14 =	vmov s12  }
0x2da: {  	v15 =	vshra.s32 v14, $0x1;
	v0 =	vmul.f32 $-5.000000000e-01, v14  }
0x2db: {  	v4 =	vsub.s32 $0x5F3759DF, v15  }
0x2dc: {  	v17 =	vmul.f32 v4, v0;
	_ =	sdelay $0x1  }
0x2dd: {  	s8 =	smul.f32 $1.562500000e-02, s15;
	v6 =	vmul.f32 v4, v17  }
0x2de: {  	v18 =	vadd.f32 $1.500000000e+00, v62  }
0x2df: {  	v42 =	vld [tilespmem:$0x1FF10];
	s8 =	sadd.f32 $9.999999740e-06, s8;
	v6 =	vadd.f32 $1.500000000e+00, v6  }
0x2e0: {  	v43 =	vld [tilespmem:$0x1FF30];
	v9 =	vmul.f32 v9, v18  }
0x2e1: {  	v40 =	vld [tilespmem:$0x1FF50];
	v34 =	vmov s8;
	v4 =	vmul.f32 v4, v6  }
0x2e2: {  	v37 =	vld [tilespmem:$0x1FF80];
	v32 =	vmul.f32 v9, v63;
	v11 =	vshra.s32 v34, $0x1;
	v10 =	vmul.f32 $-5.000000000e-01, v34  }
0x2e3: {  	v46 =	vld [tilespmem:$0x1FF70];
	v3 =	vmul.f32 v3, v27;
	v11 =	vsub.s32 $0x5F3759DF, v11;
	v0 =	vmul.f32 v4, v0;
	s13 =	spop (v2sf)  }
0x2e4: {  	v33 =	vld [tilespmem:$0x1FF20];
	v45 =	vadd.f32 v60, v23;
	v44 =	vmul.f32 v11, v10;
	v6 =	vmul.f32 v32, v9;
	s8 =	smul.f32 $1.562500000e-02, s13  }
0x2e5: {  	v47 =	vld [tilespmem:$0x1FFF0];
	v7 =	vmul.f32 v7, v35;
	v0 =	vmul.f32 v0, v4  }
0x2e6: {  	v5 =	vmul.f32 v5, v20;
	v18 =	vld [tilespmem:$0x1FB40];
	[tilespmem:s11+$0xFFFFFFC0] =	vst v45;
	v12 =	vmul.f32 v11, v44;
	v6 =	vadd.f32 $1.500000000e+00, v6;
	s8 =	sadd.f32 $9.999999740e-06, s8  }
0x2e7: {  	v8 =	vmul.f32 v8, v31;
	v53 =	vmul.f32 v56, v31;
	v13 =	vld [tilespmem:$0x1FB50];
	v0 =	vadd.f32 $1.500000000e+00, v0  }
0x2e8: {  	v58 =	vld [tilespmem:$0x1FB60];
	v50 =	vadd.f32 $1.500000000e+00, v12;
	v6 =	vmul.f32 v6, v9;
	v48 =	vmov s8  }
0x2e9: {  	v0 =	vmul.f32 v0, v4;
	v52 =	vshra.s32 v48, $0x1;
	v4 =	vmul.f32 $-5.000000000e-01, v48  }
0x2ea: {  	v9 =	vmul.f32 v11, v50;
	v17 =	vmul.f32 v6, v41;
	v12 =	vsub.s32 $0x5F3759DF, v52  }
0x2eb: {  	v55 =	vadd.f32 v55, v24;
	v18 =	vmul.f32 v6, v18;
	v56 =	vmul.f32 v12, v4  }
0x2ec: {  	v3 =	vadd.f32 v3, v26;
	v13 =	vmul.f32 v6, v13;
	v10 =	vmul.f32 v9, v10  }
0x2ed: {  	v7 =	vadd.f32 v7, v23;
	v6 =	vmul.f32 v6, v58;
	v11 =	vmul.f32 v12, v56  }
0x2ee: {  	v19 =	vmovc v27;
	v8 =	vadd.f32 v8, v25;
	v62 =	vmul.f32 v10, v9;
	v34 =	vmul.f32 v18, v20  }
0x2ef: {  	[tilespmem:s11+$0xFFFFFFD0] =	vst v55;
	v6 =	vmul.f32 v6, v19;
	v54 =	vmul.f32 v0, v16;
	v11 =	vadd.f32 $1.500000000e+00, v11  }
0x2f0: {  	v5 =	vadd.f32 v5, v24;
	[tilespmem:s11+$0xFFFFFFE0] =	vst v8;
	v60 =	vmul.f32 v0, v38;
	v61 =	vmul.f32 v0, v28  }
0x2f1: {  	[tilespmem:s11+$0xFFFFFFF0] =	vst v3;
	v14 =	vadd.f32 v53, v25;
	v0 =	vmul.f32 v0, v39;
	v63 =	vmul.f32 v12, v11  }
0x2f2: {  	[tilespmem:s9+$0x0] =	vst v7;
	v38 =	vmul.f32 v13, v31;
	v3 =	vadd.f32 $1.500000000e+00, v62;
	v15 =	vmul.f32 v54, v27  }
0x2f3: {  	[tilespmem:s9+$0x10] =	vst v5;
	v41 =	vadd.f32 v34, v24;
	v39 =	vmul.f32 v60, v35;
	v4 =	vmul.f32 v63, v4  }
0x2f4: {  	[tilespmem:s9+$0x20] =	vst v14;
	v6 =	vadd.f32 v6, v26;
	v3 =	vmul.f32 v3, v9;
	v8 =	vmul.f32 v61, v20  }
0x2f5: {  	v0 =	vmul.f32 v0, v31;
	v5 =	vadd.f32 v38, v25;
	[tilespmem:s10+$0xFFFFFFD0] =	vst v41;
	v4 =	vmul.f32 v4, v63  }
0x2f6: {  	[tilespmem:s10+$0xFFFFFFF0] =	vst v6;
	v27 =	vadd.f32 v15, v26;
	v44 =	vmul.f32 v3, v59;
	v45 =	vadd.f32 v39, v23  }
0x2f7: {  	s14 =	sadd.s32 $0x80, s9;
	[tilespmem:s10+$0xFFFFFFE0] =	vst v5;
	v48 =	vmul.f32 v3, v21;
	v50 =	vmul.f32 v3, v22;
	v4 =	vadd.f32 $1.500000000e+00, v4  }
0x2f8: {  	v8 =	vadd.f32 v8, v24;
	v3 =	vmul.f32 v3, v57;
	[tilespmem:s14+$0x30] =	vst v27;
	v52 =	vmul.f32 v44, v35  }
0x2f9: {  	v0 =	vadd.f32 v0, v25;
	[tilespmem:s14+$0x0] =	vst v45;
	v5 =	vmul.f32 v48, v20;
	v4 =	vmul.f32 v4, v63  }
0x2fa: {  	[tilespmem:s14+$0x10] =	vst v8;
	v53 =	vmul.f32 v50, v31;
	v6 =	vadd.f32 v52, v23  }
0x2fb: {  	[tilespmem:s14+$0x20] =	vst v0;
	v3 =	vmul.f32 v3, v19;
	v54 =	vadd.f32 v5, v24;
	v2 =	vmul.f32 v4, v2  }
0x2fc: {  	v32 =	vmul.f32 v17, v35;
	v56 =	vadd.f32 v53, v25;
	[tilespmem:s9+$0xFFFFFFC0] =	vst v6;
	v55 =	vmul.f32 v4, v51  }
0x2fd: {  	v58 =	vadd.f32 v3, v26;
	[tilespmem:s9+$0xFFFFFFD0] =	vst v54;
	v57 =	vmul.f32 v4, v49;
	v2 =	vmul.f32 v2, v35  }
0x2fe: {  	[tilespmem:s9+$0xFFFFFFE0] =	vst v56;
	v11 =	vadd.f32 v32, v23;
	v1 =	vmul.f32 v4, v1;
	v59 =	vmul.f32 v55, v20  }
0x2ff: {  	[tilespmem:s9+$0xFFFFFFF0] =	vst v58;
	v60 =	vmul.f32 v57, v31;
	v2 =	vadd.f32 v2, v23  }
0x300: {  	p1 =	sne.s32 s20, $0xF;
	[tilespmem:s10+$0xFFFFFFC0] =	vst v11;
	v1 =	vmul.f32 v1, v19;
	v61 =	vadd.f32 v59, v24  }
.Ltmp1:
0x301: {  	v62 =	vadd.f32 v60, v25;
	[tilespmem:s14+$0xFFFFFFC0] =	vst v2;
	(pc) =	sbr.rel @p1 .LBB2_6-.Ltmp1, $4  }
0x302: {  	s15 =	sadd.s32 s6, s22;
	v63 =	vadd.f32 v1, v26;
	[tilespmem:s14+$0xFFFFFFD0] =	vst v61  }
0x303: {  	s9 =	sshll.u32 s15, $0x3;
	[tilespmem:s14+$0xFFFFFFE0] =	vst v62  }
0x304: {  	s22 =	sadd.s32 s4, s9;
	[tilespmem:s14+$0xFFFFFFF0] =	vst v63  }
0x305: {  	[hbm4b:s22+s5] =	stream.linear.scatter [tilespmem:s30], [sflag:$0x3], $0x1800, $0x38;
	[tilespmem:$0x1E440] =	vst v63  }
0x306: {  	_ =	swait.ge [sflag:s31], $0x1800  }
0x307: {  	v44 =	vld [tilespmem:$0x1FDB0]  }
0x308: {  	v45 =	vld [tilespmem:$0x1FDC0]  }
.Ltmp2:
0x309: {  	v60 =	vld [tilespmem:$0x1FDD0];
	(pc) =	sbr.rel .LBB2_7-.Ltmp2, $4  }
0x30a: {  	v49 =	vld [tilespmem:$0x1FDE0]  }
0x30b: {  	v50 =	vld [tilespmem:$0x1FDF0]  }
0x30c: {  	[sflag:s31] =	ssyncset.done $0x0;
	v52 =	vld [tilespmem:$0x1FE00]  }
0x30d: {  	v63 =	vld [tilespmem:$0x1FE10];
	[sflag:s31] =	ssyncadd.s32 $0xFFFFE800  }
.LBB2_6:
0x30e: {  	s8 =	smul.u32 $0x300, s20;
	_ =	sdelay $0x1  }
0x30f: {  	s8 =	sshra.s32 s8, $0x2  }
0x310: {  	s8 =	sadd.s32 $0x12500, s8  }
0x311: {  	[tilespmem:s26], [sflag:$0x1] =	stream.indirect.gather [hbm4b:s7+s25], $0x40, s8, s25, $0xb8;
	[tilespmem:$0x1E440] =	vst v63  }
0x312: {  	_ =	swait.ge [sflag:s31], $0x1800  }
0x313: {  	v44 =	vld [tilespmem:$0x1FDB0]  }
0x314: {  	v45 =	vld [tilespmem:$0x1FDC0]  }
.Ltmp3:
0x315: {  	v60 =	vld [tilespmem:$0x1FDD0];
	(pc) =	sbr.rel @p0 .LBB2_8-.Ltmp3, $4  }
0x316: {  	v49 =	vld [tilespmem:$0x1FDE0]  }
0x317: {  	v50 =	vld [tilespmem:$0x1FDF0]  }
0x318: {  	[sflag:s31] =	ssyncset.done $0x0;
	v52 =	vld [tilespmem:$0x1FE00]  }
0x319: {  	v63 =	vld [tilespmem:$0x1FE10];
	[sflag:s31] =	ssyncadd.s32 $0xFFFFE800  }
.LBB2_7:
0x31a: {  	_ =	swait.ge [sflag:s2], $0x1800  }
0x31b: {  	[sflag:s2] =	ssyncset.done $0x0  }
0x31c: {  	[sflag:s2] =	ssyncadd.s32 $0xFFFFE800  }
.LBB2_8:
0x31d: {  	v39 =	vld [tilespmem:$0x1FF90]  }
0x31e: {  	v48 =	vld [tilespmem:$0x1FFA0]  }
0x31f: {  	v51 =	vld [tilespmem:$0x1FFB0]  }
0x320: {  	v28 =	vld [tilespmem:$0x1FFC0]  }
0x321: {  	s8 =	sadd.s32 $0xFFFFFFFE, s19;
	v22 =	vld [tilespmem:$0x1FFD0]  }
0x322: {  	v29 =	vld [tilespmem:$0x1FDA0];
	s9 =	sadd.s32 $0x63, s8  }
0x323: {  	v38 =	vld [tilespmem:$0x1FE70];
	s8 =	sadd.s32 $0x62, s8;
	v0 =	vmov s9  }
0x324: {  	v41 =	vld [tilespmem:$0x1FFD0];
	v2 =	vmov s8  }
0x325: {  	v54 =	vld [tilespmem:$0x1FE50]  }
0x326: {  	v62 =	vld [tilespmem:$0x1FF60]  }
0x327: {  	v58 =	vld [tilespmem:$0x1FF40]  }
0x328: {  	v3 =	vld.idx.msk [tilespmem:v0+s23+$0x0], $0xffff;
	v0 =	vmul.u32 $0x6, v0  }
0x329: {  	v1 =	vld.idx.msk [tilespmem:v2+s23+$0x0], $0xffff  }
0x32a: {  	s10 =	simm.s32 $0x19C80;
	v57 =	vld [tilespmem:$0x1FE80]  }
0x32b: {  	v56 =	vlaneseq.u32;
	v5 =	vld [tilespmem:s10+$0x0];
	v4 =	vadd.s32 $0x5, v0  }
0x32c: {  	v7 =	vld [tilespmem:s10+$0x10];
	v6 =	vadd.s32 $0x4, v0;
	v8 =	vadd.s32 $0x3, v0;
	v11 =	vadd.s32 $0x2, v0  }
0x32d: {  	v9 =	vld [tilespmem:s10+$0x20];
	v10 =	vshra.s32 v3, $0xC;
	v14 =	vshrl.u32 v3, $0x3;
	v3 =	vshll.u32 v3, $0x6  }
0x32e: {  	v23 =	vshll.u32 v1, $0x6;
	v10 =	vand.u32 $0xFFFFFFC0, v10;
	v13 =	vld.idx.msk [tilespmem:v0+s24+$0x0], $0xffff;
	v0 =	vor.u32 $0x1, v0  }
0x32f: {  	v12 =	vld [tilespmem:s10+$0x30];
	v14 =	vand.u32 $0x7FC0, v14;
	v18 =	vor.u32 v56, v3;
	v20 =	vor.u32 v47, v3  }
0x330: {  	v21 =	vor.u32 v30, v3;
	v3 =	vor.u32 v28, v3;
	v24 =	vor.u32 v56, v23;
	v4 =	vld.idx.msk [tilespmem:v4+s24+$0x0], $0xffff  }
0x331: {  	v25 =	vor.u32 v47, v23;
	v27 =	vor.u32 v30, v23;
	v15 =	vor.u32 v56, v10;
	v6 =	vld.idx.msk [tilespmem:v6+s24+$0x0], $0xffff  }
0x332: {  	v23 =	vor.u32 v28, v23;
	v16 =	vor.u32 v47, v10;
	v8 =	vld.idx.msk [tilespmem:v8+s24+$0x0], $0xffff;
	v17 =	vor.u32 v56, v14  }
0x333: {  	v11 =	vld.idx.msk [tilespmem:v11+s24+$0x0], $0xffff;
	v19 =	vor.u32 v47, v14;
	v3 =	vand.u32 v22, v3;
	v22 =	vor.u32 v30, v14  }
0x334: {  	v14 =	vor.u32 v28, v14;
	v26 =	vor.u32 v30, v10;
	v10 =	vor.u32 v28, v10;
	v28 =	vld [tilespmem:$0x1FD90]  }
0x335: {  	v18 =	vand.u32 v39, v18;
	v0 =	vld.idx.msk [tilespmem:v0+s24+$0x0], $0xffff  }
0x336: {  	v20 =	vand.u32 v48, v20;
	v15 =	vld.idx.msk [tilespmem:v15+s18+$0x0], $0xffff  }
0x337: {  	v16 =	vld.idx.msk [tilespmem:v16+s18+$0x0], $0xffff  }
0x338: {  	v21 =	vand.u32 v51, v21;
	v17 =	vld.idx.msk [tilespmem:v17+s17+$0x0], $0xffff  }
0x339: {  	v19 =	vld.idx.msk [tilespmem:v19+s17+$0x0], $0xffff  }
0x33a: {  	v18 =	vld.idx.msk [tilespmem:v18+s5+$0x0], $0xffff  }
0x33b: {  	v20 =	vld.idx.msk [tilespmem:v20+s5+$0x0], $0xffff  }
0x33c: {  	v24 =	vand.u32 v39, v24;
	v25 =	vand.u32 v48, v25;
	v3 =	vld.idx.msk [tilespmem:v3+s5+$0x0], $0xffff  }
0x33d: {  	v27 =	vand.u32 v51, v27;
	v29 =	vmul.f32 v13, v29;
	v30 =	vmul.f32 v13, v36;
	v21 =	vld.idx.msk [tilespmem:v21+s5+$0x0], $0xffff  }
0x33e: {  	v23 =	vand.u32 v41, v23;
	v28 =	vmul.f32 v13, v28;
	v31 =	vmul.f32 v4, v38;
	v14 =	vld.idx.msk [tilespmem:v14+s17+$0x0], $0xffff  }
0x33f: {  	v2 =	vmul.u32 $0x6, v2;
	v36 =	vmovc v42;
	v22 =	vld.idx.msk [tilespmem:v22+s17+$0x0], $0xffff;
	v13 =	vmul.f32 v13, v33;
	v32 =	vmul.f32 v4, v42  }
0x340: {  	v42 =	vmul.f32 v6, v54;
	v34 =	vmul.f32 v6, v43;
	v10 =	vld.idx.msk [tilespmem:v10+s18+$0x0], $0xffff;
	v5 =	vadd.f32 v18, v5  }
0x341: {  	v26 =	vld.idx.msk [tilespmem:v26+s18+$0x0], $0xffff;
	v35 =	vmul.f32 v8, v40;
	v7 =	vadd.f32 v20, v7;
	v3 =	vadd.f32 v3, v12  }
0x342: {  	v59 =	vld [tilespmem:$0x1FE60];
	v18 =	vmul.f32 v8, v44;
	v9 =	vadd.f32 v21, v9;
	v5 =	vadd.f32 v17, v5  }
0x343: {  	v12 =	vmul.f32 v11, v46;
	v7 =	vadd.f32 v19, v7;
	v3 =	vadd.f32 v14, v3  }
0x344: {  	v55 =	vld [tilespmem:$0x1FE30];
	v9 =	vadd.f32 v22, v9;
	v14 =	vmul.f32 v0, v62;
	v5 =	vadd.f32 v15, v5  }
0x345: {  	v53 =	vld [tilespmem:$0x1FE40];
	v7 =	vadd.f32 v16, v7;
	v15 =	vmul.f32 v0, v58;
	v3 =	vadd.f32 v10, v3  }
0x346: {  	v9 =	vadd.f32 v26, v9;
	v10 =	vmul.f32 v0, v57;
	v5 =	vadd.f32 v5, v28  }
0x347: {  	v0 =	vmul.f32 v0, v59;
	v7 =	vadd.f32 v7, v29;
	v3 =	vadd.f32 v3, v13  }
0x348: {  	v17 =	vmul.f32 v11, v37;
	v9 =	vadd.f32 v9, v30;
	v5 =	vadd.f32 v5, v14  }
0x349: {  	v7 =	vadd.f32 v7, v15;
	v0 =	vadd.f32 v3, v0;
	v3 =	vmul.f32 v11, v55  }
0x34a: {  	v20 =	vld [tilespmem:s10+$0xFFFFFFF0];
	v13 =	vmul.f32 v11, v53;
	v9 =	vadd.f32 v9, v10;
	v5 =	vadd.f32 v5, v12  }
0x34b: {  	v19 =	vld [tilespmem:$0x1FFC0];
	v7 =	vadd.f32 v7, v17;
	v0 =	vadd.f32 v0, v3;
	v3 =	vmul.f32 v8, v60  }
0x34c: {  	v22 =	vld [tilespmem:$0x1FFE0];
	v10 =	vmul.f32 v8, v45;
	v9 =	vadd.f32 v9, v13;
	v5 =	vadd.f32 v5, v35  }
0x34d: {  	v11 =	vld.idx.msk [tilespmem:v25+s5+$0x0], $0xffff;
	v7 =	vadd.f32 v7, v18;
	v0 =	vadd.f32 v0, v3;
	v3 =	vmul.f32 v6, v50  }
0x34e: {  	v14 =	vld [tilespmem:s10+$0xFFFFFFC0];
	v8 =	vmul.f32 v6, v49;
	v9 =	vadd.f32 v9, v10;
	v5 =	vadd.f32 v5, v42  }
0x34f: {  	v17 =	vld [tilespmem:$0x1FFE0];
	v6 =	vmul.f32 v4, v52;
	v7 =	vadd.f32 v7, v34;
	v0 =	vadd.f32 v0, v3  }
0x350: {  	v12 =	vld.idx.msk [tilespmem:v23+s5+$0x0], $0xffff;
	v3 =	vmul.f32 v4, v63;
	v4 =	vshrl.u32 v1, $0x3;
	v1 =	vshra.s32 v1, $0xC  }
0x351: {  	v10 =	vld.idx.msk [tilespmem:v2+s24+$0x0], $0xffff;
	v8 =	vadd.f32 v9, v8;
	v4 =	vand.u32 $0x7FC0, v4;
	v1 =	vand.u32 $0xFFFFFFC0, v1  }
0x352: {  	v18 =	vld [tilespmem:s10+$0xFFFFFFD0];
	v5 =	vadd.f32 v5, v31;
	v0 =	vadd.f32 v0, v3;
	v3 =	vor.u32 v56, v4  }
0x353: {  	v9 =	vld.idx.msk [tilespmem:v24+s5+$0x0], $0xffff;
	v7 =	vadd.f32 v7, v32;
	v6 =	vadd.f32 v8, v6;
	v13 =	vor.u32 v47, v4  }
0x354: {  	v24 =	vld [tilespmem:$0x1FFC0];
	v17 =	vor.u32 v17, v4;
	v4 =	vor.u32 v19, v4;
	v5 =	vmax.f32 v5, $0.0e+00  }
0x355: {  	v8 =	vld.idx.msk [tilespmem:v27+s5+$0x0], $0xffff;
	v7 =	vmax.f32 v7, $0.0e+00;
	v6 =	vmax.f32 v6, $0.0e+00;
	v0 =	vmax.f32 v0, $0.0e+00  }
0x356: {  	v19 =	vld [tilespmem:s10+$0xFFFFFFE0];
	v21 =	vor.u32 v47, v1;
	v15 =	vadd.f32 v7, v5;
	v16 =	vadd.f32 v0, v6  }
0x357: {  	v22 =	vor.u32 v22, v1;
	v3 =	vld.idx.msk [tilespmem:v3+s17+$0x0], $0xffff  }
0x358: {  	v15 =	vadd.f32 v16, v15;
	v16 =	vor.u32 v56, v1;
	v13 =	vld.idx.msk [tilespmem:v13+s17+$0x0], $0xffff  }
0x359: {  	v17 =	vld.idx.msk [tilespmem:v17+s17+$0x0], $0xffff  }
0x35a: {  	v4 =	vld.idx.msk [tilespmem:v4+s17+$0x0], $0xffff;
	(xrf2) =	vadd.scan.msk.f32 $0xffff, v15  }
0x35b: {  	v21 =	vld.idx.msk [tilespmem:v21+s18+$0x0], $0xffff;
	v15 =	vor.u32 $0x1, v2  }
0x35c: {  	v23 =	vor.u32 $0x2, v2;
	v11 =	vadd.f32 v11, v18;
	v9 =	vadd.f32 v9, v14;
	v18 =	vld.idx.msk [tilespmem:v22+s18+$0x0], $0xffff  }
0x35d: {  	v16 =	vld.idx.msk [tilespmem:v16+s18+$0x0], $0xffff  }
0x35e: {  	v3 =	vadd.f32 v3, v9;
	v9 =	vld [tilespmem:$0x1FD90]  }
0x35f: {  	v1 =	vor.u32 v24, v1;
	v8 =	vadd.f32 v8, v19;
	v19 =	vld [tilespmem:$0x1FDA0]  }
0x360: {  	v12 =	vadd.f32 v12, v20;
	v15 =	vld.idx.msk [tilespmem:v15+s24+$0x0], $0xffff  }
0x361: {  	v11 =	vadd.f32 v13, v11;
	v13 =	vld.idx.msk [tilespmem:v23+s24+$0x0], $0xffff  }
0x362: {  	v14 =	vor.u32 $0x3, v2;
	v24 =	vadd.s32 $0x4, v2  }
0x363: {  	v2 =	vadd.s32 $0x5, v2;
	v9 =	vmul.f32 v10, v9;
	v3 =	vadd.f32 v16, v3;
	v16 =	vld [tilespmem:$0x1FE20]  }
0x364: {  	v19 =	vmul.f32 v10, v19;
	v8 =	vadd.f32 v17, v8;
	v4 =	vadd.f32 v4, v12;
	v1 =	vld.idx.msk [tilespmem:v1+s18+$0x0], $0xffff;
	v12, _, _ =	vpop (xrf2)  }
0x365: {  	v3 =	vadd.f32 v3, v9;
	v9 =	vmul.f32 v15, v62;
	(v2sf) =	vpush v12, $0xF  }
0x366: {  	v11 =	vadd.f32 v21, v11;
	v8 =	vadd.f32 v18, v8;
	v18 =	vmul.f32 v13, v37  }
0x367: {  	v17 =	vmul.f32 v15, v57;
	v12 =	vld.idx.msk [tilespmem:v14+s24+$0x0], $0xffff;
	v14 =	vmul.f32 v15, v58;
	v3 =	vadd.f32 v3, v9  }
0x368: {  	v61 =	vmovc v33;
	v9 =	vadd.f32 v11, v19;
	v11 =	vmul.f32 v15, v59;
	v16 =	vmul.f32 v10, v16  }
0x369: {  	v1 =	vadd.f32 v1, v4;
	v15 =	vmul.f32 v13, v46;
	v10 =	vmul.f32 v10, v61  }
0x36a: {  	v4 =	vmul.f32 v13, v53;
	v9 =	vadd.f32 v9, v14;
	v8 =	vadd.f32 v8, v16;
	v16 =	vld.idx.msk [tilespmem:v24+s24+$0x0], $0xffff  }
0x36b: {  	v2 =	vld.idx.msk [tilespmem:v2+s24+$0x0], $0xffff;
	v13 =	vmul.f32 v13, v55;
	v3 =	vadd.f32 v3, v15;
	v1 =	vadd.f32 v1, v10  }
0x36c: {  	v14 =	vmul.f32 v12, v40;
	v9 =	vadd.f32 v9, v18;
	v8 =	vadd.f32 v8, v17  }
0x36d: {  	v10 =	vmul.f32 v12, v44;
	v1 =	vadd.f32 v1, v11;
	v11 =	vmul.f32 v12, v60  }
0x36e: {  	v3 =	vadd.f32 v3, v14;
	v4 =	vadd.f32 v8, v4;
	v8 =	vmul.f32 v12, v45  }
0x36f: {  	v9 =	vadd.f32 v9, v10;
	v1 =	vadd.f32 v1, v13;
	v12 =	vmul.f32 v16, v54  }
0x370: {  	v13 =	vmul.f32 v2, v38;
	v10 =	vmul.f32 v16, v43;
	v4 =	vadd.f32 v4, v8  }
0x371: {  	v8 =	vmul.f32 v16, v49;
	v1 =	vadd.f32 v1, v11;
	v3 =	vadd.f32 v3, v12  }
0x372: {  	v12 =	vmul.f32 v16, v50;
	v9 =	vadd.f32 v9, v10;
	v10 =	vmul.f32 v2, v36  }
0x373: {  	v4 =	vadd.f32 v4, v8;
	v8 =	vmul.f32 v2, v52;
	v3 =	vadd.f32 v3, v13  }
0x374: {  	v2 =	vmul.f32 v2, v63;
	v1 =	vadd.f32 v1, v12;
	v9 =	vadd.f32 v9, v10;
	s11 =	spop (v2sf)  }
0x375: {  	v3 =	vmax.f32 v3, $0.0e+00;
	s8 =	smul.f32 $1.562500000e-02, s11  }
0x376: {  	v1 =	vadd.f32 v1, v2;
	v2 =	vmax.f32 v9, $0.0e+00;
	[tilespmem:$0x1F680] =	vst v3  }
0x377: {  	s12 =	sadd.s32 $0x0, s19;
	v4 =	vadd.f32 v4, v8;
	[tilespmem:$0x1F690] =	vst v2;
	v2 =	vadd.f32 v2, v3;
	v3 =	vmov s8  }
0x378: {  	v41 =	vmov v63;
	s10 =	sadd.s32 $0x63, s12;
	v8 =	vsub.f32 v5, v3  }
0x379: {  	v63 =	vmovc v60;
	v60 =	vmovc v44;
	v44 =	vmax.f32 v4, $0.0e+00;
	v4 =	vmov s10;
	v7 =	vsub.f32 v7, v3  }
0x37a: {  	v6 =	vsub.f32 v6, v3;
	[tilespmem:$0x1F720] =	vst v8  }
0x37b: {  	v34 =	vmovc v61;
	v61 =	vmovc v43;
	v43 =	vmov v52;
	v52 =	vmax.f32 v1, $0.0e+00;
	v9 =	vsub.f32 v0, v3;
	[tilespmem:$0x1F730] =	vst v7  }
0x37c: {  	v0 =	vadd.f32 v52, v44;
	[tilespmem:$0x1F740] =	vst v6;
	v1 =	vmul.f32 v8, v8;
	v3 =	vmul.f32 v7, v7  }
0x37d: {  	[tilespmem:$0x1F710] =	vst v9;
	v6 =	vmul.f32 v6, v6;
	v7 =	vmul.f32 v9, v9  }
0x37e: {  	v0 =	vadd.f32 v0, v2;
	v2 =	vld.idx.msk [tilespmem:v4+s23+$0x0], $0xffff  }
0x37f: {  	v1 =	vadd.f32 v3, v1;
	v3 =	vadd.f32 v7, v6;
	_ =	sdelay $0x1  }
0x380: {  	(xrf2) =	vadd.scan.msk.f32 $0xffff, v0;
	v0 =	vadd.f32 v3, v1  }
0x381: {  	s13 =	sadd.s32 $0x62, s12;
	v28 =	vld [tilespmem:$0x1FFD0];
	v4 =	vmul.u32 $0x6, v4  }
0x382: {  	v29 =	vld [tilespmem:$0x1FD90];
	v5 =	vmov s13;
	(xrf2) =	vadd.scan.msk.f32 $0xffff, v0;
	v0 =	vshra.s32 v2, $0xC  }
0x383: {  	v30 =	vld [tilespmem:$0x1FDA0];
	v1 =	vadd.s32 $0x4, v4;
	v0 =	vand.u32 $0xFFFFFFC0, v0  }
0x384: {  	v25 =	vld [tilespmem:$0x1FFE0];
	v15 =	vor.u32 v56, v0  }
0x385: {  	v27 =	vld [tilespmem:$0x1FFE0]  }
0x386: {  	v24 =	vld [tilespmem:$0x1FFC0]  }
0x387: {  	v6 =	vld.idx.msk [tilespmem:v5+s23+$0x0], $0xffff;
	v14 =	vshrl.u32 v2, $0x3;
	v2 =	vshll.u32 v2, $0x6  }
0x388: {  	v16 =	vld.idx.msk [tilespmem:v1+s24+$0x0], $0xffff;
	v1 =	vor.u32 v56, v2  }
0x389: {  	v21 =	vor.u32 v47, v2;
	v20 =	vand.u32 v39, v1;
	v1 =	vmul.u32 $0x6, v5;
	v5 =	vld.idx.msk [tilespmem:v15+s18+$0x0], $0xffff  }
0x38a: {  	v15 =	vand.u32 v48, v21;
	v21 =	vld [tilespmem:$0x1FFE0]  }
0x38b: {  	s14 =	simm.s32 $0x19D00;
	v31 =	vld [tilespmem:$0x1FE20]  }
0x38c: {  	v8 =	vld [tilespmem:s14+$0x0];
	v22, _, _ =	vpop (xrf2)  }
0x38d: {  	v10 =	vld [tilespmem:s14+$0x20];
	(v2sf) =	vpush v22, $0xF;
	v26, _, _ =	vpop (xrf2)  }
0x38e: {  	v7 =	vadd.s32 $0x5, v4;
	(v2sf) =	vpush v26, $0xF;
	v26 =	vld [tilespmem:$0x1FFC0]  }
0x38f: {  	v21 =	vor.u32 v21, v2;
	v2 =	vor.u32 v24, v2;
	v24 =	vld [tilespmem:$0x1FFD0]  }
0x390: {  	v12 =	vld [tilespmem:s14+$0x30];
	v9 =	vadd.s32 $0x3, v4  }
0x391: {  	v11 =	vadd.s32 $0x2, v4;
	v3 =	vld [tilespmem:s14+$0x10]  }
0x392: {  	v13 =	vld.idx.msk [tilespmem:v4+s24+$0x0], $0xffff;
	v23 =	vshll.u32 v6, $0x6  }
0x393: {  	v7 =	vld.idx.msk [tilespmem:v7+s24+$0x0], $0xffff;
	v25 =	vor.u32 v25, v23;
	v22 =	vor.u32 v56, v23  }
0x394: {  	v2 =	vand.u32 v24, v2;
	v24 =	vor.u32 v47, v23;
	v23 =	vor.u32 v26, v23;
	v26 =	vld [tilespmem:$0x1FFC0]  }
0x395: {  	v14 =	vand.u32 $0x7FC0, v14;
	v9 =	vld.idx.msk [tilespmem:v9+s24+$0x0], $0xffff  }
0x396: {  	v11 =	vld.idx.msk [tilespmem:v11+s24+$0x0], $0xffff;
	v19 =	vor.u32 v47, v14  }
0x397: {  	v18 =	vor.u32 v56, v14;
	v20 =	vld.idx.msk [tilespmem:v20+s5+$0x0], $0xffff  }
0x398: {  	v17 =	vor.u32 v47, v0;
	v15 =	vld.idx.msk [tilespmem:v15+s5+$0x0], $0xffff  }
0x399: {  	v4 =	vor.u32 $0x1, v4;
	v27 =	vor.u32 v27, v14;
	v14 =	vor.u32 v26, v14;
	v26 =	vld [tilespmem:$0x1FFE0]  }
0x39a: {  	v21 =	vand.u32 v51, v21;
	v23 =	vand.u32 v28, v23;
	v28 =	vld [tilespmem:$0x1FFC0]  }
0x39b: {  	v19 =	vld.idx.msk [tilespmem:v19+s17+$0x0], $0xffff  }
0x39c: {  	v18 =	vld.idx.msk [tilespmem:v18+s17+$0x0], $0xffff  }
0x39d: {  	v42 =	vmov v37;
	v25 =	vand.u32 v51, v25;
	v17 =	vld.idx.msk [tilespmem:v17+s18+$0x0], $0xffff  }
0x39e: {  	v4 =	vld.idx.msk [tilespmem:v4+s24+$0x0], $0xffff;
	v29 =	vmul.f32 v13, v29;
	v3 =	vadd.f32 v15, v3;
	v26 =	vor.u32 v26, v0  }
0x39f: {  	v30 =	vmul.f32 v13, v30;
	v8 =	vadd.f32 v20, v8;
	v21 =	vld.idx.msk [tilespmem:v21+s5+$0x0], $0xffff;
	v0 =	vor.u32 v28, v0  }
0x3a0: {  	v31 =	vmul.f32 v13, v31;
	v13 =	vmul.f32 v13, v34;
	v3 =	vadd.f32 v19, v3;
	v2 =	vld.idx.msk [tilespmem:v2+s5+$0x0], $0xffff  }
0x3a1: {  	v32 =	vmul.f32 v7, v38;
	v27 =	vld.idx.msk [tilespmem:v27+s17+$0x0], $0xffff;
	v33 =	vmul.f32 v7, v36;
	v8 =	vadd.f32 v18, v8  }
0x3a2: {  	v22 =	vand.u32 v39, v22;
	v35 =	vmul.f32 v16, v61;
	v3 =	vadd.f32 v17, v3;
	v14 =	vld.idx.msk [tilespmem:v14+s17+$0x0], $0xffff  }
0x3a3: {  	v18 =	vmul.f32 v11, v42;
	v15 =	vmul.f32 v9, v60;
	v5 =	vadd.f32 v5, v8;
	v26 =	vld.idx.msk [tilespmem:v26+s18+$0x0], $0xffff  }
0x3a4: {  	v8 =	vmul.f32 v4, v58;
	v10 =	vadd.f32 v21, v10;
	v3 =	vadd.f32 v3, v30;
	v0 =	vld.idx.msk [tilespmem:v0+s18+$0x0], $0xffff  }
0x3a5: {  	v24 =	vand.u32 v48, v24;
	v5 =	vadd.f32 v5, v29;
	v2 =	vadd.f32 v2, v12  }
0x3a6: {  	v48 =	vmul.f32 v9, v40;
	v10 =	vadd.f32 v27, v10;
	v3 =	vadd.f32 v3, v8  }
0x3a7: {  	v28 =	vshrl.u32 v6, $0x3;
	v6 =	vshra.s32 v6, $0xC;
	v2 =	vadd.f32 v14, v2  }
0x3a8: {  	v12 =	vmul.f32 v11, v46;
	v3 =	vadd.f32 v3, v18;
	v28 =	vand.u32 $0x7FC0, v28  }
0x3a9: {  	v6 =	vand.u32 $0xFFFFFFC0, v6;
	v10 =	vadd.f32 v26, v10;
	v0 =	vadd.f32 v0, v2  }
0x3aa: {  	v18 =	vor.u32 v56, v6;
	v14 =	vmul.f32 v4, v62;
	v2 =	vmul.f32 v4, v57  }
0x3ab: {  	v4 =	vmul.f32 v4, v59;
	v10 =	vadd.f32 v10, v31;
	v0 =	vadd.f32 v0, v13  }
0x3ac: {  	v5 =	vadd.f32 v5, v14;
	v14 =	vor.u32 v47, v28;
	v13 =	vmul.f32 v11, v53  }
0x3ad: {  	v19 =	vld [tilespmem:s14+$0xFFFFFFF0];
	v2 =	vadd.f32 v10, v2;
	v0 =	vadd.f32 v0, v4;
	v4 =	vmul.f32 v11, v55  }
0x3ae: {  	v17 =	vld [tilespmem:s14+$0xFFFFFFE0];
	v8 =	vmul.f32 v9, v45;
	v3 =	vadd.f32 v3, v15;
	v5 =	vadd.f32 v5, v12  }
0x3af: {  	v51 =	vmovc v34;
	v15 =	vld [tilespmem:s14+$0xFFFFFFC0];
	v2 =	vadd.f32 v2, v13;
	v0 =	vadd.f32 v0, v4;
	v4 =	vmul.f32 v9, v63  }
0x3b0: {  	v34 =	vmul.f32 v16, v54;
	v18 =	vld.idx.msk [tilespmem:v18+s18+$0x0], $0xffff;
	v5 =	vadd.f32 v5, v48;
	v10 =	vmul.f32 v16, v49  }
0x3b1: {  	v12 =	vld.idx.msk [tilespmem:v24+s5+$0x0], $0xffff;
	v2 =	vadd.f32 v2, v8;
	v0 =	vadd.f32 v0, v4;
	v4 =	vmul.f32 v16, v50  }
0x3b2: {  	v3 =	vadd.f32 v3, v35;
	v14 =	vld.idx.msk [tilespmem:v14+s17+$0x0], $0xffff;
	v5 =	vadd.f32 v5, v34;
	v8 =	vmul.f32 v7, v43  }
0x3b3: {  	v11 =	vld.idx.msk [tilespmem:v22+s5+$0x0], $0xffff;
	v2 =	vadd.f32 v2, v10;
	v0 =	vadd.f32 v0, v4;
	v4 =	vmul.f32 v7, v41  }
0x3b4: {  	v3 =	vadd.f32 v3, v33;
	v5 =	vadd.f32 v5, v32;
	v9 =	vld.idx.msk [tilespmem:v1+s24+$0x0], $0xffff;
	v7 =	vor.u32 v56, v28  }
0x3b5: {  	v13 =	vld.idx.msk [tilespmem:v25+s5+$0x0], $0xffff;
	v2 =	vadd.f32 v2, v8;
	v0 =	vadd.f32 v0, v4  }
0x3b6: {  	v3 =	vmax.f32 v3, $0.0e+00;
	v4 =	vld [tilespmem:$0x1FFE0]  }
0x3b7: {  	v5 =	vmax.f32 v5, $0.0e+00;
	v8 =	vld [tilespmem:$0x1FFC0];
	v2 =	vmax.f32 v2, $0.0e+00;
	v0 =	vmax.f32 v0, $0.0e+00  }
0x3b8: {  	v22 =	vor.u32 v47, v6;
	v20 =	vadd.f32 v3, v5;
	v10 =	vld.idx.msk [tilespmem:v23+s5+$0x0], $0xffff;
	v21 =	vadd.f32 v0, v2  }
0x3b9: {  	v7 =	vld.idx.msk [tilespmem:v7+s17+$0x0], $0xffff  }
0x3ba: {  	v20 =	vadd.f32 v21, v20;
	v21 =	vld [tilespmem:$0x1FFE0]  }
0x3bb: {  	v25 =	vld [tilespmem:$0x1FFC0];
	v4 =	vor.u32 v4, v28  }
0x3bc: {  	v16 =	vld [tilespmem:s14+$0xFFFFFFD0];
	v8 =	vor.u32 v8, v28  }
0x3bd: {  	v22 =	vld.idx.msk [tilespmem:v22+s18+$0x0], $0xffff;
	v11 =	vadd.f32 v11, v15;
	v23 =	vor.u32 $0x1, v1  }
0x3be: {  	v10 =	vadd.f32 v10, v19;
	v19 =	vld [tilespmem:$0x1FDA0];
	(xrf2) =	vadd.scan.msk.f32 $0xffff, v20;
	v20 =	vor.u32 $0x2, v1  }
0x3bf: {  	v7 =	vadd.f32 v7, v11;
	v11 =	vld [tilespmem:$0x1FD90];
	v21 =	vor.u32 v21, v6  }
0x3c0: {  	v4 =	vld.idx.msk [tilespmem:v4+s17+$0x0], $0xffff  }
0x3c1: {  	v12 =	vadd.f32 v12, v16;
	v8 =	vld.idx.msk [tilespmem:v8+s17+$0x0], $0xffff;
	v6 =	vor.u32 v25, v6  }
0x3c2: {  	v23 =	vld.idx.msk [tilespmem:v23+s24+$0x0], $0xffff  }
0x3c3: {  	v13 =	vadd.f32 v13, v17;
	v12 =	vadd.f32 v14, v12;
	v14 =	vld.idx.msk [tilespmem:v20+s24+$0x0], $0xffff  }
0x3c4: {  	v24 =	vor.u32 $0x3, v1;
	v17 =	vld.idx.msk [tilespmem:v21+s18+$0x0], $0xffff  }
0x3c5: {  	v7 =	vadd.f32 v18, v7;
	v11 =	vmul.f32 v9, v11;
	v4 =	vadd.f32 v4, v13;
	v13 =	vld [tilespmem:$0x1FE20]  }
0x3c6: {  	v19 =	vmul.f32 v9, v19;
	v8 =	vadd.f32 v8, v10;
	v6 =	vld.idx.msk [tilespmem:v6+s18+$0x0], $0xffff  }
0x3c7: {  	v10 =	vadd.f32 v22, v12;
	v7 =	vadd.f32 v7, v11;
	v11 =	vmul.f32 v23, v62  }
0x3c8: {  	v39 =	vmovc v59;
	v15 =	vadd.s32 $0x4, v1;
	v1 =	vadd.s32 $0x5, v1;
	v18 =	vmul.f32 v23, v58  }
0x3c9: {  	v7 =	vadd.f32 v7, v11;
	v10 =	vadd.f32 v10, v19;
	v11 =	vmul.f32 v23, v39  }
0x3ca: {  	s15 =	spop (v2sf);
	v12 =	vld.idx.msk [tilespmem:v24+s24+$0x0], $0xffff;
	v19, _, _ =	vpop (xrf2);
	v20 =	vmul.f32 v14, v46;
	v13 =	vmul.f32 v9, v13;
	v4 =	vadd.f32 v17, v4  }
0x3cb: {  	s22 =	spop (v2sf);
	(v2sf) =	vpush v19, $0xF;
	v9 =	vmul.f32 v9, v51;
	v6 =	vadd.f32 v6, v8  }
0x3cc: {  	v27 =	vmovc v55;
	v10 =	vadd.f32 v10, v18;
	v17 =	vmul.f32 v23, v57;
	v4 =	vadd.f32 v4, v13  }
0x3cd: {  	v7 =	vadd.f32 v7, v20;
	v13 =	vld.idx.msk [tilespmem:v15+s24+$0x0], $0xffff;
	v15 =	vmul.f32 v14, v42;
	v6 =	vadd.f32 v6, v9  }
0x3ce: {  	v8 =	vmul.f32 v14, v53;
	v14 =	vmul.f32 v14, v27;
	v4 =	vadd.f32 v4, v17  }
0x3cf: {  	v1 =	vld.idx.msk [tilespmem:v1+s24+$0x0], $0xffff;
	v17 =	vmul.f32 v12, v40;
	v9 =	vadd.f32 v10, v15;
	v6 =	vadd.f32 v6, v11  }
0x3d0: {  	v10 =	vmul.f32 v12, v60;
	v11 =	vmul.f32 v12, v63;
	v4 =	vadd.f32 v4, v8  }
0x3d1: {  	v8 =	vmul.f32 v12, v45;
	v7 =	vadd.f32 v7, v17;
	v6 =	vadd.f32 v6, v14  }
0x3d2: {  	v9 =	vadd.f32 v9, v10;
	v12 =	vmul.f32 v13, v54;
	v10 =	vmul.f32 v13, v61  }
0x3d3: {  	v4 =	vadd.f32 v4, v8;
	v8 =	vmul.f32 v13, v49;
	v6 =	vadd.f32 v6, v11  }
0x3d4: {  	v37 =	vmovc v36;
	v7 =	vadd.f32 v7, v12;
	v12 =	vmul.f32 v13, v50;
	v13 =	vmul.f32 v1, v38  }
0x3d5: {  	v26 =	vmovc v41;
	v9 =	vadd.f32 v9, v10;
	v4 =	vadd.f32 v4, v8;
	v8 =	vmul.f32 v1, v43  }
0x3d6: {  	v10 =	vmul.f32 v1, v37;
	v1 =	vmul.f32 v1, v26;
	v6 =	vadd.f32 v6, v12  }
0x3d7: {  	v4 =	vadd.f32 v4, v8  }
0x3d8: {  	v1 =	vadd.f32 v6, v1;
	v6 =	vld [tilespmem:$0x1F680]  }
0x3d9: {  	v11 =	vmax.f32 v4, $0.0e+00;
	v4 =	vld [tilespmem:$0x1F690]  }
0x3da: {  	s8 =	smul.f32 $1.562500000e-02, s15  }
0x3db: {  	s9 =	smul.f32 $1.562500000e-02, s22;
	v7 =	vadd.f32 v7, v13  }
0x3dc: {  	v9 =	vadd.f32 v9, v10  }
0x3dd: {  	s9 =	sadd.f32 $9.999999740e-06, s9;
	v8 =	vmov s8;
	v12 =	vmax.f32 v7, $0.0e+00  }
0x3de: {  	v13 =	vmax.f32 v9, $0.0e+00;
	[tilespmem:$0x1F6A0] =	vst v12;
	v7 =	vsub.f32 v6, v8;
	v6 =	vsub.f32 v4, v8  }
0x3df: {  	v16 =	vmov s9;
	s9 =	spop (v2sf);
	[tilespmem:$0x1F6B0] =	vst v13  }
0x3e0: {  	v9 =	vsub.f32 v44, v8;
	s8 =	smul.f32 $1.562500000e-02, s9;
	v4 =	vmul.f32 v7, v7;
	[tilespmem:$0x1F830] =	vst v6;
	v6 =	vmul.f32 v6, v6  }
0x3e1: {  	v10 =	vsub.f32 v52, v8;
	[tilespmem:$0x1F6C0] =	vst v11  }
0x3e2: {  	s10 =	sadd.s32 $0x2, s19;
	v48 =	vmovc v61;
	v61 =	vmax.f32 v1, $0.0e+00;
	[tilespmem:$0x1F840] =	vst v9;
	v4 =	vadd.f32 v6, v4;
	v6 =	vmov s8  }
0x3e3: {  	s11 =	sadd.s32 $0x63, s10;
	[tilespmem:$0x1F850] =	vst v10;
	v1 =	vadd.f32 v13, v12;
	v8 =	vmul.f32 v9, v9;
	v13 =	vsub.f32 v5, v6  }
0x3e4: {  	v9 =	vmul.f32 v10, v10;
	v10 =	vmov s11;
	[tilespmem:$0x1F800] =	vst v7;
	v12 =	vsub.f32 v3, v6  }
0x3e5: {  	v7 =	vadd.f32 v61, v11;
	v11 =	vsub.f32 v2, v6;
	[tilespmem:$0x1F760] =	vst v13  }
0x3e6: {  	v14 =	vsub.f32 v0, v6;
	[tilespmem:$0x1F770] =	vst v12  }
0x3e7: {  	v0 =	vadd.f32 v9, v8;
	[tilespmem:$0x1F780] =	vst v11;
	v2 =	vmul.f32 v13, v13;
	v6 =	vmul.f32 v12, v12  }
0x3e8: {  	v29 =	vld [tilespmem:$0x1FF90];
	v1 =	vadd.f32 v7, v1;
	[tilespmem:$0x1F750] =	vst v14;
	v7 =	vmul.f32 v11, v11;
	v8 =	vmul.f32 v14, v14  }
0x3e9: {  	v0 =	vadd.f32 v0, v4;
	v4 =	vld.idx.msk [tilespmem:v10+s23+$0x0], $0xffff  }
0x3ea: {  	v30 =	vld [tilespmem:$0x1FD90];
	(xrf2) =	vadd.scan.msk.f32 $0xffff, v1;
	v1 =	vadd.f32 v6, v2;
	v2 =	vadd.f32 v8, v7  }
0x3eb: {  	v31 =	vld [tilespmem:$0x1FDA0]  }
0x3ec: {  	v28 =	vld [tilespmem:$0x1FFE0];
	v3 =	vshra.s32 v16, $0x1;
	v9 =	vmul.f32 $-5.000000000e-01, v16;
	(xrf2) =	vadd.scan.msk.f32 $0xffff, v0;
	v0 =	vadd.f32 v2, v1  }
0x3ed: {  	s12 =	sadd.s32 $0x62, s10;
	v25 =	vld [tilespmem:$0x1FFC0];
	v3 =	vsub.s32 $0x5F3759DF, v3;
	v10 =	vmul.u32 $0x6, v10  }
0x3ee: {  	v34 =	vmovc v51;
	v51 =	vld [tilespmem:$0x1FFA0];
	v5 =	vmov s12;
	v7 =	vmul.f32 v3, v9;
	(xrf2) =	vadd.scan.msk.f32 $0xffff, v0;
	v0 =	vshra.s32 v4, $0xC  }
0x3ef: {  	v53 =	vld [tilespmem:$0x1FFB0];
	v1 =	vadd.s32 $0x4, v10;
	v0 =	vand.u32 $0xFFFFFFC0, v0  }
0x3f0: {  	v55 =	vmovc v57;
	v57 =	vmov v26;
	v26 =	vld [tilespmem:$0x1FFE0];
	v7 =	vmul.f32 v3, v7;
	v18 =	vor.u32 v56, v0  }
0x3f1: {  	s13 =	simm.s32 $0x19D80;
	v50 =	vmov v43;
	v43 =	vld [tilespmem:$0x1FE20]  }
0x3f2: {  	v11 =	vld [tilespmem:s13+$0x0];
	v7 =	vadd.f32 $1.500000000e+00, v7  }
0x3f3: {  	v6 =	vld.idx.msk [tilespmem:v5+s23+$0x0], $0xffff;
	v14 =	vadd.s32 $0x2, v10;
	v17 =	vshrl.u32 v4, $0x3;
	v4 =	vshll.u32 v4, $0x6  }
0x3f4: {  	v44 =	vmul.f32 v3, v7;
	v7 =	vand.u32 $0x7FC0, v17;
	v17 =	vld.idx.msk [tilespmem:v1+s24+$0x0], $0xffff;
	v1 =	vmul.u32 $0x6, v5;
	v5, _, _ =	vpop (xrf2)  }
0x3f5: {  	v22 =	vor.u32 v47, v4;
	(v2sf) =	vpush v5, $0xF;
	v5 =	vld.idx.msk [tilespmem:v18+s18+$0x0], $0xffff  }
0x3f6: {  	v18 =	vand.u32 v51, v22;
	v22 =	vld [tilespmem:$0x1FFE0]  }
0x3f7: {  	v13 =	vld [tilespmem:s13+$0x20]  }
0x3f8: {  	v15 =	vld [tilespmem:s13+$0x30];
	v23, _, _ =	vpop (xrf2)  }
0x3f9: {  	v19 =	vor.u32 v47, v0;
	v3 =	vmul.f32 v44, v9;
	v9 =	vld.idx.msk [tilespmem:v14+s24+$0x0], $0xffff;
	(v2sf) =	vpush v23, $0xF;
	v27, _, _ =	vpop (xrf2)  }
0x3fa: {  	(v2sf) =	vpush v27, $0xF;
	v27 =	vld [tilespmem:$0x1FFC0]  }
0x3fb: {  	v14 =	vor.u32 v56, v4;
	v22 =	vor.u32 v22, v4;
	v4 =	vor.u32 v25, v4;
	v25 =	vld [tilespmem:$0x1FFD0]  }
0x3fc: {  	v2 =	vld [tilespmem:s13+$0x10];
	v21 =	vor.u32 v47, v7  }
0x3fd: {  	v16 =	vld.idx.msk [tilespmem:v10+s24+$0x0], $0xffff;
	v24 =	vshll.u32 v6, $0x6  }
0x3fe: {  	v14 =	vand.u32 v29, v14;
	v19 =	vld.idx.msk [tilespmem:v19+s18+$0x0], $0xffff;
	v23 =	vor.u32 v56, v24  }
0x3ff: {  	v26 =	vor.u32 v26, v24;
	v23 =	vand.u32 v29, v23;
	v29 =	vld [tilespmem:$0x1FFD0]  }
0x400: {  	v4 =	vand.u32 v25, v4;
	v25 =	vor.u32 v47, v24;
	v24 =	vor.u32 v27, v24;
	v27 =	vld [tilespmem:$0x1FFC0]  }
0x401: {  	v20 =	vor.u32 v56, v7;
	v21 =	vld.idx.msk [tilespmem:v21+s17+$0x0], $0xffff  }
0x402: {  	v8 =	vadd.s32 $0x5, v10;
	v18 =	vld.idx.msk [tilespmem:v18+s5+$0x0], $0xffff  }
0x403: {  	v12 =	vadd.s32 $0x3, v10;
	v10 =	vor.u32 $0x1, v10;
	v14 =	vld.idx.msk [tilespmem:v14+s5+$0x0], $0xffff  }
0x404: {  	v24 =	vand.u32 v29, v24;
	v29 =	vld [tilespmem:$0x1FFC0]  }
0x405: {  	v28 =	vor.u32 v28, v7;
	v22 =	vand.u32 v53, v22;
	v7 =	vor.u32 v27, v7;
	v27 =	vld [tilespmem:$0x1FFE0]  }
0x406: {  	v20 =	vld.idx.msk [tilespmem:v20+s17+$0x0], $0xffff  }
0x407: {  	v8 =	vld.idx.msk [tilespmem:v8+s24+$0x0], $0xffff;
	v2 =	vadd.f32 v18, v2  }
0x408: {  	v10 =	vld.idx.msk [tilespmem:v10+s24+$0x0], $0xffff  }
0x409: {  	v12 =	vld.idx.msk [tilespmem:v12+s24+$0x0], $0xffff;
	v30 =	vmul.f32 v16, v30;
	v11 =	vadd.f32 v14, v11;
	v2 =	vadd.f32 v21, v2  }
0x40a: {  	v31 =	vmul.f32 v16, v31;
	v22 =	vld.idx.msk [tilespmem:v22+s5+$0x0], $0xffff;
	v27 =	vor.u32 v27, v0;
	v0 =	vor.u32 v29, v0  }
0x40b: {  	v32 =	vmul.f32 v16, v43;
	v11 =	vadd.f32 v20, v11;
	v2 =	vadd.f32 v19, v2;
	v4 =	vld.idx.msk [tilespmem:v4+s5+$0x0], $0xffff  }
0x40c: {  	v36 =	vmovc v42;
	v41 =	vmov v40;
	v16 =	vmul.f32 v16, v34;
	v33 =	vmul.f32 v8, v38;
	v28 =	vld.idx.msk [tilespmem:v28+s17+$0x0], $0xffff  }
0x40d: {  	v5 =	vadd.f32 v5, v11;
	v11 =	vmul.f32 v10, v58;
	v2 =	vadd.f32 v2, v31;
	v7 =	vld.idx.msk [tilespmem:v7+s17+$0x0], $0xffff  }
0x40e: {  	v40 =	vmovc v34;
	v26 =	vand.u32 v53, v26;
	v34 =	vmul.f32 v8, v37;
	v35 =	vmul.f32 v17, v54;
	v31 =	vld [tilespmem:$0x1FFC0]  }
0x40f: {  	v20 =	vmul.f32 v9, v36;
	v5 =	vadd.f32 v5, v30;
	v2 =	vadd.f32 v2, v11;
	v0 =	vld.idx.msk [tilespmem:v0+s18+$0x0], $0xffff  }
0x410: {  	v14 =	vmul.f32 v17, v48;
	v13 =	vadd.f32 v22, v13;
	v4 =	vadd.f32 v4, v15;
	v27 =	vld.idx.msk [tilespmem:v27+s18+$0x0], $0xffff  }
0x411: {  	v59 =	vmovc v62;
	v62 =	vmovc v46;
	v22 =	vmul.f32 v12, v60;
	v29 =	vshrl.u32 v6, $0x3;
	v2 =	vadd.f32 v2, v20  }
0x412: {  	v42 =	vmovc v38;
	v43 =	vmovc v37;
	v13 =	vadd.f32 v28, v13;
	v29 =	vand.u32 $0x7FC0, v29;
	v4 =	vadd.f32 v7, v4  }
0x413: {  	v38 =	vmovc v48;
	v48 =	vld [tilespmem:$0x1FE30];
	v15 =	vmul.f32 v9, v46;
	v2 =	vadd.f32 v2, v22;
	v22 =	vor.u32 v31, v29  }
0x414: {  	v46 =	vmovc v55;
	v7 =	vmul.f32 v10, v59;
	v0 =	vadd.f32 v0, v4;
	v4 =	vmul.f32 v10, v55;
	v55 =	vld [tilespmem:$0x1FE40]  }
0x415: {  	v37 =	vmovc v36;
	v36 =	vld [tilespmem:$0x1FDF0];
	v2 =	vadd.f32 v2, v14;
	v14 =	vor.u32 v47, v29;
	v13 =	vadd.f32 v27, v13  }
0x416: {  	v18 =	vmul.f32 v12, v41;
	v25 =	vand.u32 v51, v25;
	v30 =	vld [tilespmem:$0x1FFE0];
	v5 =	vadd.f32 v5, v7  }
0x417: {  	v11 =	vld.idx.msk [tilespmem:v1+s24+$0x0], $0xffff;
	v10 =	vmul.f32 v10, v39;
	v13 =	vadd.f32 v13, v32;
	v0 =	vadd.f32 v0, v16  }
0x418: {  	v6 =	vshra.s32 v6, $0xC;
	v7 =	vmul.f32 v9, v48;
	v22 =	vld.idx.msk [tilespmem:v22+s17+$0x0], $0xffff;
	v5 =	vadd.f32 v5, v15  }
0x419: {  	s14 =	spop (v2sf);
	v15 =	vld.idx.msk [tilespmem:v24+s5+$0x0], $0xffff;
	v4 =	vadd.f32 v13, v4;
	v0 =	vadd.f32 v0, v10;
	v16 =	vmul.f32 v9, v55  }
0x41a: {  	s15 =	spop (v2sf);
	v6 =	vand.u32 $0xFFFFFFC0, v6;
	v14 =	vld.idx.msk [tilespmem:v14+s17+$0x0], $0xffff;
	v5 =	vadd.f32 v5, v18;
	v9 =	vmul.f32 v12, v45  }
0x41b: {  	s11 =	spop (v2sf);
	v18 =	vld [tilespmem:s13+$0xFFFFFFE0];
	v0 =	vadd.f32 v0, v7;
	v7 =	vmul.f32 v12, v63;
	v4 =	vadd.f32 v4, v16  }
0x41c: {  	s11 =	smul.f32 $1.562500000e-02, s11;
	v2 =	vadd.f32 v2, v34;
	v5 =	vadd.f32 v5, v35;
	v35 =	vld [tilespmem:$0x1FE20];
	v10 =	vmul.f32 v17, v49  }
0x41d: {  	v13 =	vld.idx.msk [tilespmem:v25+s5+$0x0], $0xffff;
	v0 =	vadd.f32 v0, v7;
	v7 =	vmul.f32 v17, v36;
	v4 =	vadd.f32 v4, v9  }
0x41e: {  	s11 =	sadd.f32 $9.999999740e-06, s11;
	v25 =	vor.u32 $0x1, v1;
	v5 =	vadd.f32 v5, v33;
	v33 =	vld [tilespmem:$0x1FD90];
	v9 =	vmul.f32 v8, v50  }
0x41f: {  	v12 =	vld.idx.msk [tilespmem:v23+s5+$0x0], $0xffff;
	v0 =	vadd.f32 v0, v7;
	v7 =	vmul.f32 v8, v57;
	v4 =	vadd.f32 v4, v10  }
0x420: {  	v19 =	vmov s11;
	v2 =	vmax.f32 v2, $0.0e+00;
	v16 =	vld [tilespmem:s13+$0xFFFFFFC0];
	v8 =	vor.u32 v56, v29  }
0x421: {  	v23 =	vld [tilespmem:s13+$0xFFFFFFF0];
	v0 =	vadd.f32 v0, v7;
	v7 =	vor.u32 v30, v29;
	v4 =	vadd.f32 v4, v9  }
0x422: {  	v24 =	vshra.s32 v19, $0x1;
	v27 =	vor.u32 v30, v6;
	v17 =	vld [tilespmem:s13+$0xFFFFFFD0];
	v9 =	vor.u32 v56, v6  }
0x423: {  	v5 =	vmax.f32 v5, $0.0e+00;
	v25 =	vld.idx.msk [tilespmem:v25+s24+$0x0], $0xffff;
	v0 =	vmax.f32 v0, $0.0e+00;
	v4 =	vmax.f32 v4, $0.0e+00  }
0x424: {  	v19 =	vmul.f32 $-5.000000000e-01, v19;
	v20 =	vadd.f32 v2, v5;
	v10 =	vld.idx.msk [tilespmem:v26+s5+$0x0], $0xffff;
	v21 =	vadd.f32 v0, v4  }
0x425: {  	v24 =	vsub.s32 $0x5F3759DF, v24;
	v12 =	vadd.f32 v12, v16;
	v16 =	vor.u32 $0x3, v1;
	v8 =	vld.idx.msk [tilespmem:v8+s17+$0x0], $0xffff  }
0x426: {  	v26 =	vmul.f32 v24, v19;
	v7 =	vld.idx.msk [tilespmem:v7+s17+$0x0], $0xffff;
	v20 =	vadd.f32 v21, v20;
	v21 =	vor.u32 v47, v6  }
0x427: {  	v15 =	vadd.f32 v15, v23;
	v9 =	vld.idx.msk [tilespmem:v9+s18+$0x0], $0xffff;
	v6 =	vor.u32 v31, v6  }
0x428: {  	v13 =	vadd.f32 v13, v17;
	v17 =	vld.idx.msk [tilespmem:v27+s18+$0x0], $0xffff;
	(xrf2) =	vadd.scan.msk.f32 $0xffff, v20;
	v20 =	vmul.f32 v24, v26;
	v26 =	vor.u32 $0x2, v1  }
0x429: {  	v34 =	vld [tilespmem:$0x1FDA0];
	v10 =	vadd.f32 v10, v18  }
0x42a: {  	v28 =	vadd.s32 $0x4, v1;
	v15 =	vadd.f32 v22, v15;
	v16 =	vld.idx.msk [tilespmem:v16+s24+$0x0], $0xffff;
	v8 =	vadd.f32 v8, v12  }
0x42b: {  	v13 =	vadd.f32 v14, v13;
	v14 =	vmul.f32 v25, v59;
	v7 =	vadd.f32 v7, v10;
	v21 =	vld.idx.msk [tilespmem:v21+s18+$0x0], $0xffff  }
0x42c: {  	v18 =	vmul.f32 v11, v33;
	v20 =	vadd.f32 $1.500000000e+00, v20;
	v8 =	vadd.f32 v9, v8;
	v6 =	vld.idx.msk [tilespmem:v6+s18+$0x0], $0xffff  }
0x42d: {  	v1 =	vadd.s32 $0x5, v1;
	v10 =	vmul.f32 v11, v35;
	v7 =	vadd.f32 v17, v7;
	v9 =	vld.idx.msk [tilespmem:v26+s24+$0x0], $0xffff  }
0x42e: {  	v12 =	vmul.f32 v24, v20;
	v20 =	vmul.f32 v11, v34;
	v8 =	vadd.f32 v8, v18  }
0x42f: {  	v11 =	vmul.f32 v11, v40;
	v17 =	vmul.f32 v25, v46;
	v7 =	vadd.f32 v7, v10  }
0x430: {  	v18 =	vmul.f32 v25, v58;
	v8 =	vadd.f32 v8, v14;
	v13 =	vadd.f32 v21, v13  }
0x431: {  	v6 =	vadd.f32 v6, v15;
	v7 =	vadd.f32 v7, v17;
	v17 =	vmul.f32 v16, v41  }
0x432: {  	v10 =	vld.idx.msk [tilespmem:v28+s24+$0x0], $0xffff;
	v14, _, _ =	vpop (xrf2);
	v13 =	vadd.f32 v13, v20;
	v20 =	vmul.f32 v9, v62;
	v15 =	vmul.f32 v9, v55  }
0x433: {  	v6 =	vadd.f32 v6, v11;
	(v2sf) =	vpush v14, $0xF;
	v14 =	vmul.f32 v25, v39  }
0x434: {  	v1 =	vld.idx.msk [tilespmem:v1+s24+$0x0], $0xffff;
	v21 =	vmul.f32 v9, v37;
	v9 =	vmul.f32 v9, v48;
	v13 =	vadd.f32 v13, v18  }
0x435: {  	v7 =	vadd.f32 v7, v15;
	v15 =	vmul.f32 v16, v45;
	v6 =	vadd.f32 v6, v14  }
0x436: {  	v14 =	vmul.f32 v16, v63;
	v11 =	vadd.f32 v13, v21;
	v13 =	vmul.f32 v16, v60  }
0x437: {  	v16 =	vmul.f32 v10, v54;
	v7 =	vadd.f32 v7, v15;
	v6 =	vadd.f32 v6, v9  }
0x438: {  	v9 =	vmul.f32 v10, v49;
	v11 =	vadd.f32 v11, v13;
	v13 =	vmul.f32 v10, v38  }
0x439: {  	v52 =	vmovc v50;
	v15 =	vmul.f32 v1, v42;
	v10 =	vmul.f32 v10, v36;
	v6 =	vadd.f32 v6, v14  }
0x43a: {  	v7 =	vadd.f32 v7, v9;
	v9 =	vmul.f32 v1, v52;
	v11 =	vadd.f32 v11, v13  }
0x43b: {  	v13 =	vmul.f32 v1, v43;
	v1 =	vmul.f32 v1, v57;
	v6 =	vadd.f32 v6, v10;
	_ =	sdelay $0x1  }
0x43c: {  	v1 =	vadd.f32 v6, v1;
	v6 =	vld [tilespmem:$0x1F6A0];
	_ =	sdelay $0x1  }
0x43d: {  	s22 =	smul.f32 $1.562500000e-02, s14;
	_ =	sdelay $0x1  }
0x43e: {  	v8 =	vadd.f32 v8, v20;
	v7 =	vadd.f32 v7, v9;
	v9 =	vmov s22  }
0x43f: {  	v10 =	vadd.f32 v11, v13;
	v11 =	vsub.f32 v6, v9;
	v6 =	vld [tilespmem:$0x1F6B0]  }
0x440: {  	v8 =	vadd.f32 v8, v17;
	_ =	sdelay $0x1  }
0x441: {  	v8 =	vadd.f32 v8, v16;
	_ =	sdelay $0x1  }
0x442: {  	v8 =	vadd.f32 v8, v15;
	v38 =	vmax.f32 v10, $0.0e+00;
	v10 =	vsub.f32 v6, v9;
	v6 =	vld [tilespmem:$0x1F6C0];
	_ =	sdelay $0x1  }
0x443: {  	v37 =	vmov v41;
	v8 =	vmax.f32 v8, $0.0e+00;
	s10 =	spop (v2sf)  }
0x444: {  	v41 =	vmovc v42;
	v42 =	vmovc v57;
	v14 =	vsub.f32 v61, v9;
	[tilespmem:$0x1F810] =	vst v8;
	v57 =	vmax.f32 v7, $0.0e+00;
	v7 =	vmax.f32 v1, $0.0e+00;
	s8 =	smul.f32 $1.562500000e-02, s10  }
0x445: {  	v1 =	vadd.f32 v38, v8;
	v8 =	vadd.f32 v7, v57;
	[tilespmem:$0x1F6E0] =	vst v10;
	v10 =	vmul.f32 v10, v10  }
0x446: {  	v50 =	vmovc v60;
	v60 =	vmovc v63;
	[tilespmem:$0x1F6D0] =	vst v11;
	v13 =	vsub.f32 v6, v9;
	v9 =	vmul.f32 v11, v11;
	v11 =	vmov s8  }
0x447: {  	[tilespmem:$0x1F700] =	vst v14;
	v5 =	vsub.f32 v5, v11;
	v15 =	vsub.f32 v2, v11;
	v2 =	vmul.f32 v14, v14  }
0x448: {  	v14 =	vsub.f32 v4, v11;
	v63 =	vsub.f32 v0, v11;
	[tilespmem:$0x1F6F0] =	vst v13;
	v13 =	vmul.f32 v13, v13  }
0x449: {  	v0 =	vmul.f32 v5, v5;
	v4 =	vmul.f32 v15, v15  }
0x44a: {  	v1 =	vadd.f32 v8, v1;
	v8 =	vmul.f32 v14, v14;
	v11 =	vmul.f32 v63, v63  }
0x44b: {  	v9 =	vadd.f32 v10, v9;
	v2 =	vadd.f32 v2, v13  }
0x44c: {  	v0 =	vadd.f32 v4, v0;
	v4 =	vadd.f32 v11, v8  }
0x44d: {  	v8 =	vld [tilespmem:$0x1F710];
	v2 =	vadd.f32 v2, v9  }
0x44e: {  	v3 =	vmul.f32 v3, v44;
	(xrf2) =	vadd.scan.msk.f32 $0xffff, v1;
	v0 =	vadd.f32 v4, v0;
	v4 =	vld [tilespmem:$0x1F720]  }
0x44f: {  	(xrf2) =	vadd.scan.msk.f32 $0xffff, v2;
	v2 =	vld [tilespmem:$0x1F730]  }
0x450: {  	v3 =	vadd.f32 $1.500000000e+00, v3;
	(xrf2) =	vadd.scan.msk.f32 $0xffff, v0;
	v0 =	vld [tilespmem:$0x1F740]  }
0x451: {  	s11 =	sadd.s32 $0x4, s19;
	v6 =	vmul.f32 v12, v19  }
0x452: {  	v3 =	vmul.f32 v3, v44;
	s12 =	sadd.s32 $0x63, s11  }
0x453: {  	v6 =	vmul.f32 v6, v12;
	[tilespmem:$0x1F860] =	vst v5;
	v5 =	vmov s12  }
0x454: {  	[tilespmem:$0x1F820] =	vst v7;
	v7 =	vmul.f32 v3, v8;
	v4 =	vmul.f32 v3, v4  }
0x455: {  	[tilespmem:$0x1F870] =	vst v15;
	v2 =	vmul.f32 v3, v2;
	v0 =	vmul.f32 v3, v0;
	v3 =	vld [tilespmem:$0x1F750]  }
0x456: {  	[tilespmem:$0x1F880] =	vst v14;
	v6 =	vadd.f32 $1.500000000e+00, v6  }
0x457: {  	[tilespmem:$0x1F790] =	vst v7  }
0x458: {  	v1 =	vld.idx.msk [tilespmem:v5+s23+$0x0], $0xffff;
	[tilespmem:$0x1F7B0] =	vst v2;
	v2 =	vmul.f32 v6, v12;
	_ =	sdelay $0x1  }
0x459: {  	v3 =	vmul.f32 v2, v3;
	_ =	sdelay $0x1  }
0x45a: {  	[tilespmem:$0x1F7D0] =	vst v3;
	v3 =	vld [tilespmem:$0x1F760]  }
0x45b: {  	s9 =	smul.f32 $1.562500000e-02, s15;
	_ =	sdelay $0x1  }
0x45c: {  	s9 =	sadd.f32 $9.999999740e-06, s9;
	_ =	sdelay $0x1  }
0x45d: {  	v8 =	vmov s9;
	v6 =	vmul.u32 $0x6, v5;
	v3 =	vmul.f32 v2, v3  }
0x45e: {  	v44 =	vld [tilespmem:$0x1FF90];
	v10 =	vmul.f32 $-5.000000000e-01, v8;
	[tilespmem:$0x1F7A0] =	vst v4;
	v4 =	vshra.s32 v8, $0x1  }
0x45f: {  	s8 =	sadd.s32 $0x62, s11;
	v4 =	vsub.s32 $0x5F3759DF, v4;
	[tilespmem:$0x1F7E0] =	vst v3;
	v3 =	vadd.s32 $0x5, v6  }
0x460: {  	v9 =	vmov s8;
	[tilespmem:$0x1F7C0] =	vst v0;
	v0 =	vmul.f32 v4, v10  }
0x461: {  	v14 =	vadd.s32 $0x3, v6;
	v5 =	vshra.s32 v1, $0xC;
	v16 =	vshll.u32 v1, $0x6  }
0x462: {  	v0 =	vmul.f32 v4, v0;
	v15 =	vand.u32 $0xFFFFFFC0, v5;
	v5 =	vor.u32 v56, v16  }
0x463: {  	v32 =	vld [tilespmem:$0x1FFD0];
	v20 =	vand.u32 v44, v5;
	v5 =	vor.u32 v47, v16  }
0x464: {  	v0 =	vadd.f32 $1.500000000e+00, v0;
	v23 =	vand.u32 v51, v5;
	v5 =	vld.idx.msk [tilespmem:v3+s24+$0x0], $0xffff;
	v3 =	vor.u32 v30, v16  }
0x465: {  	v24, _, _ =	vpop (xrf2);
	v8 =	vld [tilespmem:$0x1F770];
	v1 =	vshrl.u32 v1, $0x3  }
0x466: {  	(v2sf) =	vpush v24, $0xF;
	v22 =	vand.u32 $0x7FC0, v1;
	v1 =	vmul.f32 v4, v0;
	v4, _, _ =	vpop (xrf2);
	v11 =	vld.idx.msk [tilespmem:v9+s23+$0x0], $0xffff  }
0x467: {  	v61 =	vmul.u32 $0x6, v9;
	(v2sf) =	vpush v4, $0xF;
	v9 =	vld.idx.msk [tilespmem:v14+s24+$0x0], $0xffff;
	v14 =	vand.u32 v53, v3;
	v3, _, _ =	vpop (xrf2)  }
0x468: {  	s8 =	simm.s32 $0x19E00;
	(v2sf) =	vpush v3, $0xF;
	v3 =	vld [tilespmem:$0x1F780]  }
0x469: {  	v18 =	vor.u32 v56, v15;
	v12 =	vld [tilespmem:s8+$0x0]  }
0x46a: {  	v13 =	vld [tilespmem:s8+$0x10]  }
0x46b: {  	v17 =	vld [tilespmem:s8+$0x20]  }
0x46c: {  	v8 =	vmul.f32 v2, v8;
	v0 =	vor.u32 v56, v22;
	v19 =	vld [tilespmem:s8+$0x30]  }
0x46d: {  	v10 =	vmul.f32 v1, v10;
	v21 =	vld.idx.msk [tilespmem:v6+s24+$0x0], $0xffff;
	v16 =	vor.u32 v31, v16;
	v2 =	vmul.f32 v2, v3  }
0x46e: {  	v18 =	vld.idx.msk [tilespmem:v18+s18+$0x0], $0xffff;
	v16 =	vand.u32 v32, v16  }
0x46f: {  	v10 =	vmul.f32 v10, v1;
	v20 =	vld.idx.msk [tilespmem:v20+s5+$0x0], $0xffff;
	[tilespmem:$0x1F7F0] =	vst v2  }
0x470: {  	v24 =	vadd.s32 $0x4, v6;
	v25 =	vadd.s32 $0x2, v6;
	v4 =	vor.u32 v47, v22;
	v23 =	vld.idx.msk [tilespmem:v23+s5+$0x0], $0xffff  }
0x471: {  	v27 =	vor.u32 v47, v15;
	v10 =	vadd.f32 $1.500000000e+00, v10;
	v2 =	vor.u32 v30, v22;
	v0 =	vld.idx.msk [tilespmem:v0+s17+$0x0], $0xffff  }
0x472: {  	v29 =	vor.u32 v30, v15;
	v15 =	vor.u32 v31, v15;
	v22 =	vor.u32 v31, v22;
	v14 =	vld.idx.msk [tilespmem:v14+s5+$0x0], $0xffff  }
0x473: {  	v6 =	vor.u32 $0x1, v6;
	v1 =	vmul.f32 v10, v1;
	v26 =	vshll.u32 v11, $0x6;
	v16 =	vld.idx.msk [tilespmem:v16+s5+$0x0], $0xffff  }
0x474: {  	v36 =	vld [tilespmem:$0x1FF60];
	v12 =	vadd.f32 v20, v12;
	v28 =	vor.u32 v56, v26;
	v20 =	vor.u32 v47, v26  }
0x475: {  	v28 =	vand.u32 v44, v28;
	v20 =	vand.u32 v51, v20;
	v3 =	vor.u32 $0x1, v61;
	v4 =	vld.idx.msk [tilespmem:v4+s17+$0x0], $0xffff  }
0x476: {  	v2 =	vld.idx.msk [tilespmem:v2+s17+$0x0], $0xffff;
	v13 =	vadd.f32 v23, v13;
	v23 =	vor.u32 v30, v26;
	v26 =	vor.u32 v31, v26  }
0x477: {  	v22 =	vld.idx.msk [tilespmem:v22+s17+$0x0], $0xffff;
	v14 =	vadd.f32 v14, v17;
	v17 =	vshrl.u32 v11, $0x3;
	v11 =	vshra.s32 v11, $0xC  }
0x478: {  	v27 =	vld.idx.msk [tilespmem:v27+s18+$0x0], $0xffff;
	v16 =	vadd.f32 v16, v19;
	v0 =	vadd.f32 v0, v12;
	v12 =	vmul.f32 v21, v33  }
0x479: {  	v6 =	vld.idx.msk [tilespmem:v6+s24+$0x0], $0xffff;
	v23 =	vand.u32 v53, v23;
	v26 =	vand.u32 v32, v26;
	v17 =	vand.u32 $0x7FC0, v17  }
0x47a: {  	v29 =	vld.idx.msk [tilespmem:v29+s18+$0x0], $0xffff;
	v11 =	vand.u32 $0xFFFFFFC0, v11;
	v19 =	vor.u32 v56, v17;
	v4 =	vadd.f32 v4, v13  }
0x47b: {  	v15 =	vld.idx.msk [tilespmem:v15+s18+$0x0], $0xffff;
	v13 =	vmul.f32 v21, v34;
	v0 =	vadd.f32 v18, v0;
	v18 =	vmul.f32 v5, v41  }
0x47c: {  	v25 =	vld.idx.msk [tilespmem:v25+s24+$0x0], $0xffff;
	v2 =	vadd.f32 v2, v14;
	v14 =	vmul.f32 v21, v35;
	v16 =	vadd.f32 v22, v16  }
0x47d: {  	v45 =	vmovc v43;
	s13 =	spop (v2sf);
	v22 =	vor.u32 v47, v17;
	v21 =	vmul.f32 v21, v40;
	v4 =	vadd.f32 v27, v4  }
0x47e: {  	v51 =	vmovc v41;
	s14 =	spop (v2sf);
	v41 =	vld [tilespmem:$0x1FF80];
	v27 =	vor.u32 v30, v17;
	v0 =	vadd.f32 v0, v12;
	v12 =	vmul.f32 v6, v36  }
0x47f: {  	s15 =	spop (v2sf);
	v17 =	vor.u32 v31, v17;
	v2 =	vadd.f32 v29, v2;
	v29 =	vmul.f32 v5, v45  }
0x480: {  	s11 =	smul.f32 $1.562500000e-02, s15;
	v15 =	vadd.f32 v15, v16;
	v16 =	vmul.f32 v9, v37;
	v4 =	vadd.f32 v4, v13  }
0x481: {  	v59 =	vmovc v58;
	v13 =	vmul.f32 v25, v62;
	v0 =	vadd.f32 v0, v12;
	v12 =	vmul.f32 v6, v46  }
0x482: {  	s11 =	sadd.f32 $9.999999740e-06, s11;
	v2 =	vadd.f32 v2, v14;
	v14 =	vmul.f32 v6, v59;
	v15 =	vadd.f32 v15, v21  }
0x483: {  	v7 =	vld [tilespmem:$0x1FDC0];
	v21 =	vmul.f32 v25, v41;
	v6 =	vmul.f32 v6, v39;
	v0 =	vadd.f32 v0, v13  }
0x484: {  	v28 =	vld.idx.msk [tilespmem:v28+s5+$0x0], $0xffff;
	v4 =	vadd.f32 v4, v14;
	v14 =	vmov s11;
	v2 =	vadd.f32 v2, v12  }
0x485: {  	v12 =	vld.idx.msk [tilespmem:v24+s24+$0x0], $0xffff;
	v24 =	vmul.f32 v25, v55;
	v6 =	vadd.f32 v15, v6;
	v25 =	vmul.f32 v25, v48  }
0x486: {  	v32 =	vld [tilespmem:$0x1FF30];
	v0 =	vadd.f32 v0, v16;
	v13 =	vshra.s32 v14, $0x1;
	v14 =	vmul.f32 $-5.000000000e-01, v14  }
0x487: {  	v53 =	vld [tilespmem:$0x1FDF0];
	v4 =	vadd.f32 v4, v21;
	v21 =	vmul.f32 v9, v50;
	v13 =	vsub.s32 $0x5F3759DF, v13  }
0x488: {  	v20 =	vld.idx.msk [tilespmem:v20+s5+$0x0], $0xffff;
	v16 =	vmul.f32 v9, v7;
	v2 =	vadd.f32 v2, v24;
	v24 =	vmul.f32 v13, v14  }
0x489: {  	v3 =	vld.idx.msk [tilespmem:v3+s24+$0x0], $0xffff;
	v6 =	vadd.f32 v6, v25;
	v9 =	vmul.f32 v9, v60;
	v4 =	vadd.f32 v4, v21  }
0x48a: {  	v23 =	vld.idx.msk [tilespmem:v23+s5+$0x0], $0xffff;
	v2 =	vadd.f32 v2, v16;
	v25 =	vmul.f32 v12, v54;
	v24 =	vmul.f32 v13, v24  }
0x48b: {  	v26 =	vld.idx.msk [tilespmem:v26+s5+$0x0], $0xffff;
	v6 =	vadd.f32 v6, v9;
	v21 =	vmul.f32 v12, v32;
	v16 =	vmul.f32 v12, v49  }
0x48c: {  	v19 =	vld.idx.msk [tilespmem:v19+s17+$0x0], $0xffff;
	v12 =	vmul.f32 v12, v53;
	v24 =	vadd.f32 $1.500000000e+00, v24;
	v0 =	vadd.f32 v0, v25  }
0x48d: {  	v9 =	vld [tilespmem:s8+$0xFFFFFFC0];
	v25 =	vmul.f32 v5, v52;
	v4 =	vadd.f32 v4, v21;
	v2 =	vadd.f32 v2, v16  }
0x48e: {  	v22 =	vld.idx.msk [tilespmem:v22+s17+$0x0], $0xffff;
	v16 =	vor.u32 v56, v11;
	v6 =	vadd.f32 v6, v12;
	v5 =	vmul.f32 v5, v42  }
0x48f: {  	v15 =	vld.idx.msk [tilespmem:v61+s24+$0x0], $0xffff;
	v13 =	vmul.f32 v13, v24;
	v0 =	vadd.f32 v0, v18;
	v18 =	vor.u32 v47, v11  }
0x490: {  	v21 =	vld [tilespmem:s8+$0xFFFFFFD0];
	v4 =	vadd.f32 v4, v29;
	v29 =	vor.u32 $0x2, v61;
	v2 =	vadd.f32 v2, v25  }
0x491: {  	v12 =	vld [tilespmem:s8+$0xFFFFFFF0];
	v25 =	vor.u32 v30, v11;
	v5 =	vadd.f32 v6, v5;
	v11 =	vor.u32 v31, v11  }
0x492: {  	v24 =	vld [tilespmem:s8+$0xFFFFFFE0];
	v9 =	vadd.f32 v28, v9;
	v14 =	vmul.f32 v13, v14;
	v44 =	vmax.f32 v0, $0.0e+00  }
0x493: {  	v58 =	vmovc v45;
	v43 =	vmovc v54;
	v6 =	vld.idx.msk [tilespmem:v17+s17+$0x0], $0xffff;
	v54 =	vmax.f32 v4, $0.0e+00;
	v45 =	vmax.f32 v2, $0.0e+00;
	v17 =	vmax.f32 v5, $0.0e+00  }
0x494: {  	v4 =	vld.idx.msk [tilespmem:v16+s18+$0x0], $0xffff;
	v2 =	vadd.f32 v54, v44;
	v10 =	vadd.f32 v17, v45;
	v0 =	vmul.f32 v14, v13  }
0x495: {  	v9 =	vadd.f32 v19, v9;
	v14 =	vadd.f32 v20, v21;
	v5 =	vld.idx.msk [tilespmem:v18+s18+$0x0], $0xffff  }
0x496: {  	v2 =	vadd.f32 v10, v2;
	v11 =	vld.idx.msk [tilespmem:v11+s18+$0x0], $0xffff;
	v0 =	vadd.f32 $1.500000000e+00, v0  }
0x497: {  	v27 =	vld.idx.msk [tilespmem:v27+s17+$0x0], $0xffff;
	v16 =	vadd.f32 v23, v24;
	v10 =	vadd.f32 v26, v12;
	v12 =	vor.u32 $0x3, v61  }
0x498: {  	(xrf2) =	vadd.scan.msk.f32 $0xffff, v2;
	v2 =	vld.idx.msk [tilespmem:v29+s24+$0x0], $0xffff;
	v47 =	vmul.f32 v0, v13;
	v13 =	vadd.f32 v22, v14  }
0x499: {  	v6 =	vadd.f32 v6, v10;
	v4 =	vadd.f32 v4, v9;
	v9 =	vmul.f32 v15, v33  }
0x49a: {  	v10 =	vadd.s32 $0x4, v61;
	v5 =	vadd.f32 v5, v13;
	v13 =	vmul.f32 v15, v34  }
0x49b: {  	v0 =	vld.idx.msk [tilespmem:v25+s18+$0x0], $0xffff;
	v4 =	vadd.f32 v4, v9;
	v9 =	vmul.f32 v3, v36;
	v6 =	vadd.f32 v11, v6  }
0x49c: {  	v12 =	vld.idx.msk [tilespmem:v12+s24+$0x0], $0xffff;
	v11 =	vmul.f32 v15, v40;
	v5 =	vadd.f32 v5, v13;
	v13 =	vmul.f32 v3, v59  }
0x49d: {  	v14 =	vadd.f32 v27, v16;
	v4 =	vadd.f32 v4, v9;
	v9 =	vmul.f32 v2, v62  }
0x49e: {  	v6 =	vadd.f32 v6, v11;
	v5 =	vadd.f32 v5, v13  }
0x49f: {  	v13 =	vmul.f32 v3, v46;
	v4 =	vadd.f32 v4, v9;
	v9 =	vld.idx.msk [tilespmem:v10+s24+$0x0], $0xffff;
	v3 =	vmul.f32 v3, v39  }
0x4a0: {  	v20 =	vld [tilespmem:$0x1FEA0];
	v0 =	vadd.f32 v0, v14;
	v10 =	vmul.f32 v2, v41  }
0x4a1: {  	v14 =	vmul.f32 v15, v35;
	v3 =	vadd.f32 v6, v3;
	v6 =	vmul.f32 v12, v7;
	v7 =	vld [tilespmem:$0x1F7B0]  }
0x4a2: {  	v11 =	vmul.f32 v12, v37;
	v5 =	vadd.f32 v5, v10;
	v10 =	vmul.f32 v12, v50  }
0x4a3: {  	v16 =	vadd.s32 $0x5, v61;
	v0 =	vadd.f32 v0, v14  }
0x4a4: {  	v4 =	vadd.f32 v4, v11;
	v5 =	vadd.f32 v5, v10;
	v10 =	vmul.f32 v9, v43  }
0x4a5: {  	v31 =	vld [tilespmem:$0x1FEB0];
	v0 =	vadd.f32 v0, v13  }
0x4a6: {  	v13 =	vmul.f32 v2, v55;
	v4 =	vadd.f32 v4, v10;
	v10 =	vmul.f32 v7, v20;
	v7 =	vld [tilespmem:$0x1F7C0]  }
0x4a7: {  	v2 =	vmul.f32 v2, v48  }
0x4a8: {  	v14 =	vld.idx.msk [tilespmem:v16+s24+$0x0], $0xffff;
	v0 =	vadd.f32 v0, v13  }
0x4a9: {  	v26 =	vld [tilespmem:$0x1FF00];
	v11 =	vmul.f32 v12, v60;
	v2 =	vadd.f32 v3, v2  }
0x4aa: {  	v22 =	vld [tilespmem:$0x1FEC0];
	v3 =	vmul.f32 v9, v49;
	v0 =	vadd.f32 v0, v6  }
0x4ab: {  	v6 =	vmul.f32 v9, v32;
	v2 =	vadd.f32 v2, v11;
	v11 =	vmul.f32 v7, v31;
	v7 =	vld [tilespmem:$0x1F7D0]  }
0x4ac: {  	v0 =	vadd.f32 v0, v3;
	v3 =	vld [tilespmem:$0x1F790]  }
0x4ad: {  	v23 =	vld [tilespmem:$0x1FED0];
	v5 =	vadd.f32 v5, v6;
	v6 =	vmul.f32 v14, v51  }
0x4ae: {  	v24 =	vld [tilespmem:$0x1FEE0];
	v9 =	vmul.f32 v9, v53  }
0x4af: {  	v36 =	vmov v35;
	v35 =	vld [tilespmem:$0x1FE90];
	v4 =	vadd.f32 v4, v6  }
0x4b0: {  	v2 =	vadd.f32 v2, v9;
	v12 =	vmul.f32 v7, v22;
	v7 =	vld [tilespmem:$0x1F7E0]  }
0x4b1: {  	v9 =	vmul.f32 v14, v58;
	v18 =	vmax.f32 v4, $0.0e+00;
	v4 =	vld [tilespmem:$0x1F810];
	v3 =	vmul.f32 v3, v22  }
0x4b2: {  	v8 =	vmul.f32 v8, v20;
	v6 =	vld [tilespmem:$0x1F7A0]  }
0x4b3: {  	s10 =	smul.f32 $1.562500000e-02, s13;
	v25 =	vld [tilespmem:$0x1FEF0];
	v13, _, _ =	vpop (xrf2);
	v5 =	vadd.f32 v5, v9;
	v9 =	vmul.f32 v14, v52;
	v3 =	vadd.f32 v3, v26  }
0x4b4: {  	s11 =	simm.s32 $0x1CC80;
	v16 =	vadd.f32 v8, v24;
	v8 =	vmul.f32 v14, v42;
	(v2sf) =	vpush v13, $0xF;
	v14 =	vld [tilespmem:$0x1F800]  }
0x4b5: {  	v0 =	vadd.f32 v0, v9;
	v9 =	vmov s10;
	v13 =	vmul.f32 v7, v35;
	v7 =	vld [tilespmem:$0x1F7F0];
	[tilespmem:s11+$0x30] =	vst v3  }
0x4b6: {  	v59 =	vsub.f32 v4, v9;
	v4 =	vld [tilespmem:$0x1F820]  }
0x4b7: {  	v10 =	vadd.f32 v10, v24;
	v2 =	vadd.f32 v2, v8;
	v6 =	vmul.f32 v6, v35  }
0x4b8: {  	v11 =	vadd.f32 v11, v25;
	v28 =	vsub.f32 v38, v9  }
0x4b9: {  	v37 =	vmax.f32 v5, $0.0e+00;
	v32 =	vsub.f32 v57, v9;
	v6 =	vadd.f32 v6, v23  }
0x4ba: {  	s9 =	smul.f32 $1.562500000e-02, s14;
	v38 =	vmax.f32 v2, $0.0e+00;
	v27 =	vmax.f32 v0, $0.0e+00;
	v0 =	vadd.f32 v37, v18  }
0x4bb: {  	v8 =	vmul.f32 v32, v32;
	v3 =	vadd.f32 v38, v27;
	[tilespmem:s11+$0x0] =	vst v6;
	v57 =	vsub.f32 v4, v9  }
0x4bc: {  	s9 =	sadd.f32 $9.999999740e-06, s9;
	v12 =	vadd.f32 v12, v26;
	v5 =	vmul.f32 v59, v59;
	v6 =	vmul.f32 v28, v28;
	[tilespmem:s11+$0x10] =	vst v10  }
0x4bd: {  	s10 =	simm.s32 $0x1CD00;
	[tilespmem:s11+$0x20] =	vst v11;
	v13 =	vadd.f32 v13, v23;
	v0 =	vadd.f32 v3, v0;
	v3 =	vmul.f32 v57, v57  }
0x4be: {  	[tilespmem:s10+$0x30] =	vst v12;
	v5 =	vadd.f32 v6, v5;
	v6 =	vmov s9  }
0x4bf: {  	[tilespmem:s10+$0x0] =	vst v13;
	v10 =	vadd.f32 v3, v8;
	v3 =	vshra.s32 v6, $0x1  }
0x4c0: {  	v9 =	vsub.s32 $0x5F3759DF, v3;
	v3 =	vld [tilespmem:$0x1F830];
	_ =	sdelay $0x3  }
0x4c1: {  	v2 =	vmul.f32 v47, v63  }
0x4c2: {  	v63 =	vmul.f32 $-5.000000000e-01, v6;
	v6 =	vmul.f32 v1, v3;
	v3 =	vld [tilespmem:$0x1F840]  }
0x4c3: {  	v15 =	vmul.f32 v7, v31  }
0x4c4: {  	v2 =	vmul.f32 v2, v22  }
0x4c5: {  	v4 =	vadd.f32 v15, v25  }
0x4c6: {  	v2 =	vadd.f32 v2, v26;
	[tilespmem:s10+$0x10] =	vst v16  }
0x4c7: {  	s9 =	simm.s32 $0x1CD80;
	v8 =	vmul.f32 v1, v3;
	v3 =	vld [tilespmem:$0x1F850];
	[tilespmem:s10+$0x20] =	vst v4  }
0x4c8: {  	v4 =	vadd.f32 v10, v5;
	v5 =	vld [tilespmem:$0x1F860];
	[tilespmem:s9+$0x30] =	vst v2  }
0x4c9: {  	v2 =	vld [tilespmem:$0x1F870];
	_ =	sdelay $0x3  }
0x4ca: {  	v14 =	vmul.f32 v1, v14;
	s22 =	spop (v2sf)  }
0x4cb: {  	s12 =	smul.f32 $1.562500000e-02, s22;
	v7 =	vmul.f32 v47, v5;
	v5 =	vmul.f32 v47, v2;
	v2 =	vld [tilespmem:$0x1F880];
	_ =	sdelay $0x1  }
0x4cc: {  	v60 =	vmul.f32 v14, v35;
	v10 =	vmov s12  }
0x4cd: {  	v34 =	vmovc v51;
	v21 =	vsub.f32 v44, v10;
	v3 =	vmul.f32 v1, v3;
	v1 =	vmul.f32 v9, v63  }
0x4ce: {  	(xrf2) =	vadd.scan.msk.f32 $0xffff, v0;
	v55 =	vmul.f32 v6, v20;
	v33 =	vsub.f32 v54, v10;
	v19 =	vsub.f32 v45, v10  }
0x4cf: {  	s12 =	simm.s32 $0x6;
	v15 =	vsub.f32 v17, v10;
	(xrf2) =	vadd.scan.msk.f32 $0xffff, v4;
	v62 =	vmul.f32 v9, v1;
	v56 =	vmul.f32 v47, v2  }
.LBB2_9:
0x4d0: {  	v4 =	vld [tilespmem:$0x1F700]  }
0x4d1: {  	v16 =	vld [tilespmem:$0x1F6D0]  }
0x4d2: {  	v41 =	vld [tilespmem:$0x1FFF0]  }
0x4d3: {  	[tilespmem:$0x1F5F0] =	vst v27;
	v27 =	vld [tilespmem:$0x1FD90]  }
0x4d4: {  	v29 =	vld [tilespmem:$0x1FDA0]  }
0x4d5: {  	v53 =	vld [tilespmem:$0x1FF20]  }
0x4d6: {  	v52 =	vld [tilespmem:$0x1FFE0]  }
0x4d7: {  	v54 =	vld [tilespmem:$0x1FFC0]  }
0x4d8: {  	v48 =	vld [tilespmem:$0x1FF30]  }
0x4d9: {  	[tilespmem:$0x1F660] =	vst v32;
	v32 =	vld [tilespmem:$0x1FDB0]  }
0x4da: {  	v44 =	vld [tilespmem:$0x1FF70]  }
0x4db: {  	v45 =	vld [tilespmem:$0x1FF80]  }
0x4dc: {  	s13 =	sadd.s32 s12, s19;
	v5 =	vmul.f32 v5, v20;
	v51 =	vld [tilespmem:$0x1FE40]  }
0x4dd: {  	v2 =	vadd.f32 $1.500000000e+00, v62;
	v46 =	vld [tilespmem:$0x1FF60];
	v0 =	vmul.f32 v21, v21;
	v1 =	vmul.f32 v33, v33;
	s14 =	sadd.s32 $0x62, s13;
	s13 =	sadd.s32 $0x63, s13  }
0x4de: {  	v49 =	vld [tilespmem:$0x1FF40];
	v13 =	vmul.f32 v19, v19;
	v11 =	vmov s14;
	v12 =	vmov s13;
	v6 =	vmovc v4  }
0x4df: {  	s8 =	sadd.s32 $0x80, s8;
	v50 =	vld [tilespmem:$0x1FE80];
	v2 =	vmul.f32 v9, v2;
	v10 =	vadd.f32 v60, v23;
	[tilespmem:$0x1F610] =	vst v6;
	v6 =	vmul.f32 v15, v15  }
0x4e0: {  	[tilespmem:$0x1F5C0] =	vst v15;
	v9 =	vmul.u32 $0x6, v11;
	v0 =	vadd.f32 v1, v0;
	v5 =	vadd.f32 v5, v24;
	v15 =	vld [tilespmem:s8+$0x30]  }
0x4e1: {  	v4 =	vmov v57;
	[tilespmem:s11+$0xFFFFFFC0] =	vst v10;
	v10 =	vadd.f32 v55, v24;
	v24 =	vld [tilespmem:$0x1FFA0];
	v1 =	vadd.f32 v6, v13  }
0x4e2: {  	[tilespmem:$0x1F640] =	vst v28;
	v40 =	vlaneseq.u32;
	v55 =	vld [tilespmem:$0x1FF10]  }
0x4e3: {  	v8 =	vmul.f32 v8, v31;
	v58 =	vor.u32 $0x1, v9;
	[tilespmem:s11+$0xFFFFFFD0] =	vst v10;
	v10 =	vld.idx.msk [tilespmem:v12+s23+$0x0], $0xffff;
	v0 =	vadd.f32 v1, v0  }
0x4e4: {  	v62 =	vor.u32 $0x2, v9;
	v61 =	vor.u32 $0x3, v9;
	[tilespmem:$0x1F700] =	vst v4;
	v4, _, _ =	vpop (xrf2);
	v6 =	vmul.f32 v2, v63;
	v13 =	vld [tilespmem:s8+$0x10]  }
0x4e5: {  	v63 =	vld [tilespmem:$0x1FE00];
	(v2sf) =	vpush v4, $0xF;
	v4 =	vmul.u32 $0x6, v12;
	v1 =	vadd.s32 $0x5, v9;
	(xrf2) =	vadd.scan.msk.f32 $0xffff, v0  }
0x4e6: {  	v60 =	vadd.s32 $0x4, v9;
	v57 =	vld.idx.msk [tilespmem:v9+s24+$0x0], $0xffff;
	v9 =	vmul.f32 v56, v31;
	[tilespmem:$0x1F5B0] =	vst v1;
	v1 =	vmul.f32 v3, v22  }
0x4e7: {  	[tilespmem:$0x1F5D0] =	vst v18;
	v8 =	vadd.f32 v8, v25;
	v31 =	vld [tilespmem:$0x1FFC0];
	v0 =	vmul.f32 v6, v2;
	v6 =	vmul.f32 v7, v35;
	v7, _, _ =	vpop (xrf2)  }
0x4e8: {  	[tilespmem:$0x1F620] =	vst v21;
	v3 =	vld.idx.msk [tilespmem:v11+s23+$0x0], $0xffff;
	(v2sf) =	vpush v7, $0xF;
	v7 =	vadd.s32 $0x5, v4;
	v17 =	vadd.f32 v1, v26  }
0x4e9: {  	v11 =	vld [tilespmem:s8+$0x0];
	v12 =	vadd.s32 $0x4, v4;
	[tilespmem:s11+$0xFFFFFFE0] =	vst v8;
	v8 =	vshra.s32 v10, $0xC;
	v0 =	vadd.f32 $1.500000000e+00, v0  }
0x4ea: {  	v14 =	vadd.s32 $0x2, v4;
	v6 =	vadd.f32 v6, v23;
	v8 =	vand.u32 $0xFFFFFFC0, v8;
	v23 =	vld [tilespmem:$0x1FF90];
	[tilespmem:s11+$0xFFFFFFF0] =	vst v17;
	v1 =	vmovc v59  }
0x4eb: {  	v17 =	vld.idx.msk [tilespmem:v4+s24+$0x0], $0xffff;
	v18 =	vor.u32 v40, v8;
	v56 =	vmul.f32 v0, v2;
	[tilespmem:$0x1F6D0] =	vst v1  }
0x4ec: {  	v9 =	vadd.f32 v9, v25;
	v2 =	vld [tilespmem:s8+$0x20];
	[tilespmem:s9+$0x0] =	vst v6  }
0x4ed: {  	v28 =	vor.u32 v30, v8;
	v1 =	vshrl.u32 v10, $0x3;
	v16 =	vmul.f32 v56, v16;
	v59 =	vld.idx.msk [tilespmem:v7+s24+$0x0], $0xffff;
	[tilespmem:s9+$0x10] =	vst v5  }
0x4ee: {  	v0 =	vadd.s32 $0x3, v4;
	v4 =	vor.u32 $0x1, v4;
	v20 =	vand.u32 $0x7FC0, v1;
	v1 =	vld.idx.msk [tilespmem:v12+s24+$0x0], $0xffff;
	[tilespmem:s9+$0x20] =	vst v9  }
0x4ef: {  	v10 =	vshll.u32 v10, $0x6;
	v22 =	vor.u32 v41, v20;
	[tilespmem:$0x1F670] =	vst v16;
	v16 =	vshll.u32 v3, $0x6;
	v7 =	vld.idx.msk [tilespmem:v14+s24+$0x0], $0xffff;
	v21, _, _ =	vpop (xrf2)  }
0x4f0: {  	[tilespmem:$0x1F650] =	vst v19;
	v18 =	vld.idx.msk [tilespmem:v18+s18+$0x0], $0xffff;
	v19 =	vor.u32 v41, v16;
	(v2sf) =	vpush v21, $0xF;
	v21 =	vor.u32 v41, v10  }
0x4f1: {  	v19 =	vand.u32 v24, v19;
	v21 =	vand.u32 v24, v21;
	v24 =	vld [tilespmem:$0x1FFB0]  }
0x4f2: {  	v25 =	vor.u32 v30, v20;
	v28 =	vld.idx.msk [tilespmem:v28+s18+$0x0], $0xffff  }
0x4f3: {  	v12 =	vor.u32 v41, v8;
	v14 =	vor.u32 v40, v10;
	v5 =	vld.idx.msk [tilespmem:v0+s24+$0x0], $0xffff  }
0x4f4: {  	v8 =	vor.u32 v31, v8;
	v6 =	vor.u32 v40, v16;
	v4 =	vld.idx.msk [tilespmem:v4+s24+$0x0], $0xffff;
	v14 =	vand.u32 v23, v14  }
0x4f5: {  	v9 =	vor.u32 v30, v16;
	v6 =	vand.u32 v23, v6;
	v23 =	vor.u32 v30, v10;
	v22 =	vld.idx.msk [tilespmem:v22+s17+$0x0], $0xffff  }
0x4f6: {  	v0 =	vor.u32 v40, v20;
	v23 =	vand.u32 v24, v23;
	v9 =	vand.u32 v24, v9;
	v24 =	vld [tilespmem:$0x1FFD0]  }
0x4f7: {  	v25 =	vld.idx.msk [tilespmem:v25+s17+$0x0], $0xffff  }
0x4f8: {  	v12 =	vld.idx.msk [tilespmem:v12+s18+$0x0], $0xffff  }
0x4f9: {  	v20 =	vor.u32 v31, v20;
	v14 =	vld.idx.msk [tilespmem:v14+s5+$0x0], $0xffff  }
0x4fa: {  	v10 =	vor.u32 v31, v10;
	v8 =	vld.idx.msk [tilespmem:v8+s18+$0x0], $0xffff  }
0x4fb: {  	v0 =	vld.idx.msk [tilespmem:v0+s17+$0x0], $0xffff;
	v10 =	vand.u32 v24, v10  }
0x4fc: {  	v21 =	vld.idx.msk [tilespmem:v21+s5+$0x0], $0xffff  }
0x4fd: {  	v23 =	vld.idx.msk [tilespmem:v23+s5+$0x0], $0xffff  }
0x4fe: {  	v27 =	vmul.f32 v17, v27;
	v20 =	vld.idx.msk [tilespmem:v20+s17+$0x0], $0xffff;
	v11 =	vadd.f32 v14, v11  }
0x4ff: {  	v29 =	vmul.f32 v17, v29;
	v16 =	vor.u32 v31, v16;
	v30 =	vmul.f32 v17, v36;
	v6 =	vld.idx.msk [tilespmem:v6+s5+$0x0], $0xffff  }
0x500: {  	v17 =	vmul.f32 v17, v53;
	v47 =	vmul.f32 v59, v34;
	v0 =	vadd.f32 v0, v11;
	v10 =	vld.idx.msk [tilespmem:v10+s5+$0x0], $0xffff  }
0x501: {  	v19 =	vld.idx.msk [tilespmem:v19+s5+$0x0], $0xffff;
	v16 =	vand.u32 v24, v16;
	v24 =	vshrl.u32 v3, $0x3;
	v13 =	vadd.f32 v21, v13  }
0x502: {  	v42 =	vmul.f32 v7, v44;
	v9 =	vld.idx.msk [tilespmem:v9+s5+$0x0], $0xffff;
	v24 =	vand.u32 $0x7FC0, v24;
	v2 =	vadd.f32 v23, v2  }
0x503: {  	v0 =	vadd.f32 v18, v0;
	v18 =	vld [tilespmem:s8+$0xFFFFFFD0];
	v26 =	vor.u32 v40, v24;
	v13 =	vadd.f32 v22, v13  }
0x504: {  	[tilespmem:$0x1F630] =	vst v33;
	v31 =	vor.u32 v41, v24;
	v33 =	vor.u32 v52, v24;
	v52 =	vld [tilespmem:$0x1FF50];
	v2 =	vadd.f32 v25, v2  }
0x505: {  	v24 =	vor.u32 v54, v24;
	v54 =	vld [tilespmem:$0x1FDC0];
	v12 =	vadd.f32 v12, v13;
	v10 =	vadd.f32 v10, v15  }
0x506: {  	v11 =	vmul.f32 v4, v46;
	v0 =	vadd.f32 v0, v27;
	v2 =	vadd.f32 v28, v2;
	v28 =	vld [tilespmem:$0x1FE60]  }
0x507: {  	v3 =	vshra.s32 v3, $0xC;
	v12 =	vadd.f32 v12, v29;
	v29 =	vld [tilespmem:$0x1FE30];
	v10 =	vadd.f32 v20, v10  }
0x508: {  	s14 =	spop (v2sf);
	v14 =	vmul.f32 v7, v45;
	v3 =	vand.u32 $0xFFFFFFC0, v3;
	v15 =	vld.idx.msk [tilespmem:v16+s5+$0x0], $0xffff;
	v16 =	vmul.f32 v4, v49  }
0x509: {  	[tilespmem:$0x1F600] =	vst v38;
	s13 =	smul.f32 $1.562500000e-02, s14;
	s15 =	spop (v2sf);
	v38 =	vor.u32 v40, v3;
	v23 =	vld [tilespmem:s8+$0xFFFFFFF0];
	v0 =	vadd.f32 v0, v11;
	v8 =	vadd.f32 v8, v10  }
0x50a: {  	s14 =	smul.f32 $1.562500000e-02, s15;
	v41 =	vor.u32 v41, v3;
	s15 =	spop (v2sf);
	v13 =	vmul.f32 v4, v50;
	v26 =	vld.idx.msk [tilespmem:v26+s17+$0x0], $0xffff;
	v12 =	vadd.f32 v12, v16  }
0x50b: {  	s15 =	smul.f32 $1.562500000e-02, s15;
	v0 =	vadd.f32 v0, v42;
	v42 =	vld [tilespmem:$0x1FDD0];
	v4 =	vmul.f32 v4, v28;
	v8 =	vadd.f32 v8, v17  }
0x50c: {  	v40 =	vmul.f32 v5, v32;
	v2 =	vadd.f32 v2, v30;
	v30 =	vld [tilespmem:$0x1FFE0];
	v12 =	vadd.f32 v12, v14  }
0x50d: {  	v21 =	vmul.f32 v7, v51;
	s15 =	sadd.f32 $9.999999740e-06, s15;
	v7 =	vmul.f32 v7, v29;
	v20 =	vld [tilespmem:s8+$0xFFFFFFC0];
	v4 =	vadd.f32 v8, v4  }
0x50e: {  	v34 =	vmul.f32 v59, v55;
	v36 =	vmul.f32 v1, v43;
	v12 =	vadd.f32 v12, v40;
	v40 =	vld [tilespmem:$0x1FDF0]  }
0x50f: {  	[tilespmem:$0x1F5E0] =	vst v37;
	v37 =	vmul.f32 v1, v48;
	v22 =	vmov s15;
	v4 =	vadd.f32 v4, v7;
	v7 =	vld.idx.msk [tilespmem:v41+s18+$0x0], $0xffff  }
0x510: {  	v25 =	vshra.s32 v22, $0x1;
	v22 =	vmul.f32 $-5.000000000e-01, v22;
	v2 =	vadd.f32 v2, v13;
	v41 =	vld [tilespmem:$0x1FDE0]  }
0x511: {  	v39 =	vmul.f32 v5, v52;
	v43 =	vmul.f32 v5, v54;
	v11 =	vsub.s32 $0x5F3759DF, v25;
	v16 =	vld.idx.msk [tilespmem:v33+s17+$0x0], $0xffff  }
0x512: {  	v13 =	vmul.f32 v11, v22;
	v2 =	vadd.f32 v2, v21;
	v12 =	vadd.f32 v12, v37;
	v37 =	vld [tilespmem:$0x1FE10]  }
0x513: {  	v35 =	vmul.f32 v59, v63;
	v33 =	vld [tilespmem:$0x1FD90];
	v5 =	vmul.f32 v5, v42  }
0x514: {  	v0 =	vadd.f32 v0, v39;
	v10 =	vld [tilespmem:s8+$0xFFFFFFE0];
	v13 =	vmul.f32 v11, v13;
	v2 =	vadd.f32 v2, v43  }
0x515: {  	v14 =	vld.idx.msk [tilespmem:v38+s18+$0x0], $0xffff;
	v4 =	vadd.f32 v4, v5;
	v21 =	vmul.f32 v1, v41;
	v1 =	vmul.f32 v1, v40  }
0x516: {  	v0 =	vadd.f32 v0, v36;
	v17 =	vld.idx.msk [tilespmem:v31+s17+$0x0], $0xffff;
	v27 =	vor.u32 v30, v3;
	v13 =	vadd.f32 $1.500000000e+00, v13  }
0x517: {  	v31 =	vld [tilespmem:$0x1FFC0];
	v2 =	vadd.f32 v2, v21;
	v1 =	vadd.f32 v4, v1;
	v4 =	vmul.f32 v59, v37  }
0x518: {  	v0 =	vadd.f32 v0, v47;
	v8 =	vld.idx.msk [tilespmem:v24+s17+$0x0], $0xffff;
	v11 =	vmul.f32 v11, v13;
	v12 =	vadd.f32 v12, v34  }
0x519: {  	v24 =	vld.idx.msk [tilespmem:v58+s24+$0x0], $0xffff;
	v2 =	vadd.f32 v2, v35;
	v4 =	vadd.f32 v1, v4  }
0x51a: {  	v13 =	vld.idx.msk [tilespmem:v61+s24+$0x0], $0xffff;
	v9 =	vadd.f32 v9, v10;
	v22 =	vmul.f32 v11, v22;
	v61 =	vmax.f32 v12, $0.0e+00  }
0x51b: {  	v21 =	vld.idx.msk [tilespmem:v60+s24+$0x0], $0xffff;
	v60 =	vmax.f32 v0, $0.0e+00;
	v1 =	vmax.f32 v2, $0.0e+00;
	v58 =	vmax.f32 v4, $0.0e+00  }
0x51c: {  	v3 =	vor.u32 v31, v3;
	v10 =	vld.idx.msk [tilespmem:v27+s18+$0x0], $0xffff;
	v2 =	vadd.f32 v61, v60;
	v4 =	vadd.f32 v58, v1  }
0x51d: {  	v38 =	vld [tilespmem:$0x1FE20]  }
0x51e: {  	v5 =	vld.idx.msk [tilespmem:v62+s24+$0x0], $0xffff;
	v0 =	vmul.f32 v22, v11;
	v2 =	vadd.f32 v4, v2  }
0x51f: {  	v34 =	vld [tilespmem:$0x1FDA0];
	v9 =	vadd.f32 v16, v9  }
0x520: {  	v6 =	vadd.f32 v6, v20;
	v0 =	vadd.f32 $1.500000000e+00, v0;
	(xrf2) =	vadd.scan.msk.f32 $0xffff, v2;
	v2 =	vld [tilespmem:$0x1F5C0]  }
0x521: {  	v18 =	vadd.f32 v19, v18;
	v12 =	vmul.f32 v57, v33;
	v3 =	vld.idx.msk [tilespmem:v3+s18+$0x0], $0xffff;
	v9 =	vadd.f32 v10, v9  }
0x522: {  	v22 =	vld [tilespmem:$0x1FEC0];
	v47 =	vmul.f32 v0, v11;
	v0 =	vadd.f32 v26, v6;
	v6 =	vadd.f32 v15, v23  }
0x523: {  	v25 =	vld [tilespmem:$0x1F5B0];
	v10 =	vmul.f32 v24, v50;
	v11 =	vadd.f32 v17, v18;
	v15 =	vmul.f32 v5, v45  }
0x524: {  	v26 =	vld [tilespmem:$0x1FF00];
	v0 =	vadd.f32 v14, v0;
	v14 =	vmul.f32 v57, v38;
	v6 =	vadd.f32 v8, v6  }
0x525: {  	v7 =	vadd.f32 v7, v11;
	v8 =	vmul.f32 v57, v53;
	v2 =	vmul.f32 v47, v2  }
0x526: {  	v11 =	vmul.f32 v24, v46;
	v4 =	vmul.f32 v57, v34;
	v3 =	vadd.f32 v3, v6  }
0x527: {  	v0 =	vadd.f32 v0, v12;
	v9 =	vadd.f32 v9, v14;
	v2 =	vmul.f32 v2, v22  }
0x528: {  	v4 =	vadd.f32 v7, v4;
	v7 =	vmul.f32 v24, v28;
	v3 =	vadd.f32 v3, v8  }
0x529: {  	v43 =	vld [tilespmem:$0x1FE50];
	v12 =	vmul.f32 v24, v49;
	v0 =	vadd.f32 v0, v11;
	v2 =	vadd.f32 v2, v26  }
0x52a: {  	s11 =	smov.u32 s10;
	s10 =	smov.u32 s9;
	s9 =	sadd.s32 $0x80, s9;
	v11 =	vmul.f32 v5, v44;
	v6 =	vadd.f32 v9, v10;
	v3 =	vadd.f32 v3, v7  }
0x52b: {  	v36 =	vld [tilespmem:$0x1FE70];
	[tilespmem:s9+$0x30] =	vst v2;
	v2 =	vadd.f32 v4, v12;
	v4 =	vmul.f32 v5, v51;
	v5 =	vmul.f32 v5, v29  }
0x52c: {  	v25 =	vld.idx.msk [tilespmem:v25+s24+$0x0], $0xffff;
	v9 =	vmul.f32 v13, v52;
	v0 =	vadd.f32 v0, v11;
	v7 =	vmul.f32 v13, v42  }
0x52d: {  	v4 =	vadd.f32 v6, v4;
	v6 =	vmul.f32 v13, v54;
	v3 =	vadd.f32 v3, v5  }
0x52e: {  	v0 =	vadd.f32 v0, v9;
	v9 =	vmul.f32 v21, v43  }
0x52f: {  	v4 =	vadd.f32 v4, v6;
	v6 =	vmul.f32 v21, v40;
	v3 =	vadd.f32 v3, v7  }
0x530: {  	v8 =	vmul.f32 v13, v32;
	v0 =	vadd.f32 v0, v9;
	v2 =	vadd.f32 v2, v15  }
0x531: {  	v59 =	vmovc v36;
	v5 =	vmul.f32 v21, v41;
	v3 =	vadd.f32 v3, v6;
	v6 =	vmul.f32 v25, v37  }
0x532: {  	v9 =	vmul.f32 v25, v59;
	v2 =	vadd.f32 v2, v8;
	v8 =	vmul.f32 v21, v48  }
0x533: {  	v4 =	vadd.f32 v4, v5;
	v5 =	vmul.f32 v25, v63;
	v3 =	vadd.f32 v3, v6;
	v6 =	vld [tilespmem:$0x1F5D0]  }
0x534: {  	v7 =	vmul.f32 v25, v55;
	v2 =	vadd.f32 v2, v8  }
0x535: {  	v0 =	vadd.f32 v0, v9;
	v4 =	vadd.f32 v4, v5  }
0x536: {  	v2 =	vadd.f32 v2, v7;
	v7 =	vld [tilespmem:$0x1F600]  }
0x537: {  	v18 =	vmax.f32 v0, $0.0e+00;
	v5 =	vmov s13;
	v0 =	vmax.f32 v4, $0.0e+00;
	v4 =	vld [tilespmem:$0x1F5E0]  }
0x538: {  	v34 =	vmov v59;
	v59 =	vsub.f32 v6, v5;
	v6 =	vld [tilespmem:$0x1F5F0];
	_ =	sdelay $0x1  }
0x539: {  	v37 =	vmax.f32 v2, $0.0e+00;
	v2 =	vmax.f32 v3, $0.0e+00;
	v27 =	vmov v0  }
0x53a: {  	v3 =	vadd.f32 v37, v18;
	v0 =	vadd.f32 v2, v27  }
0x53b: {  	v10, _, _ =	vpop (xrf2);
	v57 =	vsub.f32 v7, v5;
	v4 =	vsub.f32 v4, v5  }
0x53c: {  	v36 =	vmov v38;
	(v2sf) =	vpush v10, $0xF;
	v6 =	vsub.f32 v6, v5  }
0x53d: {  	v38 =	vmovc v2;
	v0 =	vadd.f32 v0, v3;
	v3 =	vmul.f32 v57, v57;
	v2 =	vmul.f32 v4, v4  }
0x53e: {  	v5 =	vmul.f32 v59, v59;
	v7 =	vmul.f32 v6, v6;
	_ =	sdelay $0x1  }
0x53f: {  	(xrf2) =	vadd.scan.msk.f32 $0xffff, v0;
	v2 =	vadd.f32 v2, v5;
	v0 =	vadd.f32 v3, v7  }
0x540: {  	v3 =	vld [tilespmem:$0x1F6E0]  }
0x541: {  	s14 =	sadd.f32 $9.999999740e-06, s14;
	v0 =	vadd.f32 v0, v2;
	v2 =	vld [tilespmem:$0x1F620];
	_ =	sdelay $0x1  }
0x542: {  	v20 =	vld [tilespmem:$0x1FEA0];
	v8 =	vmov s14  }
0x543: {  	v12 =	vld [tilespmem:$0x1F640];
	v9 =	vshra.s32 v8, $0x1;
	v63 =	vmul.f32 $-5.000000000e-01, v8  }
0x544: {  	v9 =	vsub.s32 $0x5F3759DF, v9;
	v10 =	vmul.f32 v56, v3;
	v3 =	vld [tilespmem:$0x1F6F0]  }
0x545: {  	v11 =	vmul.f32 v9, v63;
	v7 =	vmul.f32 v47, v2;
	v2 =	vld [tilespmem:$0x1F630]  }
0x546: {  	v35 =	vld [tilespmem:$0x1FE90]  }
0x547: {  	v62 =	vmul.f32 v9, v11;
	v11 =	vld [tilespmem:$0x1F660]  }
0x548: {  	(xrf2) =	vadd.scan.msk.f32 $0xffff, v0;
	v0 =	vld [tilespmem:$0x1F670]  }
0x549: {  	s12 =	sadd.s32 $0x2, s12;
	s22 =	spop (v2sf);
	v8 =	vmul.f32 v56, v3;
	v3 =	vld [tilespmem:$0x1F610]  }
0x54a: {  	p0 =	slt.u32 s12, $0x5E;
	s13 =	smul.f32 $1.562500000e-02, s22;
	v5 =	vmul.f32 v47, v2;
	v2 =	vmov v12;
	v12 =	vld [tilespmem:$0x1F650]  }
.Ltmp4:
0x54b: {  	_ = 	snop;
	(pc) =	sbr.rel @p0 .LBB2_9-.Ltmp4, $4  }
0x54c: {  	v31 =	vld [tilespmem:$0x1FEB0];
	[tilespmem:$0x1F6E0] =	vst v2;
	v2 =	vmov s13  }
0x54d: {  	v23 =	vld [tilespmem:$0x1FED0];
	v28 =	vmovc v4;
	v4 =	vmov v11;
	v55 =	vmul.f32 v10, v20;
	v21 =	vsub.f32 v60, v2  }
0x54e: {  	v24 =	vld [tilespmem:$0x1FEE0];
	v32 =	vmovc v6;
	v33 =	vsub.f32 v61, v2;
	v60 =	vmul.f32 v0, v35;
	v19 =	vsub.f32 v1, v2  }
0x54f: {  	v25 =	vld [tilespmem:$0x1FEF0];
	[tilespmem:$0x1F6F0] =	vst v4;
	v15 =	vsub.f32 v58, v2;
	v3 =	vmul.f32 v56, v3;
	v56 =	vmul.f32 v47, v12  }
0x550: {  	v0, _, _ =	vpop (xrf2)  }
0x551: {  	(v2sf) =	vpush v0, $0xF;
	_ =	sdelay $0x3  }
0x552: {  	v1 =	vmul.f32 v33, v33;
	v2 =	vmul.f32 v19, v19  }
0x553: {  	v0 =	vmul.f32 v21, v21;
	v4 =	vmul.f32 v15, v15;
	_ =	sdelay $0x1  }
0x554: {  	v0 =	vadd.f32 v1, v0;
	v1 =	vadd.f32 v4, v2;
	_ =	sdelay $0x1  }
0x555: {  	v0 =	vadd.f32 v1, v0;
	_ =	sdelay $0x1  }
0x556: {  	(xrf2) =	vadd.scan.msk.f32 $0xffff, v0;
	_ =	sdelay $0x3  }
0x557: {  	s8 =	spop (v2sf)  }
0x558: {  	s8 =	smul.f32 $1.562500000e-02, s8;
	_ =	sdelay $0x1  }
0x559: {  	v0 =	vmov s8  }
0x55a: {  	v2 =	vsub.f32 v18, v0;
	v51 =	vsub.f32 v37, v0  }
0x55b: {  	v4, _, _ =	vpop (xrf2);
	v49 =	vsub.f32 v27, v0;
	v1 =	vsub.f32 v38, v0  }
0x55c: {  	(v2sf) =	vpush v4, $0xF;
	v0, _, _ =	vpop (xrf2);
	v4 =	vmul.f32 v2, v2;
	v6 =	vmul.f32 v51, v51  }
0x55d: {  	v10 =	vmul.f32 v1, v1;
	(v2sf) =	vpush v0, $0xF;
	v0 =	vmul.f32 v49, v49;
	_ =	sdelay $0x1  }
0x55e: {  	v4 =	vadd.f32 v6, v4;
	v0 =	vadd.f32 v10, v0;
	_ =	sdelay $0x1  }
0x55f: {  	v0 =	vadd.f32 v0, v4;
	_ =	sdelay $0x1  }
0x560: {  	(xrf2) =	vadd.scan.msk.f32 $0xffff, v0;
	_ =	sdelay $0x7  }
0x561: {  	s13 =	spop (v2sf)  }
0x562: {  	s12 =	spop (v2sf)  }
0x563: {  	s12 =	smul.f32 $1.562500000e-02, s12;
	v0, _, _ =	vpop (xrf2)  }
0x564: {  	(v2sf) =	vpush v0, $0xF  }
0x565: {  	s12 =	sadd.f32 $9.999999740e-06, s12;
	_ =	sdelay $0x1  }
0x566: {  	v0 =	vmov s12  }
0x567: {  	v4 =	vshra.s32 v0, $0x1;
	v0 =	vmul.f32 $-5.000000000e-01, v0  }
0x568: {  	v4 =	vsub.s32 $0x5F3759DF, v4  }
0x569: {  	v6 =	vmul.f32 v4, v0;
	_ =	sdelay $0x1  }
0x56a: {  	v6 =	vmul.f32 v4, v6  }
0x56b: {  	v10 =	vadd.f32 $1.500000000e+00, v62;
	s8 =	smul.f32 $1.562500000e-02, s13  }
0x56c: {  	v6 =	vadd.f32 $1.500000000e+00, v6  }
0x56d: {  	v9 =	vmul.f32 v9, v10;
	s8 =	sadd.f32 $9.999999740e-06, s8  }
0x56e: {  	v4 =	vmul.f32 v4, v6  }
0x56f: {  	v10 =	vmov s8;
	v6 =	vmul.f32 v9, v63  }
0x570: {  	v11 =	vshra.s32 v10, $0x1;
	v10 =	vmul.f32 $-5.000000000e-01, v10;
	v0 =	vmul.f32 v4, v0  }
0x571: {  	v11 =	vsub.s32 $0x5F3759DF, v11;
	v6 =	vmul.f32 v6, v9;
	s14 =	spop (v2sf)  }
0x572: {  	v13 =	vadd.f32 v60, v23;
	v12 =	vmul.f32 v11, v10;
	v0 =	vmul.f32 v0, v4;
	s8 =	smul.f32 $1.562500000e-02, s14  }
0x573: {  	v7 =	vmul.f32 v7, v35;
	v5 =	vmul.f32 v5, v20;
	v17 =	vld [tilespmem:$0x1F6D0];
	v6 =	vadd.f32 $1.500000000e+00, v6  }
0x574: {  	v8 =	vmul.f32 v8, v31;
	v18 =	vld [tilespmem:$0x1F6E0];
	[tilespmem:s11+$0xFFFFFFC0] =	vst v13;
	v12 =	vmul.f32 v11, v12;
	v0 =	vadd.f32 $1.500000000e+00, v0;
	s8 =	sadd.f32 $9.999999740e-06, s8  }
0x575: {  	v3 =	vmul.f32 v3, v22;
	v13 =	vld [tilespmem:$0x1F6F0];
	v6 =	vmul.f32 v6, v9  }
0x576: {  	v27 =	vld [tilespmem:$0x1F700];
	v9 =	vadd.f32 $1.500000000e+00, v12;
	v0 =	vmul.f32 v0, v4;
	v4 =	vmov s8  }
0x577: {  	v14 =	vmul.f32 v56, v31;
	v12 =	vshra.s32 v4, $0x1;
	v4 =	vmul.f32 $-5.000000000e-01, v4  }
0x578: {  	v9 =	vmul.f32 v11, v9;
	v17 =	vmul.f32 v6, v17;
	v12 =	vsub.s32 $0x5F3759DF, v12  }
0x579: {  	v16 =	vadd.f32 v55, v24;
	v18 =	vmul.f32 v6, v18;
	v11 =	vmul.f32 v12, v4  }
0x57a: {  	v3 =	vadd.f32 v3, v26;
	v13 =	vmul.f32 v6, v13;
	v10 =	vmul.f32 v9, v10  }
0x57b: {  	v8 =	vadd.f32 v8, v25;
	[tilespmem:s11+$0xFFFFFFD0] =	vst v16;
	v6 =	vmul.f32 v6, v27;
	v11 =	vmul.f32 v12, v11  }
0x57c: {  	v5 =	vadd.f32 v5, v24;
	[tilespmem:s11+$0xFFFFFFF0] =	vst v3;
	v15 =	vmul.f32 v0, v15;
	v3 =	vmul.f32 v10, v9  }
0x57d: {  	[tilespmem:s11+$0xFFFFFFE0] =	vst v8;
	v16 =	vmul.f32 v0, v21;
	v8 =	vmul.f32 v0, v33;
	v11 =	vadd.f32 $1.500000000e+00, v11  }
0x57e: {  	[tilespmem:s9+$0x10] =	vst v5;
	v0 =	vmul.f32 v0, v19;
	v5 =	vmul.f32 v13, v31;
	v3 =	vadd.f32 $1.500000000e+00, v3  }
0x57f: {  	v7 =	vadd.f32 v7, v23;
	v15 =	vmul.f32 v15, v22;
	v10 =	vmul.f32 v12, v11  }
0x580: {  	v6 =	vmul.f32 v6, v22;
	v5 =	vadd.f32 v5, v25;
	v3 =	vmul.f32 v3, v9  }
0x581: {  	[tilespmem:s9+$0x0] =	vst v7;
	v7 =	vadd.f32 v15, v26;
	v12 =	vmul.f32 v18, v20;
	v4 =	vmul.f32 v10, v4  }
0x582: {  	s15 =	sadd.s32 $0x80, s9;
	v14 =	vadd.f32 v14, v25;
	v8 =	vmul.f32 v8, v20;
	[tilespmem:s10+$0xFFFFFFE0] =	vst v5;
	v11 =	vmul.f32 v17, v35  }
0x583: {  	[tilespmem:s15+$0x30] =	vst v7;
	v5 =	vmul.f32 v3, v28;
	v7 =	vadd.f32 v12, v24;
	v4 =	vmul.f32 v4, v10  }
0x584: {  	[tilespmem:s9+$0x20] =	vst v14;
	v0 =	vmul.f32 v0, v31;
	v6 =	vadd.f32 v6, v26;
	v11 =	vadd.f32 v11, v23  }
0x585: {  	v5 =	vmul.f32 v5, v20;
	[tilespmem:s10+$0xFFFFFFD0] =	vst v7;
	v7 =	vmul.f32 v3, v59;
	v4 =	vadd.f32 $1.500000000e+00, v4  }
0x586: {  	v0 =	vadd.f32 v0, v25;
	[tilespmem:s10+$0xFFFFFFC0] =	vst v11;
	v11 =	vmul.f32 v3, v32;
	v3 =	vmul.f32 v3, v57  }
0x587: {  	v8 =	vadd.f32 v8, v24;
	[tilespmem:s10+$0xFFFFFFF0] =	vst v6;
	v6 =	vmul.f32 v7, v35;
	v4 =	vmul.f32 v4, v10  }
0x588: {  	v13 =	vmul.f32 v16, v35;
	[tilespmem:s15+$0x20] =	vst v0;
	v0 =	vadd.f32 v5, v24;
	v3 =	vmul.f32 v3, v22  }
0x589: {  	[tilespmem:s15+$0x10] =	vst v8;
	v7 =	vmul.f32 v11, v31;
	v6 =	vadd.f32 v6, v23;
	v2 =	vmul.f32 v4, v2  }
0x58a: {  	v9 =	vadd.f32 v13, v23;
	[tilespmem:s9+$0xFFFFFFD0] =	vst v0;
	v0 =	vadd.f32 v3, v26;
	v5 =	vmul.f32 v4, v51  }
0x58b: {  	[tilespmem:s9+$0xFFFFFFC0] =	vst v6;
	v6 =	vadd.f32 v7, v25;
	v7 =	vmul.f32 v4, v49;
	v2 =	vmul.f32 v2, v35  }
0x58c: {  	[tilespmem:s15+$0x0] =	vst v9;
	v1 =	vmul.f32 v4, v1;
	v3 =	vmul.f32 v5, v20  }
0x58d: {  	[tilespmem:s9+$0xFFFFFFF0] =	vst v0;
	v4 =	vmul.f32 v7, v31;
	v2 =	vadd.f32 v2, v23  }
0x58e: {  	[tilespmem:s9+$0xFFFFFFE0] =	vst v6;
	v1 =	vmul.f32 v1, v22;
	v0 =	vadd.f32 v3, v24  }
0x58f: {  	[tilespmem:s15+$0xFFFFFFC0] =	vst v2;
	v2 =	vadd.f32 v4, v25  }
0x590: {  	[tilespmem:s15+$0xFFFFFFD0] =	vst v0;
	v0 =	vadd.f32 v1, v26  }
0x591: {  	[tilespmem:s15+$0xFFFFFFE0] =	vst v2  }
0x592: {  	[tilespmem:s15+$0xFFFFFFF0] =	vst v0  }
0x593: {  	v2 =	vld [tilespmem:$0x1FFF0]  }
0x594: {  	v4 =	vld [tilespmem:$0x1FF20]  }
0x595: {  	v6 =	vld [tilespmem:$0x1FF60]  }
0x596: {  	v10 =	vld [tilespmem:$0x1FF40]  }
0x597: {  	v11 =	vld [tilespmem:$0x1FE80]  }
0x598: {  	s20 =	sadd.s32 $0x1, s20;
	v12 =	vld [tilespmem:$0x1FE60]  }
0x599: {  	p0 =	sne.s32 s20, $0x10;
	v13 =	vld [tilespmem:$0x1FF70]  }
.Ltmp5:
0x59a: {  	s21 =	sadd.s32 s6, s21;
	v14 =	vld [tilespmem:$0x1FF80];
	(pc) =	sbr.rel @p0 .LBB2_2-.Ltmp5, $4  }
0x59b: {  	s9 =	sshll.u32 s21, $0x3;
	v15 =	vld [tilespmem:$0x1FE40]  }
0x59c: {  	s9 =	sand.u32 $0x1FFFFF00, s9;
	v9 =	vld [tilespmem:$0x1FF50]  }
0x59d: {  	s19 =	sadd.s32 $0xC0, s19;
	s22 =	sadd.s32 s4, s9;
	v37 =	vld [tilespmem:$0x1FF30]  }
0x59e: {  	v0 =	vlaneseq.u32;
	[hbm4b:s22+s5] =	stream.linear.scatter [tilespmem:s0], [sflag:$0x4], $0x1800, $0x38;
	v38 =	vld [tilespmem:$0x1FF10]  }
0x59f: {  	_ =	swait.ge [sflag:s1], $0x1800  }
0x5a0: {  	[sflag:s1] =	ssyncset.done $0x0  }
0x5a1: {  	[sflag:s1] =	ssyncadd.s32 $0xFFFFE800  }
0x5a2: {  	_ =	swait.ge [sflag:s2], $0x1800  }
0x5a3: {  	s3 =	sadd.s32 $0x1, s3;
	s8 =	rddreg [dreg:$0xc]  }
0x5a4: {  	p0 =	sne.s32 s3, s8  }
.Ltmp6:
0x5a5: {  	_ = 	snop;
	(pc) =	sbr.rel @p0 .LBB2_1-.Ltmp6, $3  }
0x5a6: {  	_ =	sdelay $0x1  }
0x5a7: {  	[sflag:s2] =	ssyncset.done $0x0  }
0x5a8: {  	[sflag:s2] =	ssyncadd.s32 $0xFFFFE800  }
0x5a9: {  	_ =	sfence.sel $0x180000  }
0x5aa: {  	[bflag:$0x0] =	sbarrier.arrive $0xFFFF  }
0x5ab: {  	_ =	strace $0x90000047  }
0x5ac: {  	s0 =	stileid.u32;
	[bflag:$0x2] =	sbarrier.arrive $0xFFFF  }
0x5ad: {  	p0 =	sne.s32 s0, $0x0;
	s0 =	rddreg [dreg:$0x4]  }
0x5ae: {  	s0 =	sadd.s32 @!p0 $0x100000, s0  }
0x5af: {  	[sflag:s0] =	ssyncadd.tile.s32 @!p0 $0x1;
	_ =	shalt  }
.Lfunc_end2:
_tile_overlayer_lowered:
.L_overlay_start_2:
0x5b0: {  	(tag) =	ssettag $0x2  }
0x5b1: {  	s0 =	rddreg [dreg:$0x0];
	s2 =	stileid.u32  }
0x5b2: {  	s1 =	rddreg [dreg:$0x1];
	p0 =	sne.s32 s2, $0x0  }
0x5b3: {  	s3 =	rddreg [dreg:$0x2];
	[bflag:$0x3] =	sbarrier.arrive $0xFFFF;
	s2 =	simm.s32 @!p0 $0x1C05  }
0x5b4: {  	[timem:s3], [sflag:s2] =	dma.local @!p0 [hbm:s0], s1  }
0x5b5: {  	s0 =	simm.s32 @!p0 $0x5  }
0x5b6: {  	_ =	swait.ge @!p0 [sflag:s0], s1  }
0x5b7: {  	s1 =	ssub.s32 @!p0 $0x0, s1;
	[sflag:s0] =	ssyncset.done @!p0 $0x0  }
0x5b8: {  	[sflag:s0] =	ssyncadd.s32 @!p0 s1  }
0x5b9: {  	[bflag:$0x3] =	sbarrier.arrive $0xFFFF  }
0x5ba: {  	_ =	shalt  }

</sc_bundles>
